<compile_context>
chip_gen: v7x
topology: tpu7x:2x2x1
jax: 0.10.2.dev20260603
libtpu: 0.0.44.dev20260713+nightly
codegen_flags: <defaults>
</compile_context>

<pallas_src>
import functools

import numpy as np
import jax
import jax.numpy as jnp
from jax.experimental import pallas as pl
from jax.experimental.pallas import tpu as pltpu
from jax.experimental.pallas import tpu_sc as plsc

_B, _N, _C, _P, _NS = 16, 1024, 256, 256, 16
_R2 = np.float32(0.3 ** 2)
_DIRF = np.float32(np.pi / 12.0)
_HI = jax.lax.Precision.HIGHEST
_DEF = jax.lax.Precision.DEFAULT


def _vote_body(sf_ref, spt_ref, wv1, bv1, wv2, bv2, wv3o, bv3o, wv3f, bv3f,
               ws1ft, ws1xt, bs1r, vp_ref, qt_ref):
    sf = sf_ref[0]
    spt = spt_ref[0]
    h = jnp.maximum(jnp.dot(wv1[...], sf, precision=_DEF) + bv1[...], 0.0)
    h = jnp.maximum(jnp.dot(wv2[...], h, precision=_DEF) + bv2[...], 0.0)
    off = jnp.dot(wv3o[...], h, precision=_DEF) + bv3o[...]
    feat = jnp.dot(wv3f[...], h, precision=_DEF) + bv3f[...]
    vp = spt + off
    vf = sf + feat
    vp_ref[0] = vp
    qt = jax.lax.dot_general(vf, ws1ft[...], (((0,), (0,)), ((), ())),
                             precision=_DEF)
    qt = qt + jax.lax.dot_general(vp, ws1xt[...], (((0,), (0,)), ((), ())),
                                  precision=_DEF)
    qt_ref[0] = qt + bs1r[...]


def _fps_body(vp_ref, rk_ref, dist_ref, rkv_ref):
    px = vp_ref[:, 0, :]
    py = vp_ref[:, 1, :]
    pz = vp_ref[:, 2, :]
    lanes = jax.lax.broadcasted_iota(jnp.int32, (_B, _N), 1)
    dist_ref[...] = jnp.full((_B, _N), 1e10, jnp.float32)
    rkv_ref[...] = jnp.full((_B, _N), 1 << 30, jnp.int32)
    last0 = jnp.min(lanes, axis=1, keepdims=True)

    def body(i, last):
        mask = lanes == last
        rkv_ref[...] = jnp.where(mask, i, rkv_ref[...])
        lx = jnp.sum(jnp.where(mask, px, 0.0), axis=1, keepdims=True)
        ly = jnp.sum(jnp.where(mask, py, 0.0), axis=1, keepdims=True)
        lz = jnp.sum(jnp.where(mask, pz, 0.0), axis=1, keepdims=True)
        d = ((px - lx) ** 2 + (py - ly) ** 2) + (pz - lz) ** 2
        dist = jnp.minimum(dist_ref[...], d)
        dist_ref[...] = dist
        m = jnp.max(dist, axis=1, keepdims=True)
        return jnp.min(jnp.where(dist == m, lanes, _N), axis=1, keepdims=True)

    last = jax.lax.fori_loop(0, _P - 1, body, last0, unroll=5)
    rk_ref[:, 0, :] = jnp.where(lanes == last, _P - 1, rkv_ref[...])


def _knn_body(boff, vp_ref, rk_ref, selg_ref, nxyz_ref):
    b = pl.program_id(0) + boff
    px = vp_ref[0, 0:1, :]
    py = vp_ref[0, 1:2, :]
    pz = vp_ref[0, 2:3, :]
    rk = rk_ref[0]
    pidx = jax.lax.broadcasted_iota(jnp.int32, (_P, 1), 0)
    S = rk == pidx
    nx = jnp.sum(jnp.where(S, px, 0.0), axis=1, keepdims=True)
    ny = jnp.sum(jnp.where(S, py, 0.0), axis=1, keepdims=True)
    nz = jnp.sum(jnp.where(S, pz, 0.0), axis=1, keepdims=True)
    d2 = ((nx - px) ** 2 + (ny - py) ** 2) + (nz - pz) ** 2

    lanes = jax.lax.broadcasted_iota(jnp.int32, (_P, _N), 1)
    v = d2
    idx0 = None
    cols = []
    for s in range(_NS):
        m = jnp.min(v, axis=1, keepdims=True)
        idx = jnp.min(jnp.where(v == m, lanes, _N), axis=1, keepdims=True)
        if s == 0:
            idx0 = idx
        cols.append(jnp.where(m < _R2, idx, idx0))
        v = jnp.where(lanes == idx, jnp.inf, v)
    selg_ref[0] = jnp.concatenate(cols, axis=1) + b * _N
    nxyz_ref[0] = jnp.concatenate([nx, ny, nz], axis=1)


def _sc_gather_body(rpw, table_hbm, idx_hbm, out_hbm, idxs_v,
                    r0, r1, r2, r3, gsem, wsem):
    wid = jax.lax.axis_index("s") * 2 + jax.lax.axis_index("c")
    base = wid * rpw
    nw = rpw // 512
    pltpu.sync_copy(idx_hbm.at[pl.ds(base, rpw)], idxs_v)
    bufs = (r0, r1, r2, r3)

    def gather(ch, k):
        return pltpu.async_copy(
            table_hbm.at[idxs_v.at[pl.ds(ch * 128, 128)]], bufs[k], gsem)

    cur_g = [gather(k, k) for k in range(4)]
    cur_w = [None] * 4
    for w in range(nw):
        for k in range(4):
            cur_g[k].wait()
            cur_w[k] = pltpu.async_copy(
                bufs[k], out_hbm.at[pl.ds(base + (w * 4 + k) * 128, 128)],
                wsem)
        if w + 1 < nw:
            for k in range(4):
                cur_w[k].wait()
                cur_g[k] = gather((w + 1) * 4 + k, k)
    for k in range(4):
        cur_w[k].wait()


def _sc_gather(table, idx):
    n = idx.shape[0]
    rpw = n // 32
    run = pl.kernel(
        functools.partial(_sc_gather_body, rpw),
        out_type=jax.ShapeDtypeStruct((n, 128), jnp.float32),
        mesh=plsc.VectorSubcoreMesh(core_axis_name="c", subcore_axis_name="s"),
        scratch_types=[
            pltpu.VMEM((rpw,), jnp.int32),
            pltpu.VMEM((128, 128), jnp.float32),
            pltpu.VMEM((128, 128), jnp.float32),
            pltpu.VMEM((128, 128), jnp.float32),
            pltpu.VMEM((128, 128), jnp.float32),
            pltpu.SemaphoreType.DMA,
            pltpu.SemaphoreType.DMA,
        ],
    )
    return run(table, idx)


def _head_body(g_ref, nxyz_ref, ws1xt, ws2t, bs2r, ws3t, bs3r,
               wp1t, bp1r, wp2t, bp2r, wct, bcr, wrt, brr, meanf, out_ref):
    nxyz = nxyz_ref[0]
    nx = nxyz[:, 0:1]
    ny = nxyz[:, 1:2]
    nz = nxyz[:, 2:3]
    w3 = ws1xt[...]
    cx = nx * w3[0:1, :] + ny * w3[1:2, :] + nz * w3[2:3, :]

    rows = []
    for c in range(8):
        gc = g_ref[0, c * 512:(c + 1) * 512, :]
        cxe = jnp.reshape(
            jnp.broadcast_to(
                jnp.reshape(cx[c * 32:(c + 1) * 32, :], (32, 1, 128)),
                (32, _NS, 128)),
            (512, 128))
        z = jnp.maximum(gc - cxe, 0.0)
        z = jnp.maximum(jnp.dot(z, ws2t[...], precision=_DEF) + bs2r[...], 0.0)
        z = jnp.maximum(jnp.dot(z, ws3t[...], precision=_DEF) + bs3r[...], 0.0)
        rows.append(jnp.max(jnp.reshape(z, (32, _NS, 128)), axis=1))
    feats = jnp.concatenate(rows, axis=0)

    h2 = jnp.maximum(jnp.dot(feats, wp1t[...], precision=_DEF) + bp1r[...], 0.0)
    h2 = jnp.maximum(jnp.dot(h2, wp2t[...], precision=_DEF) + bp2r[...], 0.0)
    cls = jnp.dot(h2, wct[...], precision=_DEF) + bcr[...]
    reg = jnp.dot(h2, wrt[...], precision=_DEF) + brr[...]
    center = nxyz + reg[:, 0:3]
    out = jnp.concatenate([
        cls[:, 0:2], cls[:, 2:12], center, reg[:, 3:15],
        reg[:, 15:27] * _DIRF, reg[:, 27:37],
        reg[:, 37:67] * meanf[...],
    ], axis=1)
    out_ref[0] = out


def _full(shape):
    nd = len(shape)
    return pl.BlockSpec(shape, lambda b, _n=nd: (0,) * _n)


def kernel(seed_points, seed_features, seed_indices, Wv1, bv1, Wv2, bv2,
           Wv3, bv3, Ws1, bs1, Ws2, bs2, Ws3, bs3, Wp1, bp1, Wp2, bp2,
           Wc, bc, Wr, br, mean_sizes):
    f32 = jnp.float32
    spt = jnp.transpose(seed_points, (0, 2, 1))
    wv3o, wv3f = Wv3[:3], Wv3[3:]
    bv3o, bv3f = bv3[:3].reshape(3, 1), bv3[3:].reshape(_C, 1)
    ws1xt = jnp.transpose(Ws1[:, :3])
    ws1ft = jnp.transpose(Ws1[:, 3:])

    vp, qt = pl.pallas_call(
        _vote_body,
        grid=(_B,),
        in_specs=[
            pl.BlockSpec((1, _C, _N), lambda b: (b, 0, 0)),
            pl.BlockSpec((1, 3, _N), lambda b: (b, 0, 0)),
            _full((_C, _C)), _full((_C, 1)),
            _full((_C, _C)), _full((_C, 1)),
            _full((3, _C)), _full((3, 1)),
            _full((_C, _C)), _full((_C, 1)),
            _full((_C, 128)), _full((3, 128)), _full((1, 128)),
        ],
        out_specs=[
            pl.BlockSpec((1, 3, _N), lambda b: (b, 0, 0)),
            pl.BlockSpec((1, _N, 128), lambda b: (b, 0, 0)),
        ],
        out_shape=[
            jax.ShapeDtypeStruct((_B, 3, _N), f32),
            jax.ShapeDtypeStruct((_B, _N, 128), f32),
        ],
        compiler_params=pltpu.CompilerParams(
            dimension_semantics=("parallel",)),
    )(seed_features, spt, Wv1, bv1.reshape(_C, 1), Wv2, bv2.reshape(_C, 1),
      wv3o, bv3o, wv3f, bv3f, ws1ft, ws1xt, bs1.reshape(1, 128))

    rk = pl.pallas_call(
        _fps_body,
        out_shape=jax.ShapeDtypeStruct((_B, 1, _N), jnp.int32),
        scratch_shapes=[
            pltpu.VMEM((_B, _N), jnp.float32),
            pltpu.VMEM((_B, _N), jnp.int32),
        ],
    )(vp)

    table = qt.reshape(_B * _N, 128)
    hw = _B // 2

    def knn_half(boff):
        return pl.pallas_call(
            functools.partial(_knn_body, boff),
            grid=(hw,),
            in_specs=[
                pl.BlockSpec((1, 3, _N), lambda b, _o=boff: (b + _o, 0, 0)),
                pl.BlockSpec((1, 1, _N), lambda b, _o=boff: (b + _o, 0, 0)),
            ],
            out_specs=[
                pl.BlockSpec((1, _P, _NS), lambda b: (b, 0, 0)),
                pl.BlockSpec((1, _P, 3), lambda b: (b, 0, 0)),
            ],
            out_shape=[
                jax.ShapeDtypeStruct((hw, _P, _NS), jnp.int32),
                jax.ShapeDtypeStruct((hw, _P, 3), f32),
            ],
            compiler_params=pltpu.CompilerParams(
                dimension_semantics=("arbitrary",)),
        )(vp, rk)

    def head_half(g, nxyz):
        return pl.pallas_call(
            _head_body,
            grid=(hw,),
            in_specs=[
                pl.BlockSpec((1, _P * _NS, 128), lambda b: (b, 0, 0)),
                pl.BlockSpec((1, _P, 3), lambda b: (b, 0, 0)),
                _full((3, 128)),
                _full((128, 128)), _full((1, 128)),
                _full((128, 128)), _full((1, 128)),
                _full((128, 128)), _full((1, 128)),
                _full((128, 128)), _full((1, 128)),
                _full((128, 12)), _full((1, 12)),
                _full((128, 67)), _full((1, 67)),
                _full((1, 30)),
            ],
            out_specs=[pl.BlockSpec((1, _P, 79), lambda b: (b, 0, 0))],
            out_shape=[jax.ShapeDtypeStruct((hw, _P, 79), f32)],
            compiler_params=pltpu.CompilerParams(
                dimension_semantics=("arbitrary",)),
        )(g, nxyz, ws1xt,
          jnp.transpose(Ws2), bs2.reshape(1, 128),
          jnp.transpose(Ws3), bs3.reshape(1, 128),
          jnp.transpose(Wp1), bp1.reshape(1, 128),
          jnp.transpose(Wp2), bp2.reshape(1, 128),
          jnp.transpose(Wc), bc.reshape(1, 12),
          jnp.transpose(Wr), br.reshape(1, 67),
          mean_sizes.reshape(1, 30))[0]

    selg0, nxyz0 = knn_half(0)
    g0 = _sc_gather(table, selg0.reshape(hw * _P * _NS))
    selg1, nxyz1 = knn_half(hw)
    g1 = _sc_gather(table, selg1.reshape(hw * _P * _NS))
    out0 = head_half(g0.reshape(hw, _P * _NS, 128), nxyz0)
    out1 = head_half(g1.reshape(hw, _P * _NS, 128), nxyz1)
    return jnp.concatenate([out0, out1], axis=0)

# --- scband reference (transcript-rebuilt; emitter-appended) ---
"""Pipeline reference for scband-vote-head-71219147702534 (READ-ONLY COPY).

The authoritative reference and input builder live on the scoring server;
editing this copy changes nothing except your own understanding.
"""

import jax, jax.numpy as jnp
import numpy as np

B, N, C, P, NS = 16, 1024, 256, 256, 16
NUM_CLASSES = 10; NUM_DIR = 12; NUM_SIZES = 10
RADIUS = 0.3
CIN = 3 + C

def setup_inputs(seed: int = 0):
    key = jax.random.key(seed)
    ks = jax.random.split(key, 16)
    def w(k, shape):
        return jax.random.normal(k, shape, dtype=jnp.float32) * 0.05
    inp = {}
    inp['seed_points'] = jax.random.uniform(ks[0], (B, N, 3), dtype=jnp.float32)
    inp['seed_features'] = jax.random.normal(ks[1], (B, C, N), dtype=jnp.float32)
    inp['seed_indices'] = jax.random.randint(ks[2], (B, N), 0, 20000)
    inp['Wv1'] = w(ks[3], (C, C)); inp['bv1'] = jnp.zeros((C,), jnp.float32)
    inp['Wv2'] = w(ks[4], (C, C)); inp['bv2'] = jnp.zeros((C,), jnp.float32)
    inp['Wv3'] = w(ks[5], (CIN, C)); inp['bv3'] = jnp.zeros((CIN,), jnp.float32)
    inp['Ws1'] = w(ks[6], (128, CIN)); inp['bs1'] = jnp.zeros((128,), jnp.float32)
    inp['Ws2'] = w(ks[7], (128, 128)); inp['bs2'] = jnp.zeros((128,), jnp.float32)
    inp['Ws3'] = w(ks[8], (128, 128)); inp['bs3'] = jnp.zeros((128,), jnp.float32)
    inp['Wp1'] = w(ks[9], (128, 128)); inp['bp1'] = jnp.zeros((128,), jnp.float32)
    inp['Wp2'] = w(ks[10], (128, 128)); inp['bp2'] = jnp.zeros((128,), jnp.float32)
    cls_out = NUM_CLASSES + 2; reg_out = 3 + NUM_DIR * 2 + NUM_SIZES * 4
    inp['Wc'] = w(ks[11], (cls_out, 128)); inp['bc'] = jnp.zeros((cls_out,), jnp.float32)
    inp['Wr'] = w(ks[12], (reg_out, 128)); inp['br'] = jnp.zeros((reg_out,), jnp.float32)
    inp['mean_sizes'] = jnp.abs(w(ks[13], (NUM_SIZES, 3))) + 0.5
    return inp

def _fps(xyz, npoint):
    def single(pts):
        n = pts.shape[0]
        dist = jnp.full((n,), 1e10, jnp.float32)
        idxs = jnp.zeros((npoint,), jnp.int32)
        def body(i, st):
            dist, idxs = st
            last = pts[idxs[i]]
            d = jnp.sum((pts - last) ** 2, -1)
            dist = jnp.minimum(dist, d)
            return dist, idxs.at[i + 1].set(jnp.argmax(dist).astype(jnp.int32))
        dist, idxs = jax.lax.fori_loop(0, npoint - 1, body, (dist, idxs))
        return idxs
    return jax.vmap(single)(xyz)

def _gather(p, i):
    return jax.vmap(lambda a, b: a[b])(p, i)

def _forward(seed_points, seed_features, Wv1, bv1, Wv2, bv2, Wv3, bv3, Ws1, bs1, Ws2, bs2, Ws3, bs3, Wp1, bp1, Wp2, bp2, Wc, bc, Wr, br, mean_sizes):
    # VoteModule: shared Conv1d MLP over seeds -> per-seed offset + residual features
    h = jax.nn.relu(jnp.einsum('oc,bcn->bon', Wv1, seed_features) + bv1[None, :, None])
    h = jax.nn.relu(jnp.einsum('oc,bcn->bon', Wv2, h) + bv2[None, :, None])
    out = jnp.einsum('oc,bcn->bon', Wv3, h) + bv3[None, :, None]
    offset = jnp.transpose(out[:, :3, :], (0, 2, 1))
    vote_points = seed_points + offset
    vote_features = seed_features + out[:, 3:, :]
    # Vote aggregation (PointSAModule, sample_mod='vote'): FPS + ball-query + PointNet
    sg_xyz = jax.lax.stop_gradient(vote_points)
    fps_idx = _fps(sg_xyz, P)
    new_xyz = _gather(vote_points, fps_idx)
    d2 = jnp.sum((jax.lax.stop_gradient(new_xyz)[:, :, None, :] - sg_xyz[:, None, :, :]) ** 2, -1)
    negd, knn_idx = jax.lax.top_k(-d2, NS)
    in_ball = (-negd) < RADIUS ** 2
    knn_idx = jnp.where(in_ball, knn_idx, knn_idx[:, :, :1])
    g_xyz = _gather(vote_points, knn_idx) - new_xyz[:, :, None, :]
    g_feat = _gather(jnp.transpose(vote_features, (0, 2, 1)), knn_idx)
    g = jnp.concatenate([g_xyz, g_feat], -1)
    g = jax.nn.relu(jnp.einsum('oc,bpnc->bpno', Ws1, g) + bs1)
    g = jax.nn.relu(jnp.einsum('oc,bpnc->bpno', Ws2, g) + bs2)
    g = jax.nn.relu(jnp.einsum('oc,bpnc->bpno', Ws3, g) + bs3)
    features = jnp.max(g, axis=2)
    # BaseConvBboxHead
    h2 = jax.nn.relu(features @ Wp1.T + bp1)
    h2 = jax.nn.relu(h2 @ Wp2.T + bp2)
    cls_pred = h2 @ Wc.T + bc
    reg_pred = h2 @ Wr.T + br
    # PartialBinBasedBBoxCoder.split_pred
    obj_scores = cls_pred[..., :2]
    sem_scores = cls_pred[..., 2:]
    center = new_xyz + reg_pred[..., :3]
    dir_class = reg_pred[..., 3:3 + NUM_DIR]
    dir_res = reg_pred[..., 3 + NUM_DIR:3 + 2 * NUM_DIR] * (np.pi / NUM_DIR)
    size_class = reg_pred[..., 3 + 2 * NUM_DIR:3 + 2 * NUM_DIR + NUM_SIZES]
    size_res_norm = reg_pred[..., 3 + 2 * NUM_DIR + NUM_SIZES:].reshape(B, P, NUM_SIZES, 3)
    size_res = size_res_norm * mean_sizes[None, None, :, :]
    return jnp.concatenate([obj_scores, sem_scores, center, dir_class, dir_res, size_class, size_res.reshape(B, P, NUM_SIZES * 3)], -1)

def reference(seed_points, seed_features, seed_indices, Wv1, bv1, Wv2, bv2, Wv3, bv3, Ws1, bs1, Ws2, bs2, Ws3, bs3, Wp1, bp1, Wp2, bp2, Wc, bc, Wr, br, mean_sizes):
    return _forward(seed_points, seed_features, Wv1, bv1, Wv2, bv2, Wv3, bv3, Ws1, bs1, Ws2, bs2, Ws3, bs3, Wp1, bp1, Wp2, bp2, Wc, bc, Wr, br, mean_sizes)

if __name__ == "__main__":
    import jax
    _d = setup_inputs()
    print(jax.jit(kernel)(*tuple(_d.values())))

</pallas_src>

<mosaic_0001>
#map = affine_map<(d0, d1) -> (0, 0)>
#map1 = affine_map<(d0, d1) -> (0)>
module attributes {stable_mosaic.version = 14 : i64} {
  func.func @_sc_gather_body(%arg0: i32, %arg1: i32, %arg2: memref<16384x128xf32, #tpu.memory_space<hbm>>, %arg3: memref<32768xi32, #tpu.memory_space<hbm>>, %arg4: memref<32768x128xf32, #tpu.memory_space<hbm>>, %arg5: memref<1024xi32, #tpu.memory_space<vmem>>, %arg6: memref<128x128xf32, #tpu.memory_space<vmem>>, %arg7: memref<128x128xf32, #tpu.memory_space<vmem>>, %arg8: memref<128x128xf32, #tpu.memory_space<vmem>>, %arg9: memref<128x128xf32, #tpu.memory_space<vmem>>, %arg10: memref<!tpu.dma_semaphore, #tpu.memory_space<semaphore_mem>>, %arg11: memref<!tpu.dma_semaphore, #tpu.memory_space<semaphore_mem>>) attributes {dimension_semantics = [#tpu.dimension_semantics<core_parallel>, #tpu.dimension_semantics<subcore_parallel>], iteration_bounds = array<i64: 2, 16>, scalar_prefetch = 0 : i64, scratch_operands = 7 : i64, tpu.core_type = #tpu.core_type<sc_vector_subcore>, window_params = [{transform_indices = #map}, {transform_indices = #map1}, {transform_indices = #map}]} {
    %mul3A = arith.constant 2 : i32
    %mul3A_0 = arith.muli %arg1, %mul3A : i32
    %add3A = arith.addi %mul3A_0, %arg0 : i32
    %mul3A_1 = arith.constant 1024 : i32
    %mul3A_2 = arith.muli %add3A, %mul3A_1 : i32
    "tpu.region"() ({
      %run_scoped3A = tpu.sem_alloc : memref<!tpu.dma_semaphore, #tpu.memory_space<semaphore_mem>>
      %dma_start3A_161 = tpu.memref_slice %arg3[%mul3A_2] : memref<32768xi32, #tpu.memory_space<hbm>> -> memref<1024xi32, #tpu.memory_space<hbm>>
      %dma_start3A_162 = tpu.memref_slice %arg3[%mul3A_2] : memref<32768xi32, #tpu.memory_space<hbm>> -> memref<1024xi32, #tpu.memory_space<hbm>>
      tpu.enqueue_dma source(%dma_start3A_162 : memref<1024xi32, #tpu.memory_space<hbm>>) target(%arg5 : memref<1024xi32, #tpu.memory_space<vmem>>) target_semaphore(%run_scoped3A : memref<!tpu.dma_semaphore, #tpu.memory_space<semaphore_mem>>)
      %dma_wait3A_163 = tpu.memref_slice %arg3[%mul3A_2] : memref<32768xi32, #tpu.memory_space<hbm>> -> memref<1024xi32, #tpu.memory_space<hbm>>
      %dma_wait3A_164 = tpu.memref_slice %arg3[%mul3A_2] : memref<32768xi32, #tpu.memory_space<hbm>> -> memref<1024xi32, #tpu.memory_space<hbm>>
      tpu.wait_dma2 semaphore(%run_scoped3A : memref<!tpu.dma_semaphore, #tpu.memory_space<semaphore_mem>>) src(%dma_wait3A_164 : memref<1024xi32, #tpu.memory_space<hbm>>) dst(%arg5 : memref<1024xi32, #tpu.memory_space<vmem>>)
      tpu.yield
    }) : () -> ()
    %dma_start3A = arith.constant 0 : i32
    %dma_start3A_3 = tpu.memref_slice %arg5[%dma_start3A] : memref<1024xi32, #tpu.memory_space<vmem>> -> memref<128xi32, #tpu.memory_space<vmem>>
    %dma_start3A_4 = arith.constant 0 : i32
    %dma_start3A_5 = arith.constant 0 : i32
    %dma_start3A_6 = tpu.memref_slice %arg2[%dma_start3A_4, %dma_start3A_5] : memref<16384x128xf32, #tpu.memory_space<hbm>> -> memref<16384x128xf32, #tpu.memory_space<hbm>>
    tpu.enqueue_indirect_dma source(%dma_start3A_6 : memref<16384x128xf32, #tpu.memory_space<hbm>>) target(%arg6 : memref<128x128xf32, #tpu.memory_space<vmem>>) offsets(%dma_start3A_3 : memref<128xi32, #tpu.memory_space<vmem>>) semaphore(%arg10 : memref<!tpu.dma_semaphore, #tpu.memory_space<semaphore_mem>>)
    %dma_start3A_7 = arith.constant 128 : i32
    %dma_start3A_8 = tpu.memref_slice %arg5[%dma_start3A_7] : memref<1024xi32, #tpu.memory_space<vmem>> -> memref<128xi32, #tpu.memory_space<vmem>>
    %dma_start3A_9 = arith.constant 0 : i32
    %dma_start3A_10 = arith.constant 0 : i32
    %dma_start3A_11 = tpu.memref_slice %arg2[%dma_start3A_9, %dma_start3A_10] : memref<16384x128xf32, #tpu.memory_space<hbm>> -> memref<16384x128xf32, #tpu.memory_space<hbm>>
    tpu.enqueue_indirect_dma source(%dma_start3A_11 : memref<16384x128xf32, #tpu.memory_space<hbm>>) target(%arg7 : memref<128x128xf32, #tpu.memory_space<vmem>>) offsets(%dma_start3A_8 : memref<128xi32, #tpu.memory_space<vmem>>) semaphore(%arg10 : memref<!tpu.dma_semaphore, #tpu.memory_space<semaphore_mem>>)
    %dma_start3A_12 = arith.constant 256 : i32
    %dma_start3A_13 = tpu.memref_slice %arg5[%dma_start3A_12] : memref<1024xi32, #tpu.memory_space<vmem>> -> memref<128xi32, #tpu.memory_space<vmem>>
    %dma_start3A_14 = arith.constant 0 : i32
    %dma_start3A_15 = arith.constant 0 : i32
    %dma_start3A_16 = tpu.memref_slice %arg2[%dma_start3A_14, %dma_start3A_15] : memref<16384x128xf32, #tpu.memory_space<hbm>> -> memref<16384x128xf32, #tpu.memory_space<hbm>>
    tpu.enqueue_indirect_dma source(%dma_start3A_16 : memref<16384x128xf32, #tpu.memory_space<hbm>>) target(%arg8 : memref<128x128xf32, #tpu.memory_space<vmem>>) offsets(%dma_start3A_13 : memref<128xi32, #tpu.memory_space<vmem>>) semaphore(%arg10 : memref<!tpu.dma_semaphore, #tpu.memory_space<semaphore_mem>>)
    %dma_start3A_17 = arith.constant 384 : i32
    %dma_start3A_18 = tpu.memref_slice %arg5[%dma_start3A_17] : memref<1024xi32, #tpu.memory_space<vmem>> -> memref<128xi32, #tpu.memory_space<vmem>>
    %dma_start3A_19 = arith.constant 0 : i32
    %dma_start3A_20 = arith.constant 0 : i32
    %dma_start3A_21 = tpu.memref_slice %arg2[%dma_start3A_19, %dma_start3A_20] : memref<16384x128xf32, #tpu.memory_space<hbm>> -> memref<16384x128xf32, #tpu.memory_space<hbm>>
    tpu.enqueue_indirect_dma source(%dma_start3A_21 : memref<16384x128xf32, #tpu.memory_space<hbm>>) target(%arg9 : memref<128x128xf32, #tpu.memory_space<vmem>>) offsets(%dma_start3A_18 : memref<128xi32, #tpu.memory_space<vmem>>) semaphore(%arg10 : memref<!tpu.dma_semaphore, #tpu.memory_space<semaphore_mem>>)
    %dma_wait3A = arith.constant 0 : i32
    %dma_wait3A_22 = tpu.memref_slice %arg5[%dma_wait3A] : memref<1024xi32, #tpu.memory_space<vmem>> -> memref<128xi32, #tpu.memory_space<vmem>>
    %dma_wait3A_23 = arith.constant 0 : i32
    %dma_wait3A_24 = arith.constant 0 : i32
    %dma_wait3A_25 = tpu.memref_slice %arg2[%dma_wait3A_23, %dma_wait3A_24] : memref<16384x128xf32, #tpu.memory_space<hbm>> -> memref<16384x128xf32, #tpu.memory_space<hbm>>
    tpu.wait_indirect_dma semaphore(%arg10 : memref<!tpu.dma_semaphore, #tpu.memory_space<semaphore_mem>>) src(%dma_wait3A_25 : memref<16384x128xf32, #tpu.memory_space<hbm>>) dst(%arg6 : memref<128x128xf32, #tpu.memory_space<vmem>>)
    %add3A_26 = arith.constant 0 : i32
    %add3A_27 = arith.addi %mul3A_2, %add3A_26 : i32
    %dma_start3A_28 = arith.constant 0 : i32
    %dma_start3A_29 = tpu.memref_slice %arg4[%add3A_27, %dma_start3A_28] : memref<32768x128xf32, #tpu.memory_space<hbm>> -> memref<128x128xf32, #tpu.memory_space<hbm>>
    %dma_start3A_30 = arith.constant 0 : i32
    %dma_start3A_31 = tpu.memref_slice %arg4[%add3A_27, %dma_start3A_30] : memref<32768x128xf32, #tpu.memory_space<hbm>> -> memref<128x128xf32, #tpu.memory_space<hbm>>
    tpu.enqueue_dma source(%arg6 : memref<128x128xf32, #tpu.memory_space<vmem>>) target(%dma_start3A_31 : memref<128x128xf32, #tpu.memory_space<hbm>>) target_semaphore(%arg11 : memref<!tpu.dma_semaphore, #tpu.memory_space<semaphore_mem>>)
    %dma_wait3A_32 = arith.constant 128 : i32
    %dma_wait3A_33 = tpu.memref_slice %arg5[%dma_wait3A_32] : memref<1024xi32, #tpu.memory_space<vmem>> -> memref<128xi32, #tpu.memory_space<vmem>>
    %dma_wait3A_34 = arith.constant 0 : i32
    %dma_wait3A_35 = arith.constant 0 : i32
    %dma_wait3A_36 = tpu.memref_slice %arg2[%dma_wait3A_34, %dma_wait3A_35] : memref<16384x128xf32, #tpu.memory_space<hbm>> -> memref<16384x128xf32, #tpu.memory_space<hbm>>
    tpu.wait_indirect_dma semaphore(%arg10 : memref<!tpu.dma_semaphore, #tpu.memory_space<semaphore_mem>>) src(%dma_wait3A_36 : memref<16384x128xf32, #tpu.memory_space<hbm>>) dst(%arg7 : memref<128x128xf32, #tpu.memory_space<vmem>>)
    %add3A_37 = arith.constant 128 : i32
    %add3A_38 = arith.addi %mul3A_2, %add3A_37 : i32
    %dma_start3A_39 = arith.constant 0 : i32
    %dma_start3A_40 = tpu.memref_slice %arg4[%add3A_38, %dma_start3A_39] : memref<32768x128xf32, #tpu.memory_space<hbm>> -> memref<128x128xf32, #tpu.memory_space<hbm>>
    %dma_start3A_41 = arith.constant 0 : i32
    %dma_start3A_42 = tpu.memref_slice %arg4[%add3A_38, %dma_start3A_41] : memref<32768x128xf32, #tpu.memory_space<hbm>> -> memref<128x128xf32, #tpu.memory_space<hbm>>
    tpu.enqueue_dma source(%arg7 : memref<128x128xf32, #tpu.memory_space<vmem>>) target(%dma_start3A_42 : memref<128x128xf32, #tpu.memory_space<hbm>>) target_semaphore(%arg11 : memref<!tpu.dma_semaphore, #tpu.memory_space<semaphore_mem>>)
    %dma_wait3A_43 = arith.constant 256 : i32
    %dma_wait3A_44 = tpu.memref_slice %arg5[%dma_wait3A_43] : memref<1024xi32, #tpu.memory_space<vmem>> -> memref<128xi32, #tpu.memory_space<vmem>>
    %dma_wait3A_45 = arith.constant 0 : i32
    %dma_wait3A_46 = arith.constant 0 : i32
    %dma_wait3A_47 = tpu.memref_slice %arg2[%dma_wait3A_45, %dma_wait3A_46] : memref<16384x128xf32, #tpu.memory_space<hbm>> -> memref<16384x128xf32, #tpu.memory_space<hbm>>
    tpu.wait_indirect_dma semaphore(%arg10 : memref<!tpu.dma_semaphore, #tpu.memory_space<semaphore_mem>>) src(%dma_wait3A_47 : memref<16384x128xf32, #tpu.memory_space<hbm>>) dst(%arg8 : memref<128x128xf32, #tpu.memory_space<vmem>>)
    %add3A_48 = arith.constant 256 : i32
    %add3A_49 = arith.addi %mul3A_2, %add3A_48 : i32
    %dma_start3A_50 = arith.constant 0 : i32
    %dma_start3A_51 = tpu.memref_slice %arg4[%add3A_49, %dma_start3A_50] : memref<32768x128xf32, #tpu.memory_space<hbm>> -> memref<128x128xf32, #tpu.memory_space<hbm>>
    %dma_start3A_52 = arith.constant 0 : i32
    %dma_start3A_53 = tpu.memref_slice %arg4[%add3A_49, %dma_start3A_52] : memref<32768x128xf32, #tpu.memory_space<hbm>> -> memref<128x128xf32, #tpu.memory_space<hbm>>
    tpu.enqueue_dma source(%arg8 : memref<128x128xf32, #tpu.memory_space<vmem>>) target(%dma_start3A_53 : memref<128x128xf32, #tpu.memory_space<hbm>>) target_semaphore(%arg11 : memref<!tpu.dma_semaphore, #tpu.memory_space<semaphore_mem>>)
    %dma_wait3A_54 = arith.constant 384 : i32
    %dma_wait3A_55 = tpu.memref_slice %arg5[%dma_wait3A_54] : memref<1024xi32, #tpu.memory_space<vmem>> -> memref<128xi32, #tpu.memory_space<vmem>>
    %dma_wait3A_56 = arith.constant 0 : i32
    %dma_wait3A_57 = arith.constant 0 : i32
    %dma_wait3A_58 = tpu.memref_slice %arg2[%dma_wait3A_56, %dma_wait3A_57] : memref<16384x128xf32, #tpu.memory_space<hbm>> -> memref<16384x128xf32, #tpu.memory_space<hbm>>
    tpu.wait_indirect_dma semaphore(%arg10 : memref<!tpu.dma_semaphore, #tpu.memory_space<semaphore_mem>>) src(%dma_wait3A_58 : memref<16384x128xf32, #tpu.memory_space<hbm>>) dst(%arg9 : memref<128x128xf32, #tpu.memory_space<vmem>>)
    %add3A_59 = arith.constant 384 : i32
    %add3A_60 = arith.addi %mul3A_2, %add3A_59 : i32
    %dma_start3A_61 = arith.constant 0 : i32
    %dma_start3A_62 = tpu.memref_slice %arg4[%add3A_60, %dma_start3A_61] : memref<32768x128xf32, #tpu.memory_space<hbm>> -> memref<128x128xf32, #tpu.memory_space<hbm>>
    %dma_start3A_63 = arith.constant 0 : i32
    %dma_start3A_64 = tpu.memref_slice %arg4[%add3A_60, %dma_start3A_63] : memref<32768x128xf32, #tpu.memory_space<hbm>> -> memref<128x128xf32, #tpu.memory_space<hbm>>
    tpu.enqueue_dma source(%arg9 : memref<128x128xf32, #tpu.memory_space<vmem>>) target(%dma_start3A_64 : memref<128x128xf32, #tpu.memory_space<hbm>>) target_semaphore(%arg11 : memref<!tpu.dma_semaphore, #tpu.memory_space<semaphore_mem>>)
    %dma_wait3A_65 = arith.constant 0 : i32
    %dma_wait3A_66 = tpu.memref_slice %arg4[%add3A_27, %dma_wait3A_65] : memref<32768x128xf32, #tpu.memory_space<hbm>> -> memref<128x128xf32, #tpu.memory_space<hbm>>
    %dma_wait3A_67 = arith.constant 0 : i32
    %dma_wait3A_68 = tpu.memref_slice %arg4[%add3A_27, %dma_wait3A_67] : memref<32768x128xf32, #tpu.memory_space<hbm>> -> memref<128x128xf32, #tpu.memory_space<hbm>>
    tpu.wait_dma2 semaphore(%arg11 : memref<!tpu.dma_semaphore, #tpu.memory_space<semaphore_mem>>) src(%arg6 : memref<128x128xf32, #tpu.memory_space<vmem>>) dst(%dma_wait3A_68 : memref<128x128xf32, #tpu.memory_space<hbm>>)
    %dma_start3A_69 = arith.constant 512 : i32
    %dma_start3A_70 = tpu.memref_slice %arg5[%dma_start3A_69] : memref<1024xi32, #tpu.memory_space<vmem>> -> memref<128xi32, #tpu.memory_space<vmem>>
    %dma_start3A_71 = arith.constant 0 : i32
    %dma_start3A_72 = arith.constant 0 : i32
    %dma_start3A_73 = tpu.memref_slice %arg2[%dma_start3A_71, %dma_start3A_72] : memref<16384x128xf32, #tpu.memory_space<hbm>> -> memref<16384x128xf32, #tpu.memory_space<hbm>>
    tpu.enqueue_indirect_dma source(%dma_start3A_73 : memref<16384x128xf32, #tpu.memory_space<hbm>>) target(%arg6 : memref<128x128xf32, #tpu.memory_space<vmem>>) offsets(%dma_start3A_70 : memref<128xi32, #tpu.memory_space<vmem>>) semaphore(%arg10 : memref<!tpu.dma_semaphore, #tpu.memory_space<semaphore_mem>>)
    %dma_wait3A_74 = arith.constant 0 : i32
    %dma_wait3A_75 = tpu.memref_slice %arg4[%add3A_38, %dma_wait3A_74] : memref<32768x128xf32, #tpu.memory_space<hbm>> -> memref<128x128xf32, #tpu.memory_space<hbm>>
    %dma_wait3A_76 = arith.constant 0 : i32
    %dma_wait3A_77 = tpu.memref_slice %arg4[%add3A_38, %dma_wait3A_76] : memref<32768x128xf32, #tpu.memory_space<hbm>> -> memref<128x128xf32, #tpu.memory_space<hbm>>
    tpu.wait_dma2 semaphore(%arg11 : memref<!tpu.dma_semaphore, #tpu.memory_space<semaphore_mem>>) src(%arg7 : memref<128x128xf32, #tpu.memory_space<vmem>>) dst(%dma_wait3A_77 : memref<128x128xf32, #tpu.memory_space<hbm>>)
    %dma_start3A_78 = arith.constant 640 : i32
    %dma_start3A_79 = tpu.memref_slice %arg5[%dma_start3A_78] : memref<1024xi32, #tpu.memory_space<vmem>> -> memref<128xi32, #tpu.memory_space<vmem>>
    %dma_start3A_80 = arith.constant 0 : i32
    %dma_start3A_81 = arith.constant 0 : i32
    %dma_start3A_82 = tpu.memref_slice %arg2[%dma_start3A_80, %dma_start3A_81] : memref<16384x128xf32, #tpu.memory_space<hbm>> -> memref<16384x128xf32, #tpu.memory_space<hbm>>
    tpu.enqueue_indirect_dma source(%dma_start3A_82 : memref<16384x128xf32, #tpu.memory_space<hbm>>) target(%arg7 : memref<128x128xf32, #tpu.memory_space<vmem>>) offsets(%dma_start3A_79 : memref<128xi32, #tpu.memory_space<vmem>>) semaphore(%arg10 : memref<!tpu.dma_semaphore, #tpu.memory_space<semaphore_mem>>)
    %dma_wait3A_83 = arith.constant 0 : i32
    %dma_wait3A_84 = tpu.memref_slice %arg4[%add3A_49, %dma_wait3A_83] : memref<32768x128xf32, #tpu.memory_space<hbm>> -> memref<128x128xf32, #tpu.memory_space<hbm>>
    %dma_wait3A_85 = arith.constant 0 : i32
    %dma_wait3A_86 = tpu.memref_slice %arg4[%add3A_49, %dma_wait3A_85] : memref<32768x128xf32, #tpu.memory_space<hbm>> -> memref<128x128xf32, #tpu.memory_space<hbm>>
    tpu.wait_dma2 semaphore(%arg11 : memref<!tpu.dma_semaphore, #tpu.memory_space<semaphore_mem>>) src(%arg8 : memref<128x128xf32, #tpu.memory_space<vmem>>) dst(%dma_wait3A_86 : memref<128x128xf32, #tpu.memory_space<hbm>>)
    %dma_start3A_87 = arith.constant 768 : i32
    %dma_start3A_88 = tpu.memref_slice %arg5[%dma_start3A_87] : memref<1024xi32, #tpu.memory_space<vmem>> -> memref<128xi32, #tpu.memory_space<vmem>>
    %dma_start3A_89 = arith.constant 0 : i32
    %dma_start3A_90 = arith.constant 0 : i32
    %dma_start3A_91 = tpu.memref_slice %arg2[%dma_start3A_89, %dma_start3A_90] : memref<16384x128xf32, #tpu.memory_space<hbm>> -> memref<16384x128xf32, #tpu.memory_space<hbm>>
    tpu.enqueue_indirect_dma source(%dma_start3A_91 : memref<16384x128xf32, #tpu.memory_space<hbm>>) target(%arg8 : memref<128x128xf32, #tpu.memory_space<vmem>>) offsets(%dma_start3A_88 : memref<128xi32, #tpu.memory_space<vmem>>) semaphore(%arg10 : memref<!tpu.dma_semaphore, #tpu.memory_space<semaphore_mem>>)
    %dma_wait3A_92 = arith.constant 0 : i32
    %dma_wait3A_93 = tpu.memref_slice %arg4[%add3A_60, %dma_wait3A_92] : memref<32768x128xf32, #tpu.memory_space<hbm>> -> memref<128x128xf32, #tpu.memory_space<hbm>>
    %dma_wait3A_94 = arith.constant 0 : i32
    %dma_wait3A_95 = tpu.memref_slice %arg4[%add3A_60, %dma_wait3A_94] : memref<32768x128xf32, #tpu.memory_space<hbm>> -> memref<128x128xf32, #tpu.memory_space<hbm>>
    tpu.wait_dma2 semaphore(%arg11 : memref<!tpu.dma_semaphore, #tpu.memory_space<semaphore_mem>>) src(%arg9 : memref<128x128xf32, #tpu.memory_space<vmem>>) dst(%dma_wait3A_95 : memref<128x128xf32, #tpu.memory_space<hbm>>)
    %dma_start3A_96 = arith.constant 896 : i32
    %dma_start3A_97 = tpu.memref_slice %arg5[%dma_start3A_96] : memref<1024xi32, #tpu.memory_space<vmem>> -> memref<128xi32, #tpu.memory_space<vmem>>
    %dma_start3A_98 = arith.constant 0 : i32
    %dma_start3A_99 = arith.constant 0 : i32
    %dma_start3A_100 = tpu.memref_slice %arg2[%dma_start3A_98, %dma_start3A_99] : memref<16384x128xf32, #tpu.memory_space<hbm>> -> memref<16384x128xf32, #tpu.memory_space<hbm>>
    tpu.enqueue_indirect_dma source(%dma_start3A_100 : memref<16384x128xf32, #tpu.memory_space<hbm>>) target(%arg9 : memref<128x128xf32, #tpu.memory_space<vmem>>) offsets(%dma_start3A_97 : memref<128xi32, #tpu.memory_space<vmem>>) semaphore(%arg10 : memref<!tpu.dma_semaphore, #tpu.memory_space<semaphore_mem>>)
    %dma_wait3A_101 = arith.constant 512 : i32
    %dma_wait3A_102 = tpu.memref_slice %arg5[%dma_wait3A_101] : memref<1024xi32, #tpu.memory_space<vmem>> -> memref<128xi32, #tpu.memory_space<vmem>>
    %dma_wait3A_103 = arith.constant 0 : i32
    %dma_wait3A_104 = arith.constant 0 : i32
    %dma_wait3A_105 = tpu.memref_slice %arg2[%dma_wait3A_103, %dma_wait3A_104] : memref<16384x128xf32, #tpu.memory_space<hbm>> -> memref<16384x128xf32, #tpu.memory_space<hbm>>
    tpu.wait_indirect_dma semaphore(%arg10 : memref<!tpu.dma_semaphore, #tpu.memory_space<semaphore_mem>>) src(%dma_wait3A_105 : memref<16384x128xf32, #tpu.memory_space<hbm>>) dst(%arg6 : memref<128x128xf32, #tpu.memory_space<vmem>>)
    %add3A_106 = arith.constant 512 : i32
    %add3A_107 = arith.addi %mul3A_2, %add3A_106 : i32
    %dma_start3A_108 = arith.constant 0 : i32
    %dma_start3A_109 = tpu.memref_slice %arg4[%add3A_107, %dma_start3A_108] : memref<32768x128xf32, #tpu.memory_space<hbm>> -> memref<128x128xf32, #tpu.memory_space<hbm>>
    %dma_start3A_110 = arith.constant 0 : i32
    %dma_start3A_111 = tpu.memref_slice %arg4[%add3A_107, %dma_start3A_110] : memref<32768x128xf32, #tpu.memory_space<hbm>> -> memref<128x128xf32, #tpu.memory_space<hbm>>
    tpu.enqueue_dma source(%arg6 : memref<128x128xf32, #tpu.memory_space<vmem>>) target(%dma_start3A_111 : memref<128x128xf32, #tpu.memory_space<hbm>>) target_semaphore(%arg11 : memref<!tpu.dma_semaphore, #tpu.memory_space<semaphore_mem>>)
    %dma_wait3A_112 = arith.constant 640 : i32
    %dma_wait3A_113 = tpu.memref_slice %arg5[%dma_wait3A_112] : memref<1024xi32, #tpu.memory_space<vmem>> -> memref<128xi32, #tpu.memory_space<vmem>>
    %dma_wait3A_114 = arith.constant 0 : i32
    %dma_wait3A_115 = arith.constant 0 : i32
    %dma_wait3A_116 = tpu.memref_slice %arg2[%dma_wait3A_114, %dma_wait3A_115] : memref<16384x128xf32, #tpu.memory_space<hbm>> -> memref<16384x128xf32, #tpu.memory_space<hbm>>
    tpu.wait_indirect_dma semaphore(%arg10 : memref<!tpu.dma_semaphore, #tpu.memory_space<semaphore_mem>>) src(%dma_wait3A_116 : memref<16384x128xf32, #tpu.memory_space<hbm>>) dst(%arg7 : memref<128x128xf32, #tpu.memory_space<vmem>>)
    %add3A_117 = arith.constant 640 : i32
    %add3A_118 = arith.addi %mul3A_2, %add3A_117 : i32
    %dma_start3A_119 = arith.constant 0 : i32
    %dma_start3A_120 = tpu.memref_slice %arg4[%add3A_118, %dma_start3A_119] : memref<32768x128xf32, #tpu.memory_space<hbm>> -> memref<128x128xf32, #tpu.memory_space<hbm>>
    %dma_start3A_121 = arith.constant 0 : i32
    %dma_start3A_122 = tpu.memref_slice %arg4[%add3A_118, %dma_start3A_121] : memref<32768x128xf32, #tpu.memory_space<hbm>> -> memref<128x128xf32, #tpu.memory_space<hbm>>
    tpu.enqueue_dma source(%arg7 : memref<128x128xf32, #tpu.memory_space<vmem>>) target(%dma_start3A_122 : memref<128x128xf32, #tpu.memory_space<hbm>>) target_semaphore(%arg11 : memref<!tpu.dma_semaphore, #tpu.memory_space<semaphore_mem>>)
    %dma_wait3A_123 = arith.constant 768 : i32
    %dma_wait3A_124 = tpu.memref_slice %arg5[%dma_wait3A_123] : memref<1024xi32, #tpu.memory_space<vmem>> -> memref<128xi32, #tpu.memory_space<vmem>>
    %dma_wait3A_125 = arith.constant 0 : i32
    %dma_wait3A_126 = arith.constant 0 : i32
    %dma_wait3A_127 = tpu.memref_slice %arg2[%dma_wait3A_125, %dma_wait3A_126] : memref<16384x128xf32, #tpu.memory_space<hbm>> -> memref<16384x128xf32, #tpu.memory_space<hbm>>
    tpu.wait_indirect_dma semaphore(%arg10 : memref<!tpu.dma_semaphore, #tpu.memory_space<semaphore_mem>>) src(%dma_wait3A_127 : memref<16384x128xf32, #tpu.memory_space<hbm>>) dst(%arg8 : memref<128x128xf32, #tpu.memory_space<vmem>>)
    %add3A_128 = arith.constant 768 : i32
    %add3A_129 = arith.addi %mul3A_2, %add3A_128 : i32
    %dma_start3A_130 = arith.constant 0 : i32
    %dma_start3A_131 = tpu.memref_slice %arg4[%add3A_129, %dma_start3A_130] : memref<32768x128xf32, #tpu.memory_space<hbm>> -> memref<128x128xf32, #tpu.memory_space<hbm>>
    %dma_start3A_132 = arith.constant 0 : i32
    %dma_start3A_133 = tpu.memref_slice %arg4[%add3A_129, %dma_start3A_132] : memref<32768x128xf32, #tpu.memory_space<hbm>> -> memref<128x128xf32, #tpu.memory_space<hbm>>
    tpu.enqueue_dma source(%arg8 : memref<128x128xf32, #tpu.memory_space<vmem>>) target(%dma_start3A_133 : memref<128x128xf32, #tpu.memory_space<hbm>>) target_semaphore(%arg11 : memref<!tpu.dma_semaphore, #tpu.memory_space<semaphore_mem>>)
    %dma_wait3A_134 = arith.constant 896 : i32
    %dma_wait3A_135 = tpu.memref_slice %arg5[%dma_wait3A_134] : memref<1024xi32, #tpu.memory_space<vmem>> -> memref<128xi32, #tpu.memory_space<vmem>>
    %dma_wait3A_136 = arith.constant 0 : i32
    %dma_wait3A_137 = arith.constant 0 : i32
    %dma_wait3A_138 = tpu.memref_slice %arg2[%dma_wait3A_136, %dma_wait3A_137] : memref<16384x128xf32, #tpu.memory_space<hbm>> -> memref<16384x128xf32, #tpu.memory_space<hbm>>
    tpu.wait_indirect_dma semaphore(%arg10 : memref<!tpu.dma_semaphore, #tpu.memory_space<semaphore_mem>>) src(%dma_wait3A_138 : memref<16384x128xf32, #tpu.memory_space<hbm>>) dst(%arg9 : memref<128x128xf32, #tpu.memory_space<vmem>>)
    %add3A_139 = arith.constant 896 : i32
    %add3A_140 = arith.addi %mul3A_2, %add3A_139 : i32
    %dma_start3A_141 = arith.constant 0 : i32
    %dma_start3A_142 = tpu.memref_slice %arg4[%add3A_140, %dma_start3A_141] : memref<32768x128xf32, #tpu.memory_space<hbm>> -> memref<128x128xf32, #tpu.memory_space<hbm>>
    %dma_start3A_143 = arith.constant 0 : i32
    %dma_start3A_144 = tpu.memref_slice %arg4[%add3A_140, %dma_start3A_143] : memref<32768x128xf32, #tpu.memory_space<hbm>> -> memref<128x128xf32, #tpu.memory_space<hbm>>
    tpu.enqueue_dma source(%arg9 : memref<128x128xf32, #tpu.memory_space<vmem>>) target(%dma_start3A_144 : memref<128x128xf32, #tpu.memory_space<hbm>>) target_semaphore(%arg11 : memref<!tpu.dma_semaphore, #tpu.memory_space<semaphore_mem>>)
    %dma_wait3A_145 = arith.constant 0 : i32
    %dma_wait3A_146 = tpu.memref_slice %arg4[%add3A_107, %dma_wait3A_145] : memref<32768x128xf32, #tpu.memory_space<hbm>> -> memref<128x128xf32, #tpu.memory_space<hbm>>
    %dma_wait3A_147 = arith.constant 0 : i32
    %dma_wait3A_148 = tpu.memref_slice %arg4[%add3A_107, %dma_wait3A_147] : memref<32768x128xf32, #tpu.memory_space<hbm>> -> memref<128x128xf32, #tpu.memory_space<hbm>>
    tpu.wait_dma2 semaphore(%arg11 : memref<!tpu.dma_semaphore, #tpu.memory_space<semaphore_mem>>) src(%arg6 : memref<128x128xf32, #tpu.memory_space<vmem>>) dst(%dma_wait3A_148 : memref<128x128xf32, #tpu.memory_space<hbm>>)
    %dma_wait3A_149 = arith.constant 0 : i32
    %dma_wait3A_150 = tpu.memref_slice %arg4[%add3A_118, %dma_wait3A_149] : memref<32768x128xf32, #tpu.memory_space<hbm>> -> memref<128x128xf32, #tpu.memory_space<hbm>>
    %dma_wait3A_151 = arith.constant 0 : i32
    %dma_wait3A_152 = tpu.memref_slice %arg4[%add3A_118, %dma_wait3A_151] : memref<32768x128xf32, #tpu.memory_space<hbm>> -> memref<128x128xf32, #tpu.memory_space<hbm>>
    tpu.wait_dma2 semaphore(%arg11 : memref<!tpu.dma_semaphore, #tpu.memory_space<semaphore_mem>>) src(%arg7 : memref<128x128xf32, #tpu.memory_space<vmem>>) dst(%dma_wait3A_152 : memref<128x128xf32, #tpu.memory_space<hbm>>)
    %dma_wait3A_153 = arith.constant 0 : i32
    %dma_wait3A_154 = tpu.memref_slice %arg4[%add3A_129, %dma_wait3A_153] : memref<32768x128xf32, #tpu.memory_space<hbm>> -> memref<128x128xf32, #tpu.memory_space<hbm>>
    %dma_wait3A_155 = arith.constant 0 : i32
    %dma_wait3A_156 = tpu.memref_slice %arg4[%add3A_129, %dma_wait3A_155] : memref<32768x128xf32, #tpu.memory_space<hbm>> -> memref<128x128xf32, #tpu.memory_space<hbm>>
    tpu.wait_dma2 semaphore(%arg11 : memref<!tpu.dma_semaphore, #tpu.memory_space<semaphore_mem>>) src(%arg8 : memref<128x128xf32, #tpu.memory_space<vmem>>) dst(%dma_wait3A_156 : memref<128x128xf32, #tpu.memory_space<hbm>>)
    %dma_wait3A_157 = arith.constant 0 : i32
    %dma_wait3A_158 = tpu.memref_slice %arg4[%add3A_140, %dma_wait3A_157] : memref<32768x128xf32, #tpu.memory_space<hbm>> -> memref<128x128xf32, #tpu.memory_space<hbm>>
    %dma_wait3A_159 = arith.constant 0 : i32
    %dma_wait3A_160 = tpu.memref_slice %arg4[%add3A_140, %dma_wait3A_159] : memref<32768x128xf32, #tpu.memory_space<hbm>> -> memref<128x128xf32, #tpu.memory_space<hbm>>
    tpu.wait_dma2 semaphore(%arg11 : memref<!tpu.dma_semaphore, #tpu.memory_space<semaphore_mem>>) src(%arg9 : memref<128x128xf32, #tpu.memory_space<vmem>>) dst(%dma_wait3A_160 : memref<128x128xf32, #tpu.memory_space<hbm>>)
    return
  }
}

#map = affine_map<(d0, d1) -> (0, 0)>
#map1 = affine_map<(d0, d1) -> (0)>
module attributes {stable_mosaic.version = 14 : i64} {
  func.func @_sc_gather_body(%arg0: i32, %arg1: i32, %arg2: memref<16384x128xf32, #tpu.memory_space<hbm>>, %arg3: memref<32768xi32, #tpu.memory_space<hbm>>, %arg4: memref<32768x128xf32, #tpu.memory_space<hbm>>, %arg5: memref<1024xi32, #tpu.memory_space<vmem>>, %arg6: memref<128x128xf32, #tpu.memory_space<vmem>>, %arg7: memref<128x128xf32, #tpu.memory_space<vmem>>, %arg8: memref<128x128xf32, #tpu.memory_space<vmem>>, %arg9: memref<128x128xf32, #tpu.memory_space<vmem>>, %arg10: memref<!tpu.dma_semaphore, #tpu.memory_space<semaphore_mem>>, %arg11: memref<!tpu.dma_semaphore, #tpu.memory_space<semaphore_mem>>) attributes {dimension_semantics = [#tpu.dimension_semantics<core_parallel>, #tpu.dimension_semantics<subcore_parallel>], iteration_bounds = array<i64: 2, 16>, scalar_prefetch = 0 : i64, scratch_operands = 7 : i64, tpu.core_type = #tpu.core_type<sc_vector_subcore>, window_params = [{transform_indices = #map}, {transform_indices = #map1}, {transform_indices = #map}]} {
    %mul3A = arith.constant 2 : i32
    %mul3A_0 = arith.muli %arg1, %mul3A : i32
    %add3A = arith.addi %mul3A_0, %arg0 : i32
    %mul3A_1 = arith.constant 1024 : i32
    %mul3A_2 = arith.muli %add3A, %mul3A_1 : i32
    "tpu.region"() ({
      %run_scoped3A = tpu.sem_alloc : memref<!tpu.dma_semaphore, #tpu.memory_space<semaphore_mem>>
      %dma_start3A_161 = tpu.memref_slice %arg3[%mul3A_2] : memref<32768xi32, #tpu.memory_space<hbm>> -> memref<1024xi32, #tpu.memory_space<hbm>>
      %dma_start3A_162 = tpu.memref_slice %arg3[%mul3A_2] : memref<32768xi32, #tpu.memory_space<hbm>> -> memref<1024xi32, #tpu.memory_space<hbm>>
      tpu.enqueue_dma source(%dma_start3A_162 : memref<1024xi32, #tpu.memory_space<hbm>>) target(%arg5 : memref<1024xi32, #tpu.memory_space<vmem>>) target_semaphore(%run_scoped3A : memref<!tpu.dma_semaphore, #tpu.memory_space<semaphore_mem>>)
      %dma_wait3A_163 = tpu.memref_slice %arg3[%mul3A_2] : memref<32768xi32, #tpu.memory_space<hbm>> -> memref<1024xi32, #tpu.memory_space<hbm>>
      %dma_wait3A_164 = tpu.memref_slice %arg3[%mul3A_2] : memref<32768xi32, #tpu.memory_space<hbm>> -> memref<1024xi32, #tpu.memory_space<hbm>>
      tpu.wait_dma2 semaphore(%run_scoped3A : memref<!tpu.dma_semaphore, #tpu.memory_space<semaphore_mem>>) src(%dma_wait3A_164 : memref<1024xi32, #tpu.memory_space<hbm>>) dst(%arg5 : memref<1024xi32, #tpu.memory_space<vmem>>)
      tpu.yield
    }) : () -> ()
    %dma_start3A = arith.constant 0 : i32
    %dma_start3A_3 = tpu.memref_slice %arg5[%dma_start3A] : memref<1024xi32, #tpu.memory_space<vmem>> -> memref<128xi32, #tpu.memory_space<vmem>>
    %dma_start3A_4 = arith.constant 0 : i32
    %dma_start3A_5 = arith.constant 0 : i32
    %dma_start3A_6 = tpu.memref_slice %arg2[%dma_start3A_4, %dma_start3A_5] : memref<16384x128xf32, #tpu.memory_space<hbm>> -> memref<16384x128xf32, #tpu.memory_space<hbm>>
    tpu.enqueue_indirect_dma source(%dma_start3A_6 : memref<16384x128xf32, #tpu.memory_space<hbm>>) target(%arg6 : memref<128x128xf32, #tpu.memory_space<vmem>>) offsets(%dma_start3A_3 : memref<128xi32, #tpu.memory_space<vmem>>) semaphore(%arg10 : memref<!tpu.dma_semaphore, #tpu.memory_space<semaphore_mem>>)
    %dma_start3A_7 = arith.constant 128 : i32
    %dma_start3A_8 = tpu.memref_slice %arg5[%dma_start3A_7] : memref<1024xi32, #tpu.memory_space<vmem>> -> memref<128xi32, #tpu.memory_space<vmem>>
    %dma_start3A_9 = arith.constant 0 : i32
    %dma_start3A_10 = arith.constant 0 : i32
    %dma_start3A_11 = tpu.memref_slice %arg2[%dma_start3A_9, %dma_start3A_10] : memref<16384x128xf32, #tpu.memory_space<hbm>> -> memref<16384x128xf32, #tpu.memory_space<hbm>>
    tpu.enqueue_indirect_dma source(%dma_start3A_11 : memref<16384x128xf32, #tpu.memory_space<hbm>>) target(%arg7 : memref<128x128xf32, #tpu.memory_space<vmem>>) offsets(%dma_start3A_8 : memref<128xi32, #tpu.memory_space<vmem>>) semaphore(%arg10 : memref<!tpu.dma_semaphore, #tpu.memory_space<semaphore_mem>>)
    %dma_start3A_12 = arith.constant 256 : i32
    %dma_start3A_13 = tpu.memref_slice %arg5[%dma_start3A_12] : memref<1024xi32, #tpu.memory_space<vmem>> -> memref<128xi32, #tpu.memory_space<vmem>>
    %dma_start3A_14 = arith.constant 0 : i32
    %dma_start3A_15 = arith.constant 0 : i32
    %dma_start3A_16 = tpu.memref_slice %arg2[%dma_start3A_14, %dma_start3A_15] : memref<16384x128xf32, #tpu.memory_space<hbm>> -> memref<16384x128xf32, #tpu.memory_space<hbm>>
    tpu.enqueue_indirect_dma source(%dma_start3A_16 : memref<16384x128xf32, #tpu.memory_space<hbm>>) target(%arg8 : memref<128x128xf32, #tpu.memory_space<vmem>>) offsets(%dma_start3A_13 : memref<128xi32, #tpu.memory_space<vmem>>) semaphore(%arg10 : memref<!tpu.dma_semaphore, #tpu.memory_space<semaphore_mem>>)
    %dma_start3A_17 = arith.constant 384 : i32
    %dma_start3A_18 = tpu.memref_slice %arg5[%dma_start3A_17] : memref<1024xi32, #tpu.memory_space<vmem>> -> memref<128xi32, #tpu.memory_space<vmem>>
    %dma_start3A_19 = arith.constant 0 : i32
    %dma_start3A_20 = arith.constant 0 : i32
    %dma_start3A_21 = tpu.memref_slice %arg2[%dma_start3A_19, %dma_start3A_20] : memref<16384x128xf32, #tpu.memory_space<hbm>> -> memref<16384x128xf32, #tpu.memory_space<hbm>>
    tpu.enqueue_indirect_dma source(%dma_start3A_21 : memref<16384x128xf32, #tpu.memory_space<hbm>>) target(%arg9 : memref<128x128xf32, #tpu.memory_space<vmem>>) offsets(%dma_start3A_18 : memref<128xi32, #tpu.memory_space<vmem>>) semaphore(%arg10 : memref<!tpu.dma_semaphore, #tpu.memory_space<semaphore_mem>>)
    %dma_wait3A = arith.constant 0 : i32
    %dma_wait3A_22 = tpu.memref_slice %arg5[%dma_wait3A] : memref<1024xi32, #tpu.memory_space<vmem>> -> memref<128xi32, #tpu.memory_space<vmem>>
    %dma_wait3A_23 = arith.constant 0 : i32
    %dma_wait3A_24 = arith.constant 0 : i32
    %dma_wait3A_25 = tpu.memref_slice %arg2[%dma_wait3A_23, %dma_wait3A_24] : memref<16384x128xf32, #tpu.memory_space<hbm>> -> memref<16384x128xf32, #tpu.memory_space<hbm>>
    tpu.wait_indirect_dma semaphore(%arg10 : memref<!tpu.dma_semaphore, #tpu.memory_space<semaphore_mem>>) src(%dma_wait3A_25 : memref<16384x128xf32, #tpu.memory_space<hbm>>) dst(%arg6 : memref<128x128xf32, #tpu.memory_space<vmem>>)
    %add3A_26 = arith.constant 0 : i32
    %add3A_27 = arith.addi %mul3A_2, %add3A_26 : i32
    %dma_start3A_28 = arith.constant 0 : i32
    %dma_start3A_29 = tpu.memref_slice %arg4[%add3A_27, %dma_start3A_28] : memref<32768x128xf32, #tpu.memory_space<hbm>> -> memref<128x128xf32, #tpu.memory_space<hbm>>
    %dma_start3A_30 = arith.constant 0 : i32
    %dma_start3A_31 = tpu.memref_slice %arg4[%add3A_27, %dma_start3A_30] : memref<32768x128xf32, #tpu.memory_space<hbm>> -> memref<128x128xf32, #tpu.memory_space<hbm>>
    tpu.enqueue_dma source(%arg6 : memref<128x128xf32, #tpu.memory_space<vmem>>) target(%dma_start3A_31 : memref<128x128xf32, #tpu.memory_space<hbm>>) target_semaphore(%arg11 : memref<!tpu.dma_semaphore, #tpu.memory_space<semaphore_mem>>)
    %dma_wait3A_32 = arith.constant 128 : i32
    %dma_wait3A_33 = tpu.memref_slice %arg5[%dma_wait3A_32] : memref<1024xi32, #tpu.memory_space<vmem>> -> memref<128xi32, #tpu.memory_space<vmem>>
    %dma_wait3A_34 = arith.constant 0 : i32
    %dma_wait3A_35 = arith.constant 0 : i32
    %dma_wait3A_36 = tpu.memref_slice %arg2[%dma_wait3A_34, %dma_wait3A_35] : memref<16384x128xf32, #tpu.memory_space<hbm>> -> memref<16384x128xf32, #tpu.memory_space<hbm>>
    tpu.wait_indirect_dma semaphore(%arg10 : memref<!tpu.dma_semaphore, #tpu.memory_space<semaphore_mem>>) src(%dma_wait3A_36 : memref<16384x128xf32, #tpu.memory_space<hbm>>) dst(%arg7 : memref<128x128xf32, #tpu.memory_space<vmem>>)
    %add3A_37 = arith.constant 128 : i32
    %add3A_38 = arith.addi %mul3A_2, %add3A_37 : i32
    %dma_start3A_39 = arith.constant 0 : i32
    %dma_start3A_40 = tpu.memref_slice %arg4[%add3A_38, %dma_start3A_39] : memref<32768x128xf32, #tpu.memory_space<hbm>> -> memref<128x128xf32, #tpu.memory_space<hbm>>
    %dma_start3A_41 = arith.constant 0 : i32
    %dma_start3A_42 = tpu.memref_slice %arg4[%add3A_38, %dma_start3A_41] : memref<32768x128xf32, #tpu.memory_space<hbm>> -> memref<128x128xf32, #tpu.memory_space<hbm>>
    tpu.enqueue_dma source(%arg7 : memref<128x128xf32, #tpu.memory_space<vmem>>) target(%dma_start3A_42 : memref<128x128xf32, #tpu.memory_space<hbm>>) target_semaphore(%arg11 : memref<!tpu.dma_semaphore, #tpu.memory_space<semaphore_mem>>)
    %dma_wait3A_43 = arith.constant 256 : i32
    %dma_wait3A_44 = tpu.memref_slice %arg5[%dma_wait3A_43] : memref<1024xi32, #tpu.memory_space<vmem>> -> memref<128xi32, #tpu.memory_space<vmem>>
    %dma_wait3A_45 = arith.constant 0 : i32
    %dma_wait3A_46 = arith.constant 0 : i32
    %dma_wait3A_47 = tpu.memref_slice %arg2[%dma_wait3A_45, %dma_wait3A_46] : memref<16384x128xf32, #tpu.memory_space<hbm>> -> memref<16384x128xf32, #tpu.memory_space<hbm>>
    tpu.wait_indirect_dma semaphore(%arg10 : memref<!tpu.dma_semaphore, #tpu.memory_space<semaphore_mem>>) src(%dma_wait3A_47 : memref<16384x128xf32, #tpu.memory_space<hbm>>) dst(%arg8 : memref<128x128xf32, #tpu.memory_space<vmem>>)
    %add3A_48 = arith.constant 256 : i32
    %add3A_49 = arith.addi %mul3A_2, %add3A_48 : i32
    %dma_start3A_50 = arith.constant 0 : i32
    %dma_start3A_51 = tpu.memref_slice %arg4[%add3A_49, %dma_start3A_50] : memref<32768x128xf32, #tpu.memory_space<hbm>> -> memref<128x128xf32, #tpu.memory_space<hbm>>
    %dma_start3A_52 = arith.constant 0 : i32
    %dma_start3A_53 = tpu.memref_slice %arg4[%add3A_49, %dma_start3A_52] : memref<32768x128xf32, #tpu.memory_space<hbm>> -> memref<128x128xf32, #tpu.memory_space<hbm>>
    tpu.enqueue_dma source(%arg8 : memref<128x128xf32, #tpu.memory_space<vmem>>) target(%dma_start3A_53 : memref<128x128xf32, #tpu.memory_space<hbm>>) target_semaphore(%arg11 : memref<!tpu.dma_semaphore, #tpu.memory_space<semaphore_mem>>)
    %dma_wait3A_54 = arith.constant 384 : i32
    %dma_wait3A_55 = tpu.memref_slice %arg5[%dma_wait3A_54] : memref<1024xi32, #tpu.memory_space<vmem>> -> memref<128xi32, #tpu.memory_space<vmem>>
    %dma_wait3A_56 = arith.constant 0 : i32
    %dma_wait3A_57 = arith.constant 0 : i32
    %dma_wait3A_58 = tpu.memref_slice %arg2[%dma_wait3A_56, %dma_wait3A_57] : memref<16384x128xf32, #tpu.memory_space<hbm>> -> memref<16384x128xf32, #tpu.memory_space<hbm>>
    tpu.wait_indirect_dma semaphore(%arg10 : memref<!tpu.dma_semaphore, #tpu.memory_space<semaphore_mem>>) src(%dma_wait3A_58 : memref<16384x128xf32, #tpu.memory_space<hbm>>) dst(%arg9 : memref<128x128xf32, #tpu.memory_space<vmem>>)
    %add3A_59 = arith.constant 384 : i32
    %add3A_60 = arith.addi %mul3A_2, %add3A_59 : i32
    %dma_start3A_61 = arith.constant 0 : i32
    %dma_start3A_62 = tpu.memref_slice %arg4[%add3A_60, %dma_start3A_61] : memref<32768x128xf32, #tpu.memory_space<hbm>> -> memref<128x128xf32, #tpu.memory_space<hbm>>
    %dma_start3A_63 = arith.constant 0 : i32
    %dma_start3A_64 = tpu.memref_slice %arg4[%add3A_60, %dma_start3A_63] : memref<32768x128xf32, #tpu.memory_space<hbm>> -> memref<128x128xf32, #tpu.memory_space<hbm>>
    tpu.enqueue_dma source(%arg9 : memref<128x128xf32, #tpu.memory_space<vmem>>) target(%dma_start3A_64 : memref<128x128xf32, #tpu.memory_space<hbm>>) target_semaphore(%arg11 : memref<!tpu.dma_semaphore, #tpu.memory_space<semaphore_mem>>)
    %dma_wait3A_65 = arith.constant 0 : i32
    %dma_wait3A_66 = tpu.memref_slice %arg4[%add3A_27, %dma_wait3A_65] : memref<32768x128xf32, #tpu.memory_space<hbm>> -> memref<128x128xf32, #tpu.memory_space<hbm>>
    %dma_wait3A_67 = arith.constant 0 : i32
    %dma_wait3A_68 = tpu.memref_slice %arg4[%add3A_27, %dma_wait3A_67] : memref<32768x128xf32, #tpu.memory_space<hbm>> -> memref<128x128xf32, #tpu.memory_space<hbm>>
    tpu.wait_dma2 semaphore(%arg11 : memref<!tpu.dma_semaphore, #tpu.memory_space<semaphore_mem>>) src(%arg6 : memref<128x128xf32, #tpu.memory_space<vmem>>) dst(%dma_wait3A_68 : memref<128x128xf32, #tpu.memory_space<hbm>>)
    %dma_start3A_69 = arith.constant 512 : i32
    %dma_start3A_70 = tpu.memref_slice %arg5[%dma_start3A_69] : memref<1024xi32, #tpu.memory_space<vmem>> -> memref<128xi32, #tpu.memory_space<vmem>>
    %dma_start3A_71 = arith.constant 0 : i32
    %dma_start3A_72 = arith.constant 0 : i32
    %dma_start3A_73 = tpu.memref_slice %arg2[%dma_start3A_71, %dma_start3A_72] : memref<16384x128xf32, #tpu.memory_space<hbm>> -> memref<16384x128xf32, #tpu.memory_space<hbm>>
    tpu.enqueue_indirect_dma source(%dma_start3A_73 : memref<16384x128xf32, #tpu.memory_space<hbm>>) target(%arg6 : memref<128x128xf32, #tpu.memory_space<vmem>>) offsets(%dma_start3A_70 : memref<128xi32, #tpu.memory_space<vmem>>) semaphore(%arg10 : memref<!tpu.dma_semaphore, #tpu.memory_space<semaphore_mem>>)
    %dma_wait3A_74 = arith.constant 0 : i32
    %dma_wait3A_75 = tpu.memref_slice %arg4[%add3A_38, %dma_wait3A_74] : memref<32768x128xf32, #tpu.memory_space<hbm>> -> memref<128x128xf32, #tpu.memory_space<hbm>>
    %dma_wait3A_76 = arith.constant 0 : i32
    %dma_wait3A_77 = tpu.memref_slice %arg4[%add3A_38, %dma_wait3A_76] : memref<32768x128xf32, #tpu.memory_space<hbm>> -> memref<128x128xf32, #tpu.memory_space<hbm>>
    tpu.wait_dma2 semaphore(%arg11 : memref<!tpu.dma_semaphore, #tpu.memory_space<semaphore_mem>>) src(%arg7 : memref<128x128xf32, #tpu.memory_space<vmem>>) dst(%dma_wait3A_77 : memref<128x128xf32, #tpu.memory_space<hbm>>)
    %dma_start3A_78 = arith.constant 640 : i32
    %dma_start3A_79 = tpu.memref_slice %arg5[%dma_start3A_78] : memref<1024xi32, #tpu.memory_space<vmem>> -> memref<128xi32, #tpu.memory_space<vmem>>
    %dma_start3A_80 = arith.constant 0 : i32
    %dma_start3A_81 = arith.constant 0 : i32
    %dma_start3A_82 = tpu.memref_slice %arg2[%dma_start3A_80, %dma_start3A_81] : memref<16384x128xf32, #tpu.memory_space<hbm>> -> memref<16384x128xf32, #tpu.memory_space<hbm>>
    tpu.enqueue_indirect_dma source(%dma_start3A_82 : memref<16384x128xf32, #tpu.memory_space<hbm>>) target(%arg7 : memref<128x128xf32, #tpu.memory_space<vmem>>) offsets(%dma_start3A_79 : memref<128xi32, #tpu.memory_space<vmem>>) semaphore(%arg10 : memref<!tpu.dma_semaphore, #tpu.memory_space<semaphore_mem>>)
    %dma_wait3A_83 = arith.constant 0 : i32
    %dma_wait3A_84 = tpu.memref_slice %arg4[%add3A_49, %dma_wait3A_83] : memref<32768x128xf32, #tpu.memory_space<hbm>> -> memref<128x128xf32, #tpu.memory_space<hbm>>
    %dma_wait3A_85 = arith.constant 0 : i32
    %dma_wait3A_86 = tpu.memref_slice %arg4[%add3A_49, %dma_wait3A_85] : memref<32768x128xf32, #tpu.memory_space<hbm>> -> memref<128x128xf32, #tpu.memory_space<hbm>>
    tpu.wait_dma2 semaphore(%arg11 : memref<!tpu.dma_semaphore, #tpu.memory_space<semaphore_mem>>) src(%arg8 : memref<128x128xf32, #tpu.memory_space<vmem>>) dst(%dma_wait3A_86 : memref<128x128xf32, #tpu.memory_space<hbm>>)
    %dma_start3A_87 = arith.constant 768 : i32
    %dma_start3A_88 = tpu.memref_slice %arg5[%dma_start3A_87] : memref<1024xi32, #tpu.memory_space<vmem>> -> memref<128xi32, #tpu.memory_space<vmem>>
    %dma_start3A_89 = arith.constant 0 : i32
    %dma_start3A_90 = arith.constant 0 : i32
    %dma_start3A_91 = tpu.memref_slice %arg2[%dma_start3A_89, %dma_start3A_90] : memref<16384x128xf32, #tpu.memory_space<hbm>> -> memref<16384x128xf32, #tpu.memory_space<hbm>>
    tpu.enqueue_indirect_dma source(%dma_start3A_91 : memref<16384x128xf32, #tpu.memory_space<hbm>>) target(%arg8 : memref<128x128xf32, #tpu.memory_space<vmem>>) offsets(%dma_start3A_88 : memref<128xi32, #tpu.memory_space<vmem>>) semaphore(%arg10 : memref<!tpu.dma_semaphore, #tpu.memory_space<semaphore_mem>>)
    %dma_wait3A_92 = arith.constant 0 : i32
    %dma_wait3A_93 = tpu.memref_slice %arg4[%add3A_60, %dma_wait3A_92] : memref<32768x128xf32, #tpu.memory_space<hbm>> -> memref<128x128xf32, #tpu.memory_space<hbm>>
    %dma_wait3A_94 = arith.constant 0 : i32
    %dma_wait3A_95 = tpu.memref_slice %arg4[%add3A_60, %dma_wait3A_94] : memref<32768x128xf32, #tpu.memory_space<hbm>> -> memref<128x128xf32, #tpu.memory_space<hbm>>
    tpu.wait_dma2 semaphore(%arg11 : memref<!tpu.dma_semaphore, #tpu.memory_space<semaphore_mem>>) src(%arg9 : memref<128x128xf32, #tpu.memory_space<vmem>>) dst(%dma_wait3A_95 : memref<128x128xf32, #tpu.memory_space<hbm>>)
    %dma_start3A_96 = arith.constant 896 : i32
    %dma_start3A_97 = tpu.memref_slice %arg5[%dma_start3A_96] : memref<1024xi32, #tpu.memory_space<vmem>> -> memref<128xi32, #tpu.memory_space<vmem>>
    %dma_start3A_98 = arith.constant 0 : i32
    %dma_start3A_99 = arith.constant 0 : i32
    %dma_start3A_100 = tpu.memref_slice %arg2[%dma_start3A_98, %dma_start3A_99] : memref<16384x128xf32, #tpu.memory_space<hbm>> -> memref<16384x128xf32, #tpu.memory_space<hbm>>
    tpu.enqueue_indirect_dma source(%dma_start3A_100 : memref<16384x128xf32, #tpu.memory_space<hbm>>) target(%arg9 : memref<128x128xf32, #tpu.memory_space<vmem>>) offsets(%dma_start3A_97 : memref<128xi32, #tpu.memory_space<vmem>>) semaphore(%arg10 : memref<!tpu.dma_semaphore, #tpu.memory_space<semaphore_mem>>)
    %dma_wait3A_101 = arith.constant 512 : i32
    %dma_wait3A_102 = tpu.memref_slice %arg5[%dma_wait3A_101] : memref<1024xi32, #tpu.memory_space<vmem>> -> memref<128xi32, #tpu.memory_space<vmem>>
    %dma_wait3A_103 = arith.constant 0 : i32
    %dma_wait3A_104 = arith.constant 0 : i32
    %dma_wait3A_105 = tpu.memref_slice %arg2[%dma_wait3A_103, %dma_wait3A_104] : memref<16384x128xf32, #tpu.memory_space<hbm>> -> memref<16384x128xf32, #tpu.memory_space<hbm>>
    tpu.wait_indirect_dma semaphore(%arg10 : memref<!tpu.dma_semaphore, #tpu.memory_space<semaphore_mem>>) src(%dma_wait3A_105 : memref<16384x128xf32, #tpu.memory_space<hbm>>) dst(%arg6 : memref<128x128xf32, #tpu.memory_space<vmem>>)
    %add3A_106 = arith.constant 512 : i32
    %add3A_107 = arith.addi %mul3A_2, %add3A_106 : i32
    %dma_start3A_108 = arith.constant 0 : i32
    %dma_start3A_109 = tpu.memref_slice %arg4[%add3A_107, %dma_start3A_108] : memref<32768x128xf32, #tpu.memory_space<hbm>> -> memref<128x128xf32, #tpu.memory_space<hbm>>
    %dma_start3A_110 = arith.constant 0 : i32
    %dma_start3A_111 = tpu.memref_slice %arg4[%add3A_107, %dma_start3A_110] : memref<32768x128xf32, #tpu.memory_space<hbm>> -> memref<128x128xf32, #tpu.memory_space<hbm>>
    tpu.enqueue_dma source(%arg6 : memref<128x128xf32, #tpu.memory_space<vmem>>) target(%dma_start3A_111 : memref<128x128xf32, #tpu.memory_space<hbm>>) target_semaphore(%arg11 : memref<!tpu.dma_semaphore, #tpu.memory_space<semaphore_mem>>)
    %dma_wait3A_112 = arith.constant 640 : i32
    %dma_wait3A_113 = tpu.memref_slice %arg5[%dma_wait3A_112] : memref<1024xi32, #tpu.memory_space<vmem>> -> memref<128xi32, #tpu.memory_space<vmem>>
    %dma_wait3A_114 = arith.constant 0 : i32
    %dma_wait3A_115 = arith.constant 0 : i32
    %dma_wait3A_116 = tpu.memref_slice %arg2[%dma_wait3A_114, %dma_wait3A_115] : memref<16384x128xf32, #tpu.memory_space<hbm>> -> memref<16384x128xf32, #tpu.memory_space<hbm>>
    tpu.wait_indirect_dma semaphore(%arg10 : memref<!tpu.dma_semaphore, #tpu.memory_space<semaphore_mem>>) src(%dma_wait3A_116 : memref<16384x128xf32, #tpu.memory_space<hbm>>) dst(%arg7 : memref<128x128xf32, #tpu.memory_space<vmem>>)
    %add3A_117 = arith.constant 640 : i32
    %add3A_118 = arith.addi %mul3A_2, %add3A_117 : i32
    %dma_start3A_119 = arith.constant 0 : i32
    %dma_start3A_120 = tpu.memref_slice %arg4[%add3A_118, %dma_start3A_119] : memref<32768x128xf32, #tpu.memory_space<hbm>> -> memref<128x128xf32, #tpu.memory_space<hbm>>
    %dma_start3A_121 = arith.constant 0 : i32
    %dma_start3A_122 = tpu.memref_slice %arg4[%add3A_118, %dma_start3A_121] : memref<32768x128xf32, #tpu.memory_space<hbm>> -> memref<128x128xf32, #tpu.memory_space<hbm>>
    tpu.enqueue_dma source(%arg7 : memref<128x128xf32, #tpu.memory_space<vmem>>) target(%dma_start3A_122 : memref<128x128xf32, #tpu.memory_space<hbm>>) target_semaphore(%arg11 : memref<!tpu.dma_semaphore, #tpu.memory_space<semaphore_mem>>)
    %dma_wait3A_123 = arith.constant 768 : i32
    %dma_wait3A_124 = tpu.memref_slice %arg5[%dma_wait3A_123] : memref<1024xi32, #tpu.memory_space<vmem>> -> memref<128xi32, #tpu.memory_space<vmem>>
    %dma_wait3A_125 = arith.constant 0 : i32
    %dma_wait3A_126 = arith.constant 0 : i32
    %dma_wait3A_127 = tpu.memref_slice %arg2[%dma_wait3A_125, %dma_wait3A_126] : memref<16384x128xf32, #tpu.memory_space<hbm>> -> memref<16384x128xf32, #tpu.memory_space<hbm>>
    tpu.wait_indirect_dma semaphore(%arg10 : memref<!tpu.dma_semaphore, #tpu.memory_space<semaphore_mem>>) src(%dma_wait3A_127 : memref<16384x128xf32, #tpu.memory_space<hbm>>) dst(%arg8 : memref<128x128xf32, #tpu.memory_space<vmem>>)
    %add3A_128 = arith.constant 768 : i32
    %add3A_129 = arith.addi %mul3A_2, %add3A_128 : i32
    %dma_start3A_130 = arith.constant 0 : i32
    %dma_start3A_131 = tpu.memref_slice %arg4[%add3A_129, %dma_start3A_130] : memref<32768x128xf32, #tpu.memory_space<hbm>> -> memref<128x128xf32, #tpu.memory_space<hbm>>
    %dma_start3A_132 = arith.constant 0 : i32
    %dma_start3A_133 = tpu.memref_slice %arg4[%add3A_129, %dma_start3A_132] : memref<32768x128xf32, #tpu.memory_space<hbm>> -> memref<128x128xf32, #tpu.memory_space<hbm>>
    tpu.enqueue_dma source(%arg8 : memref<128x128xf32, #tpu.memory_space<vmem>>) target(%dma_start3A_133 : memref<128x128xf32, #tpu.memory_space<hbm>>) target_semaphore(%arg11 : memref<!tpu.dma_semaphore, #tpu.memory_space<semaphore_mem>>)
    %dma_wait3A_134 = arith.constant 896 : i32
    %dma_wait3A_135 = tpu.memref_slice %arg5[%dma_wait3A_134] : memref<1024xi32, #tpu.memory_space<vmem>> -> memref<128xi32, #tpu.memory_space<vmem>>
    %dma_wait3A_136 = arith.constant 0 : i32
    %dma_wait3A_137 = arith.constant 0 : i32
    %dma_wait3A_138 = tpu.memref_slice %arg2[%dma_wait3A_136, %dma_wait3A_137] : memref<16384x128xf32, #tpu.memory_space<hbm>> -> memref<16384x128xf32, #tpu.memory_space<hbm>>
    tpu.wait_indirect_dma semaphore(%arg10 : memref<!tpu.dma_semaphore, #tpu.memory_space<semaphore_mem>>) src(%dma_wait3A_138 : memref<16384x128xf32, #tpu.memory_space<hbm>>) dst(%arg9 : memref<128x128xf32, #tpu.memory_space<vmem>>)
    %add3A_139 = arith.constant 896 : i32
    %add3A_140 = arith.addi %mul3A_2, %add3A_139 : i32
    %dma_start3A_141 = arith.constant 0 : i32
    %dma_start3A_142 = tpu.memref_slice %arg4[%add3A_140, %dma_start3A_141] : memref<32768x128xf32, #tpu.memory_space<hbm>> -> memref<128x128xf32, #tpu.memory_space<hbm>>
    %dma_start3A_143 = arith.constant 0 : i32
    %dma_start3A_144 = tpu.memref_slice %arg4[%add3A_140, %dma_start3A_143] : memref<32768x128xf32, #tpu.memory_space<hbm>> -> memref<128x128xf32, #tpu.memory_space<hbm>>
    tpu.enqueue_dma source(%arg9 : memref<128x128xf32, #tpu.memory_space<vmem>>) target(%dma_start3A_144 : memref<128x128xf32, #tpu.memory_space<hbm>>) target_semaphore(%arg11 : memref<!tpu.dma_semaphore, #tpu.memory_space<semaphore_mem>>)
    %dma_wait3A_145 = arith.constant 0 : i32
    %dma_wait3A_146 = tpu.memref_slice %arg4[%add3A_107, %dma_wait3A_145] : memref<32768x128xf32, #tpu.memory_space<hbm>> -> memref<128x128xf32, #tpu.memory_space<hbm>>
    %dma_wait3A_147 = arith.constant 0 : i32
    %dma_wait3A_148 = tpu.memref_slice %arg4[%add3A_107, %dma_wait3A_147] : memref<32768x128xf32, #tpu.memory_space<hbm>> -> memref<128x128xf32, #tpu.memory_space<hbm>>
    tpu.wait_dma2 semaphore(%arg11 : memref<!tpu.dma_semaphore, #tpu.memory_space<semaphore_mem>>) src(%arg6 : memref<128x128xf32, #tpu.memory_space<vmem>>) dst(%dma_wait3A_148 : memref<128x128xf32, #tpu.memory_space<hbm>>)
    %dma_wait3A_149 = arith.constant 0 : i32
    %dma_wait3A_150 = tpu.memref_slice %arg4[%add3A_118, %dma_wait3A_149] : memref<32768x128xf32, #tpu.memory_space<hbm>> -> memref<128x128xf32, #tpu.memory_space<hbm>>
    %dma_wait3A_151 = arith.constant 0 : i32
    %dma_wait3A_152 = tpu.memref_slice %arg4[%add3A_118, %dma_wait3A_151] : memref<32768x128xf32, #tpu.memory_space<hbm>> -> memref<128x128xf32, #tpu.memory_space<hbm>>
    tpu.wait_dma2 semaphore(%arg11 : memref<!tpu.dma_semaphore, #tpu.memory_space<semaphore_mem>>) src(%arg7 : memref<128x128xf32, #tpu.memory_space<vmem>>) dst(%dma_wait3A_152 : memref<128x128xf32, #tpu.memory_space<hbm>>)
    %dma_wait3A_153 = arith.constant 0 : i32
    %dma_wait3A_154 = tpu.memref_slice %arg4[%add3A_129, %dma_wait3A_153] : memref<32768x128xf32, #tpu.memory_space<hbm>> -> memref<128x128xf32, #tpu.memory_space<hbm>>
    %dma_wait3A_155 = arith.constant 0 : i32
    %dma_wait3A_156 = tpu.memref_slice %arg4[%add3A_129, %dma_wait3A_155] : memref<32768x128xf32, #tpu.memory_space<hbm>> -> memref<128x128xf32, #tpu.memory_space<hbm>>
    tpu.wait_dma2 semaphore(%arg11 : memref<!tpu.dma_semaphore, #tpu.memory_space<semaphore_mem>>) src(%arg8 : memref<128x128xf32, #tpu.memory_space<vmem>>) dst(%dma_wait3A_156 : memref<128x128xf32, #tpu.memory_space<hbm>>)
    %dma_wait3A_157 = arith.constant 0 : i32
    %dma_wait3A_158 = tpu.memref_slice %arg4[%add3A_140, %dma_wait3A_157] : memref<32768x128xf32, #tpu.memory_space<hbm>> -> memref<128x128xf32, #tpu.memory_space<hbm>>
    %dma_wait3A_159 = arith.constant 0 : i32
    %dma_wait3A_160 = tpu.memref_slice %arg4[%add3A_140, %dma_wait3A_159] : memref<32768x128xf32, #tpu.memory_space<hbm>> -> memref<128x128xf32, #tpu.memory_space<hbm>>
    tpu.wait_dma2 semaphore(%arg11 : memref<!tpu.dma_semaphore, #tpu.memory_space<semaphore_mem>>) src(%arg9 : memref<128x128xf32, #tpu.memory_space<vmem>>) dst(%dma_wait3A_160 : memref<128x128xf32, #tpu.memory_space<hbm>>)
    return
  }
}

module attributes {stable_mosaic.version = 14 : i64} {
  func.func @_fps_body(%arg0: memref<16x3x1024xf32, #tpu.memory_space<vmem>>, %arg1: memref<16x1x1024xi32, #tpu.memory_space<vmem>>, %arg2: memref<16x1024xf32, #tpu.memory_space<vmem>>, %arg3: memref<16x1024xi32, #tpu.memory_space<vmem>>) attributes {dimension_semantics = [], scalar_prefetch = 0 : i64, scratch_operands = 2 : i64, tpu.core_type = #tpu.core_type<tc>} {
    %get3A = arith.constant 0 : index
    %get3A_0 = arith.constant 0 : index
    %get3A_1 = arith.constant 0 : index
    %get3A_2 = vector.load %arg0[%get3A, %get3A_0, %get3A_1] : memref<16x3x1024xf32, #tpu.memory_space<vmem>>, vector<16x1x1024xf32>
    %get3A_3 = vector.shape_cast %get3A_2 : vector<16x1x1024xf32> to vector<16x1024xf32>
    %get3A_4 = arith.constant 0 : index
    %get3A_5 = arith.constant 1 : index
    %get3A_6 = arith.constant 0 : index
    %get3A_7 = vector.load %arg0[%get3A_4, %get3A_5, %get3A_6] : memref<16x3x1024xf32, #tpu.memory_space<vmem>>, vector<16x1x1024xf32>
    %get3A_8 = vector.shape_cast %get3A_7 : vector<16x1x1024xf32> to vector<16x1024xf32>
    %get3A_9 = arith.constant 0 : index
    %get3A_10 = arith.constant 2 : index
    %get3A_11 = arith.constant 0 : index
    %get3A_12 = vector.load %arg0[%get3A_9, %get3A_10, %get3A_11] : memref<16x3x1024xf32, #tpu.memory_space<vmem>>, vector<16x1x1024xf32>
    %get3A_13 = vector.shape_cast %get3A_12 : vector<16x1x1024xf32> to vector<16x1024xf32>
    %iota3A = tpu.iota {dimensions = array<i32: 1>} : vector<16x1024xi32>
    %broadcast_in_dim3A = arith.constant 1.000000e+10 : f32
    %broadcast_in_dim3A_14 = vector.broadcast %broadcast_in_dim3A : f32 to vector<16x1024xf32>
    %swap3A = arith.constant 0 : index
    %swap3A_15 = arith.constant 0 : index
    %swap3A_16 = vector.load %arg2[%swap3A, %swap3A_15] : memref<16x1024xf32, #tpu.memory_space<vmem>>, vector<16x1024xf32>
    tpu.vector_store %arg2[%swap3A, %swap3A_15], %broadcast_in_dim3A_14 {strides = array<i32>} : memref<16x1024xf32, #tpu.memory_space<vmem>>, vector<16x1024xf32>,
    %broadcast_in_dim3A_17 = arith.constant 1073741824 : i32
    %broadcast_in_dim3A_18 = vector.broadcast %broadcast_in_dim3A_17 : i32 to vector<16x1024xi32>
    %swap3A_19 = arith.constant 0 : index
    %swap3A_20 = arith.constant 0 : index
    %swap3A_21 = vector.load %arg3[%swap3A_19, %swap3A_20] : memref<16x1024xi32, #tpu.memory_space<vmem>>, vector<16x1024xi32>
    tpu.vector_store %arg3[%swap3A_19, %swap3A_20], %broadcast_in_dim3A_18 {strides = array<i32>} : memref<16x1024xi32, #tpu.memory_space<vmem>>, vector<16x1024xi32>,
    %reduce_min3A = arith.constant dense<2147483647> : vector<16xi32>
    %reduce_min3A_22 = vector.multi_reduction <minsi>, %iota3A, %reduce_min3A [1] : vector<16x1024xi32> to vector<16xi32>
    %broadcast_in_dim3A_23 = vector.shape_cast %reduce_min3A_22 : vector<16xi32> to vector<16x1xi32>
    %scan3A = arith.constant 0 : i32
    %scan3A_24 = arith.constant 255 : i32
    %scan3A_25 = arith.addi %scan3A, %scan3A_24 : i32
    %scan3A_26 = arith.constant 5 : i32
    %scan3A_27 = scf.for %scan3A_40 = %scan3A to %scan3A_25 step %scan3A_26 iter_args(%scan3A_41 = %broadcast_in_dim3A_23) -> (vector<16x1xi32>)  : i32 {
      %eq3A_42 = vector.broadcast %scan3A_41 : vector<16x1xi32> to vector<16x1024xi32>
      %eq3A_43 = arith.cmpi eq, %iota3A, %eq3A_42 : vector<16x1024xi32>
      %get3A_44 = arith.constant 0 : index
      %get3A_45 = arith.constant 0 : index
      %get3A_46 = vector.load %arg3[%get3A_44, %get3A_45] : memref<16x1024xi32, #tpu.memory_space<vmem>>, vector<16x1024xi32>
      %broadcast_in_dim3A_47 = vector.broadcast %scan3A_40 : i32 to vector<16x1024xi32>
      %select_n3A_48 = arith.select %eq3A_43, %broadcast_in_dim3A_47, %get3A_46 : vector<16x1024xi1>, vector<16x1024xi32>
      %swap3A_49 = arith.constant 0 : index
      %swap3A_50 = arith.constant 0 : index
      %swap3A_51 = vector.load %arg3[%swap3A_49, %swap3A_50] : memref<16x1024xi32, #tpu.memory_space<vmem>>, vector<16x1024xi32>
      tpu.vector_store %arg3[%swap3A_49, %swap3A_50], %select_n3A_48 {strides = array<i32>} : memref<16x1024xi32, #tpu.memory_space<vmem>>, vector<16x1024xi32>,
      %jit3A_52 = arith.constant 0.000000e+00 : f32
      %broadcast_in_dim3A_53 = vector.broadcast %jit3A_52 : f32 to vector<16x1024xf32>
      %select_n3A_54 = arith.select %eq3A_43, %get3A_3, %broadcast_in_dim3A_53 : vector<16x1024xi1>, vector<16x1024xf32>
      %reduce_sum3A = arith.constant dense<0.000000e+00> : vector<16xf32>
      %reduce_sum3A_55 = vector.multi_reduction <add>, %select_n3A_54, %reduce_sum3A [1] : vector<16x1024xf32> to vector<16xf32>
      %broadcast_in_dim3A_56 = vector.shape_cast %reduce_sum3A_55 : vector<16xf32> to vector<16x1xf32>
      %jit3A_57 = arith.constant 0.000000e+00 : f32
      %broadcast_in_dim3A_58 = vector.broadcast %jit3A_57 : f32 to vector<16x1024xf32>
      %select_n3A_59 = arith.select %eq3A_43, %get3A_8, %broadcast_in_dim3A_58 : vector<16x1024xi1>, vector<16x1024xf32>
      %reduce_sum3A_60 = arith.constant dense<0.000000e+00> : vector<16xf32>
      %reduce_sum3A_61 = vector.multi_reduction <add>, %select_n3A_59, %reduce_sum3A_60 [1] : vector<16x1024xf32> to vector<16xf32>
      %broadcast_in_dim3A_62 = vector.shape_cast %reduce_sum3A_61 : vector<16xf32> to vector<16x1xf32>
      %jit3A_63 = arith.constant 0.000000e+00 : f32
      %broadcast_in_dim3A_64 = vector.broadcast %jit3A_63 : f32 to vector<16x1024xf32>
      %select_n3A_65 = arith.select %eq3A_43, %get3A_13, %broadcast_in_dim3A_64 : vector<16x1024xi1>, vector<16x1024xf32>
      %reduce_sum3A_66 = arith.constant dense<0.000000e+00> : vector<16xf32>
      %reduce_sum3A_67 = vector.multi_reduction <add>, %select_n3A_65, %reduce_sum3A_66 [1] : vector<16x1024xf32> to vector<16xf32>
      %broadcast_in_dim3A_68 = vector.shape_cast %reduce_sum3A_67 : vector<16xf32> to vector<16x1xf32>
      %sub3A = vector.broadcast %broadcast_in_dim3A_56 : vector<16x1xf32> to vector<16x1024xf32>
      %sub3A_69 = arith.subf %get3A_3, %sub3A : vector<16x1024xf32>
      %integer_pow3A = arith.mulf %sub3A_69, %sub3A_69 : vector<16x1024xf32>
      %sub3A_70 = vector.broadcast %broadcast_in_dim3A_62 : vector<16x1xf32> to vector<16x1024xf32>
      %sub3A_71 = arith.subf %get3A_8, %sub3A_70 : vector<16x1024xf32>
      %integer_pow3A_72 = arith.mulf %sub3A_71, %sub3A_71 : vector<16x1024xf32>
      %add3A = arith.addf %integer_pow3A, %integer_pow3A_72 : vector<16x1024xf32>
      %sub3A_73 = vector.broadcast %broadcast_in_dim3A_68 : vector<16x1xf32> to vector<16x1024xf32>
      %sub3A_74 = arith.subf %get3A_13, %sub3A_73 : vector<16x1024xf32>
      %integer_pow3A_75 = arith.mulf %sub3A_74, %sub3A_74 : vector<16x1024xf32>
      %add3A_76 = arith.addf %add3A, %integer_pow3A_75 : vector<16x1024xf32>
      %get3A_77 = arith.constant 0 : index
      %get3A_78 = arith.constant 0 : index
      %get3A_79 = vector.load %arg2[%get3A_77, %get3A_78] : memref<16x1024xf32, #tpu.memory_space<vmem>>, vector<16x1024xf32>
      %min3A = arith.minimumf %get3A_79, %add3A_76 : vector<16x1024xf32>
      %swap3A_80 = arith.constant 0 : index
      %swap3A_81 = arith.constant 0 : index
      %swap3A_82 = vector.load %arg2[%swap3A_80, %swap3A_81] : memref<16x1024xf32, #tpu.memory_space<vmem>>, vector<16x1024xf32>
      tpu.vector_store %arg2[%swap3A_80, %swap3A_81], %min3A {strides = array<i32>} : memref<16x1024xf32, #tpu.memory_space<vmem>>, vector<16x1024xf32>,
      %reduce_max3A = arith.constant dense<0xFF800000> : vector<16xf32>
      %reduce_max3A_83 = vector.multi_reduction <maximumf>, %min3A, %reduce_max3A [1] : vector<16x1024xf32> to vector<16xf32>
      %broadcast_in_dim3A_84 = vector.shape_cast %reduce_max3A_83 : vector<16xf32> to vector<16x1xf32>
      %eq3A_85 = vector.broadcast %broadcast_in_dim3A_84 : vector<16x1xf32> to vector<16x1024xf32>
      %eq3A_86 = arith.cmpf oeq, %min3A, %eq3A_85 : vector<16x1024xf32>
      %jit3A_87 = arith.constant 1024 : i32
      %broadcast_in_dim3A_88 = vector.broadcast %jit3A_87 : i32 to vector<16x1024xi32>
      %select_n3A_89 = arith.select %eq3A_86, %iota3A, %broadcast_in_dim3A_88 : vector<16x1024xi1>, vector<16x1024xi32>
      %reduce_min3A_90 = arith.constant dense<2147483647> : vector<16xi32>
      %reduce_min3A_91 = vector.multi_reduction <minsi>, %select_n3A_89, %reduce_min3A_90 [1] : vector<16x1024xi32> to vector<16xi32>
      %broadcast_in_dim3A_92 = vector.shape_cast %reduce_min3A_91 : vector<16xi32> to vector<16x1xi32>
      %scan3A_93 = arith.constant 1 : i32
      %scan3A_94 = arith.addi %scan3A_40, %scan3A_93 : i32
      %eq3A_95 = vector.broadcast %broadcast_in_dim3A_92 : vector<16x1xi32> to vector<16x1024xi32>
      %eq3A_96 = arith.cmpi eq, %iota3A, %eq3A_95 : vector<16x1024xi32>
      %get3A_97 = arith.constant 0 : index
      %get3A_98 = arith.constant 0 : index
      %get3A_99 = vector.load %arg3[%get3A_97, %get3A_98] : memref<16x1024xi32, #tpu.memory_space<vmem>>, vector<16x1024xi32>
      %broadcast_in_dim3A_100 = vector.broadcast %scan3A_94 : i32 to vector<16x1024xi32>
      %select_n3A_101 = arith.select %eq3A_96, %broadcast_in_dim3A_100, %get3A_99 : vector<16x1024xi1>, vector<16x1024xi32>
      %swap3A_102 = arith.constant 0 : index
      %swap3A_103 = arith.constant 0 : index
      %swap3A_104 = vector.load %arg3[%swap3A_102, %swap3A_103] : memref<16x1024xi32, #tpu.memory_space<vmem>>, vector<16x1024xi32>
      tpu.vector_store %arg3[%swap3A_102, %swap3A_103], %select_n3A_101 {strides = array<i32>} : memref<16x1024xi32, #tpu.memory_space<vmem>>, vector<16x1024xi32>,
      %jit3A_105 = arith.constant 0.000000e+00 : f32
      %broadcast_in_dim3A_106 = vector.broadcast %jit3A_105 : f32 to vector<16x1024xf32>
      %select_n3A_107 = arith.select %eq3A_96, %get3A_3, %broadcast_in_dim3A_106 : vector<16x1024xi1>, vector<16x1024xf32>
      %reduce_sum3A_108 = arith.constant dense<0.000000e+00> : vector<16xf32>
      %reduce_sum3A_109 = vector.multi_reduction <add>, %select_n3A_107, %reduce_sum3A_108 [1] : vector<16x1024xf32> to vector<16xf32>
      %broadcast_in_dim3A_110 = vector.shape_cast %reduce_sum3A_109 : vector<16xf32> to vector<16x1xf32>
      %jit3A_111 = arith.constant 0.000000e+00 : f32
      %broadcast_in_dim3A_112 = vector.broadcast %jit3A_111 : f32 to vector<16x1024xf32>
      %select_n3A_113 = arith.select %eq3A_96, %get3A_8, %broadcast_in_dim3A_112 : vector<16x1024xi1>, vector<16x1024xf32>
      %reduce_sum3A_114 = arith.constant dense<0.000000e+00> : vector<16xf32>
      %reduce_sum3A_115 = vector.multi_reduction <add>, %select_n3A_113, %reduce_sum3A_114 [1] : vector<16x1024xf32> to vector<16xf32>
      %broadcast_in_dim3A_116 = vector.shape_cast %reduce_sum3A_115 : vector<16xf32> to vector<16x1xf32>
      %jit3A_117 = arith.constant 0.000000e+00 : f32
      %broadcast_in_dim3A_118 = vector.broadcast %jit3A_117 : f32 to vector<16x1024xf32>
      %select_n3A_119 = arith.select %eq3A_96, %get3A_13, %broadcast_in_dim3A_118 : vector<16x1024xi1>, vector<16x1024xf32>
      %reduce_sum3A_120 = arith.constant dense<0.000000e+00> : vector<16xf32>
      %reduce_sum3A_121 = vector.multi_reduction <add>, %select_n3A_119, %reduce_sum3A_120 [1] : vector<16x1024xf32> to vector<16xf32>
      %broadcast_in_dim3A_122 = vector.shape_cast %reduce_sum3A_121 : vector<16xf32> to vector<16x1xf32>
      %sub3A_123 = vector.broadcast %broadcast_in_dim3A_110 : vector<16x1xf32> to vector<16x1024xf32>
      %sub3A_124 = arith.subf %get3A_3, %sub3A_123 : vector<16x1024xf32>
      %integer_pow3A_125 = arith.mulf %sub3A_124, %sub3A_124 : vector<16x1024xf32>
      %sub3A_126 = vector.broadcast %broadcast_in_dim3A_116 : vector<16x1xf32> to vector<16x1024xf32>
      %sub3A_127 = arith.subf %get3A_8, %sub3A_126 : vector<16x1024xf32>
      %integer_pow3A_128 = arith.mulf %sub3A_127, %sub3A_127 : vector<16x1024xf32>
      %add3A_129 = arith.addf %integer_pow3A_125, %integer_pow3A_128 : vector<16x1024xf32>
      %sub3A_130 = vector.broadcast %broadcast_in_dim3A_122 : vector<16x1xf32> to vector<16x1024xf32>
      %sub3A_131 = arith.subf %get3A_13, %sub3A_130 : vector<16x1024xf32>
      %integer_pow3A_132 = arith.mulf %sub3A_131, %sub3A_131 : vector<16x1024xf32>
      %add3A_133 = arith.addf %add3A_129, %integer_pow3A_132 : vector<16x1024xf32>
      %get3A_134 = arith.constant 0 : index
      %get3A_135 = arith.constant 0 : index
      %get3A_136 = vector.load %arg2[%get3A_134, %get3A_135] : memref<16x1024xf32, #tpu.memory_space<vmem>>, vector<16x1024xf32>
      %min3A_137 = arith.minimumf %get3A_136, %add3A_133 : vector<16x1024xf32>
      %swap3A_138 = arith.constant 0 : index
      %swap3A_139 = arith.constant 0 : index
      %swap3A_140 = vector.load %arg2[%swap3A_138, %swap3A_139] : memref<16x1024xf32, #tpu.memory_space<vmem>>, vector<16x1024xf32>
      tpu.vector_store %arg2[%swap3A_138, %swap3A_139], %min3A_137 {strides = array<i32>} : memref<16x1024xf32, #tpu.memory_space<vmem>>, vector<16x1024xf32>,
      %reduce_max3A_141 = arith.constant dense<0xFF800000> : vector<16xf32>
      %reduce_max3A_142 = vector.multi_reduction <maximumf>, %min3A_137, %reduce_max3A_141 [1] : vector<16x1024xf32> to vector<16xf32>
      %broadcast_in_dim3A_143 = vector.shape_cast %reduce_max3A_142 : vector<16xf32> to vector<16x1xf32>
      %eq3A_144 = vector.broadcast %broadcast_in_dim3A_143 : vector<16x1xf32> to vector<16x1024xf32>
      %eq3A_145 = arith.cmpf oeq, %min3A_137, %eq3A_144 : vector<16x1024xf32>
      %jit3A_146 = arith.constant 1024 : i32
      %broadcast_in_dim3A_147 = vector.broadcast %jit3A_146 : i32 to vector<16x1024xi32>
      %select_n3A_148 = arith.select %eq3A_145, %iota3A, %broadcast_in_dim3A_147 : vector<16x1024xi1>, vector<16x1024xi32>
      %reduce_min3A_149 = arith.constant dense<2147483647> : vector<16xi32>
      %reduce_min3A_150 = vector.multi_reduction <minsi>, %select_n3A_148, %reduce_min3A_149 [1] : vector<16x1024xi32> to vector<16xi32>
      %broadcast_in_dim3A_151 = vector.shape_cast %reduce_min3A_150 : vector<16xi32> to vector<16x1xi32>
      %scan3A_152 = arith.constant 2 : i32
      %scan3A_153 = arith.addi %scan3A_40, %scan3A_152 : i32
      %eq3A_154 = vector.broadcast %broadcast_in_dim3A_151 : vector<16x1xi32> to vector<16x1024xi32>
      %eq3A_155 = arith.cmpi eq, %iota3A, %eq3A_154 : vector<16x1024xi32>
      %get3A_156 = arith.constant 0 : index
      %get3A_157 = arith.constant 0 : index
      %get3A_158 = vector.load %arg3[%get3A_156, %get3A_157] : memref<16x1024xi32, #tpu.memory_space<vmem>>, vector<16x1024xi32>
      %broadcast_in_dim3A_159 = vector.broadcast %scan3A_153 : i32 to vector<16x1024xi32>
      %select_n3A_160 = arith.select %eq3A_155, %broadcast_in_dim3A_159, %get3A_158 : vector<16x1024xi1>, vector<16x1024xi32>
      %swap3A_161 = arith.constant 0 : index
      %swap3A_162 = arith.constant 0 : index
      %swap3A_163 = vector.load %arg3[%swap3A_161, %swap3A_162] : memref<16x1024xi32, #tpu.memory_space<vmem>>, vector<16x1024xi32>
      tpu.vector_store %arg3[%swap3A_161, %swap3A_162], %select_n3A_160 {strides = array<i32>} : memref<16x1024xi32, #tpu.memory_space<vmem>>, vector<16x1024xi32>,
      %jit3A_164 = arith.constant 0.000000e+00 : f32
      %broadcast_in_dim3A_165 = vector.broadcast %jit3A_164 : f32 to vector<16x1024xf32>
      %select_n3A_166 = arith.select %eq3A_155, %get3A_3, %broadcast_in_dim3A_165 : vector<16x1024xi1>, vector<16x1024xf32>
      %reduce_sum3A_167 = arith.constant dense<0.000000e+00> : vector<16xf32>
      %reduce_sum3A_168 = vector.multi_reduction <add>, %select_n3A_166, %reduce_sum3A_167 [1] : vector<16x1024xf32> to vector<16xf32>
      %broadcast_in_dim3A_169 = vector.shape_cast %reduce_sum3A_168 : vector<16xf32> to vector<16x1xf32>
      %jit3A_170 = arith.constant 0.000000e+00 : f32
      %broadcast_in_dim3A_171 = vector.broadcast %jit3A_170 : f32 to vector<16x1024xf32>
      %select_n3A_172 = arith.select %eq3A_155, %get3A_8, %broadcast_in_dim3A_171 : vector<16x1024xi1>, vector<16x1024xf32>
      %reduce_sum3A_173 = arith.constant dense<0.000000e+00> : vector<16xf32>
      %reduce_sum3A_174 = vector.multi_reduction <add>, %select_n3A_172, %reduce_sum3A_173 [1] : vector<16x1024xf32> to vector<16xf32>
      %broadcast_in_dim3A_175 = vector.shape_cast %reduce_sum3A_174 : vector<16xf32> to vector<16x1xf32>
      %jit3A_176 = arith.constant 0.000000e+00 : f32
      %broadcast_in_dim3A_177 = vector.broadcast %jit3A_176 : f32 to vector<16x1024xf32>
      %select_n3A_178 = arith.select %eq3A_155, %get3A_13, %broadcast_in_dim3A_177 : vector<16x1024xi1>, vector<16x1024xf32>
      %reduce_sum3A_179 = arith.constant dense<0.000000e+00> : vector<16xf32>
      %reduce_sum3A_180 = vector.multi_reduction <add>, %select_n3A_178, %reduce_sum3A_179 [1] : vector<16x1024xf32> to vector<16xf32>
      %broadcast_in_dim3A_181 = vector.shape_cast %reduce_sum3A_180 : vector<16xf32> to vector<16x1xf32>
      %sub3A_182 = vector.broadcast %broadcast_in_dim3A_169 : vector<16x1xf32> to vector<16x1024xf32>
      %sub3A_183 = arith.subf %get3A_3, %sub3A_182 : vector<16x1024xf32>
      %integer_pow3A_184 = arith.mulf %sub3A_183, %sub3A_183 : vector<16x1024xf32>
      %sub3A_185 = vector.broadcast %broadcast_in_dim3A_175 : vector<16x1xf32> to vector<16x1024xf32>
      %sub3A_186 = arith.subf %get3A_8, %sub3A_185 : vector<16x1024xf32>
      %integer_pow3A_187 = arith.mulf %sub3A_186, %sub3A_186 : vector<16x1024xf32>
      %add3A_188 = arith.addf %integer_pow3A_184, %integer_pow3A_187 : vector<16x1024xf32>
      %sub3A_189 = vector.broadcast %broadcast_in_dim3A_181 : vector<16x1xf32> to vector<16x1024xf32>
      %sub3A_190 = arith.subf %get3A_13, %sub3A_189 : vector<16x1024xf32>
      %integer_pow3A_191 = arith.mulf %sub3A_190, %sub3A_190 : vector<16x1024xf32>
      %add3A_192 = arith.addf %add3A_188, %integer_pow3A_191 : vector<16x1024xf32>
      %get3A_193 = arith.constant 0 : index
      %get3A_194 = arith.constant 0 : index
      %get3A_195 = vector.load %arg2[%get3A_193, %get3A_194] : memref<16x1024xf32, #tpu.memory_space<vmem>>, vector<16x1024xf32>
      %min3A_196 = arith.minimumf %get3A_195, %add3A_192 : vector<16x1024xf32>
      %swap3A_197 = arith.constant 0 : index
      %swap3A_198 = arith.constant 0 : index
      %swap3A_199 = vector.load %arg2[%swap3A_197, %swap3A_198] : memref<16x1024xf32, #tpu.memory_space<vmem>>, vector<16x1024xf32>
      tpu.vector_store %arg2[%swap3A_197, %swap3A_198], %min3A_196 {strides = array<i32>} : memref<16x1024xf32, #tpu.memory_space<vmem>>, vector<16x1024xf32>,
      %reduce_max3A_200 = arith.constant dense<0xFF800000> : vector<16xf32>
      %reduce_max3A_201 = vector.multi_reduction <maximumf>, %min3A_196, %reduce_max3A_200 [1] : vector<16x1024xf32> to vector<16xf32>
      %broadcast_in_dim3A_202 = vector.shape_cast %reduce_max3A_201 : vector<16xf32> to vector<16x1xf32>
      %eq3A_203 = vector.broadcast %broadcast_in_dim3A_202 : vector<16x1xf32> to vector<16x1024xf32>
      %eq3A_204 = arith.cmpf oeq, %min3A_196, %eq3A_203 : vector<16x1024xf32>
      %jit3A_205 = arith.constant 1024 : i32
      %broadcast_in_dim3A_206 = vector.broadcast %jit3A_205 : i32 to vector<16x1024xi32>
      %select_n3A_207 = arith.select %eq3A_204, %iota3A, %broadcast_in_dim3A_206 : vector<16x1024xi1>, vector<16x1024xi32>
      %reduce_min3A_208 = arith.constant dense<2147483647> : vector<16xi32>
      %reduce_min3A_209 = vector.multi_reduction <minsi>, %select_n3A_207, %reduce_min3A_208 [1] : vector<16x1024xi32> to vector<16xi32>
      %broadcast_in_dim3A_210 = vector.shape_cast %reduce_min3A_209 : vector<16xi32> to vector<16x1xi32>
      %scan3A_211 = arith.constant 3 : i32
      %scan3A_212 = arith.addi %scan3A_40, %scan3A_211 : i32
      %eq3A_213 = vector.broadcast %broadcast_in_dim3A_210 : vector<16x1xi32> to vector<16x1024xi32>
      %eq3A_214 = arith.cmpi eq, %iota3A, %eq3A_213 : vector<16x1024xi32>
      %get3A_215 = arith.constant 0 : index
      %get3A_216 = arith.constant 0 : index
      %get3A_217 = vector.load %arg3[%get3A_215, %get3A_216] : memref<16x1024xi32, #tpu.memory_space<vmem>>, vector<16x1024xi32>
      %broadcast_in_dim3A_218 = vector.broadcast %scan3A_212 : i32 to vector<16x1024xi32>
      %select_n3A_219 = arith.select %eq3A_214, %broadcast_in_dim3A_218, %get3A_217 : vector<16x1024xi1>, vector<16x1024xi32>
      %swap3A_220 = arith.constant 0 : index
      %swap3A_221 = arith.constant 0 : index
      %swap3A_222 = vector.load %arg3[%swap3A_220, %swap3A_221] : memref<16x1024xi32, #tpu.memory_space<vmem>>, vector<16x1024xi32>
      tpu.vector_store %arg3[%swap3A_220, %swap3A_221], %select_n3A_219 {strides = array<i32>} : memref<16x1024xi32, #tpu.memory_space<vmem>>, vector<16x1024xi32>,
      %jit3A_223 = arith.constant 0.000000e+00 : f32
      %broadcast_in_dim3A_224 = vector.broadcast %jit3A_223 : f32 to vector<16x1024xf32>
      %select_n3A_225 = arith.select %eq3A_214, %get3A_3, %broadcast_in_dim3A_224 : vector<16x1024xi1>, vector<16x1024xf32>
      %reduce_sum3A_226 = arith.constant dense<0.000000e+00> : vector<16xf32>
      %reduce_sum3A_227 = vector.multi_reduction <add>, %select_n3A_225, %reduce_sum3A_226 [1] : vector<16x1024xf32> to vector<16xf32>
      %broadcast_in_dim3A_228 = vector.shape_cast %reduce_sum3A_227 : vector<16xf32> to vector<16x1xf32>
      %jit3A_229 = arith.constant 0.000000e+00 : f32
      %broadcast_in_dim3A_230 = vector.broadcast %jit3A_229 : f32 to vector<16x1024xf32>
      %select_n3A_231 = arith.select %eq3A_214, %get3A_8, %broadcast_in_dim3A_230 : vector<16x1024xi1>, vector<16x1024xf32>
      %reduce_sum3A_232 = arith.constant dense<0.000000e+00> : vector<16xf32>
      %reduce_sum3A_233 = vector.multi_reduction <add>, %select_n3A_231, %reduce_sum3A_232 [1] : vector<16x1024xf32> to vector<16xf32>
      %broadcast_in_dim3A_234 = vector.shape_cast %reduce_sum3A_233 : vector<16xf32> to vector<16x1xf32>
      %jit3A_235 = arith.constant 0.000000e+00 : f32
      %broadcast_in_dim3A_236 = vector.broadcast %jit3A_235 : f32 to vector<16x1024xf32>
      %select_n3A_237 = arith.select %eq3A_214, %get3A_13, %broadcast_in_dim3A_236 : vector<16x1024xi1>, vector<16x1024xf32>
      %reduce_sum3A_238 = arith.constant dense<0.000000e+00> : vector<16xf32>
      %reduce_sum3A_239 = vector.multi_reduction <add>, %select_n3A_237, %reduce_sum3A_238 [1] : vector<16x1024xf32> to vector<16xf32>
      %broadcast_in_dim3A_240 = vector.shape_cast %reduce_sum3A_239 : vector<16xf32> to vector<16x1xf32>
      %sub3A_241 = vector.broadcast %broadcast_in_dim3A_228 : vector<16x1xf32> to vector<16x1024xf32>
      %sub3A_242 = arith.subf %get3A_3, %sub3A_241 : vector<16x1024xf32>
      %integer_pow3A_243 = arith.mulf %sub3A_242, %sub3A_242 : vector<16x1024xf32>
      %sub3A_244 = vector.broadcast %broadcast_in_dim3A_234 : vector<16x1xf32> to vector<16x1024xf32>
      %sub3A_245 = arith.subf %get3A_8, %sub3A_244 : vector<16x1024xf32>
      %integer_pow3A_246 = arith.mulf %sub3A_245, %sub3A_245 : vector<16x1024xf32>
      %add3A_247 = arith.addf %integer_pow3A_243, %integer_pow3A_246 : vector<16x1024xf32>
      %sub3A_248 = vector.broadcast %broadcast_in_dim3A_240 : vector<16x1xf32> to vector<16x1024xf32>
      %sub3A_249 = arith.subf %get3A_13, %sub3A_248 : vector<16x1024xf32>
      %integer_pow3A_250 = arith.mulf %sub3A_249, %sub3A_249 : vector<16x1024xf32>
      %add3A_251 = arith.addf %add3A_247, %integer_pow3A_250 : vector<16x1024xf32>
      %get3A_252 = arith.constant 0 : index
      %get3A_253 = arith.constant 0 : index
      %get3A_254 = vector.load %arg2[%get3A_252, %get3A_253] : memref<16x1024xf32, #tpu.memory_space<vmem>>, vector<16x1024xf32>
      %min3A_255 = arith.minimumf %get3A_254, %add3A_251 : vector<16x1024xf32>
      %swap3A_256 = arith.constant 0 : index
      %swap3A_257 = arith.constant 0 : index
      %swap3A_258 = vector.load %arg2[%swap3A_256, %swap3A_257] : memref<16x1024xf32, #tpu.memory_space<vmem>>, vector<16x1024xf32>
      tpu.vector_store %arg2[%swap3A_256, %swap3A_257], %min3A_255 {strides = array<i32>} : memref<16x1024xf32, #tpu.memory_space<vmem>>, vector<16x1024xf32>,
      %reduce_max3A_259 = arith.constant dense<0xFF800000> : vector<16xf32>
      %reduce_max3A_260 = vector.multi_reduction <maximumf>, %min3A_255, %reduce_max3A_259 [1] : vector<16x1024xf32> to vector<16xf32>
      %broadcast_in_dim3A_261 = vector.shape_cast %reduce_max3A_260 : vector<16xf32> to vector<16x1xf32>
      %eq3A_262 = vector.broadcast %broadcast_in_dim3A_261 : vector<16x1xf32> to vector<16x1024xf32>
      %eq3A_263 = arith.cmpf oeq, %min3A_255, %eq3A_262 : vector<16x1024xf32>
      %jit3A_264 = arith.constant 1024 : i32
      %broadcast_in_dim3A_265 = vector.broadcast %jit3A_264 : i32 to vector<16x1024xi32>
      %select_n3A_266 = arith.select %eq3A_263, %iota3A, %broadcast_in_dim3A_265 : vector<16x1024xi1>, vector<16x1024xi32>
      %reduce_min3A_267 = arith.constant dense<2147483647> : vector<16xi32>
      %reduce_min3A_268 = vector.multi_reduction <minsi>, %select_n3A_266, %reduce_min3A_267 [1] : vector<16x1024xi32> to vector<16xi32>
      %broadcast_in_dim3A_269 = vector.shape_cast %reduce_min3A_268 : vector<16xi32> to vector<16x1xi32>
      %scan3A_270 = arith.constant 4 : i32
      %scan3A_271 = arith.addi %scan3A_40, %scan3A_270 : i32
      %eq3A_272 = vector.broadcast %broadcast_in_dim3A_269 : vector<16x1xi32> to vector<16x1024xi32>
      %eq3A_273 = arith.cmpi eq, %iota3A, %eq3A_272 : vector<16x1024xi32>
      %get3A_274 = arith.constant 0 : index
      %get3A_275 = arith.constant 0 : index
      %get3A_276 = vector.load %arg3[%get3A_274, %get3A_275] : memref<16x1024xi32, #tpu.memory_space<vmem>>, vector<16x1024xi32>
      %broadcast_in_dim3A_277 = vector.broadcast %scan3A_271 : i32 to vector<16x1024xi32>
      %select_n3A_278 = arith.select %eq3A_273, %broadcast_in_dim3A_277, %get3A_276 : vector<16x1024xi1>, vector<16x1024xi32>
      %swap3A_279 = arith.constant 0 : index
      %swap3A_280 = arith.constant 0 : index
      %swap3A_281 = vector.load %arg3[%swap3A_279, %swap3A_280] : memref<16x1024xi32, #tpu.memory_space<vmem>>, vector<16x1024xi32>
      tpu.vector_store %arg3[%swap3A_279, %swap3A_280], %select_n3A_278 {strides = array<i32>} : memref<16x1024xi32, #tpu.memory_space<vmem>>, vector<16x1024xi32>,
      %jit3A_282 = arith.constant 0.000000e+00 : f32
      %broadcast_in_dim3A_283 = vector.broadcast %jit3A_282 : f32 to vector<16x1024xf32>
      %select_n3A_284 = arith.select %eq3A_273, %get3A_3, %broadcast_in_dim3A_283 : vector<16x1024xi1>, vector<16x1024xf32>
      %reduce_sum3A_285 = arith.constant dense<0.000000e+00> : vector<16xf32>
      %reduce_sum3A_286 = vector.multi_reduction <add>, %select_n3A_284, %reduce_sum3A_285 [1] : vector<16x1024xf32> to vector<16xf32>
      %broadcast_in_dim3A_287 = vector.shape_cast %reduce_sum3A_286 : vector<16xf32> to vector<16x1xf32>
      %jit3A_288 = arith.constant 0.000000e+00 : f32
      %broadcast_in_dim3A_289 = vector.broadcast %jit3A_288 : f32 to vector<16x1024xf32>
      %select_n3A_290 = arith.select %eq3A_273, %get3A_8, %broadcast_in_dim3A_289 : vector<16x1024xi1>, vector<16x1024xf32>
      %reduce_sum3A_291 = arith.constant dense<0.000000e+00> : vector<16xf32>
      %reduce_sum3A_292 = vector.multi_reduction <add>, %select_n3A_290, %reduce_sum3A_291 [1] : vector<16x1024xf32> to vector<16xf32>
      %broadcast_in_dim3A_293 = vector.shape_cast %reduce_sum3A_292 : vector<16xf32> to vector<16x1xf32>
      %jit3A_294 = arith.constant 0.000000e+00 : f32
      %broadcast_in_dim3A_295 = vector.broadcast %jit3A_294 : f32 to vector<16x1024xf32>
      %select_n3A_296 = arith.select %eq3A_273, %get3A_13, %broadcast_in_dim3A_295 : vector<16x1024xi1>, vector<16x1024xf32>
      %reduce_sum3A_297 = arith.constant dense<0.000000e+00> : vector<16xf32>
      %reduce_sum3A_298 = vector.multi_reduction <add>, %select_n3A_296, %reduce_sum3A_297 [1] : vector<16x1024xf32> to vector<16xf32>
      %broadcast_in_dim3A_299 = vector.shape_cast %reduce_sum3A_298 : vector<16xf32> to vector<16x1xf32>
      %sub3A_300 = vector.broadcast %broadcast_in_dim3A_287 : vector<16x1xf32> to vector<16x1024xf32>
      %sub3A_301 = arith.subf %get3A_3, %sub3A_300 : vector<16x1024xf32>
      %integer_pow3A_302 = arith.mulf %sub3A_301, %sub3A_301 : vector<16x1024xf32>
      %sub3A_303 = vector.broadcast %broadcast_in_dim3A_293 : vector<16x1xf32> to vector<16x1024xf32>
      %sub3A_304 = arith.subf %get3A_8, %sub3A_303 : vector<16x1024xf32>
      %integer_pow3A_305 = arith.mulf %sub3A_304, %sub3A_304 : vector<16x1024xf32>
      %add3A_306 = arith.addf %integer_pow3A_302, %integer_pow3A_305 : vector<16x1024xf32>
      %sub3A_307 = vector.broadcast %broadcast_in_dim3A_299 : vector<16x1xf32> to vector<16x1024xf32>
      %sub3A_308 = arith.subf %get3A_13, %sub3A_307 : vector<16x1024xf32>
      %integer_pow3A_309 = arith.mulf %sub3A_308, %sub3A_308 : vector<16x1024xf32>
      %add3A_310 = arith.addf %add3A_306, %integer_pow3A_309 : vector<16x1024xf32>
      %get3A_311 = arith.constant 0 : index
      %get3A_312 = arith.constant 0 : index
      %get3A_313 = vector.load %arg2[%get3A_311, %get3A_312] : memref<16x1024xf32, #tpu.memory_space<vmem>>, vector<16x1024xf32>
      %min3A_314 = arith.minimumf %get3A_313, %add3A_310 : vector<16x1024xf32>
      %swap3A_315 = arith.constant 0 : index
      %swap3A_316 = arith.constant 0 : index
      %swap3A_317 = vector.load %arg2[%swap3A_315, %swap3A_316] : memref<16x1024xf32, #tpu.memory_space<vmem>>, vector<16x1024xf32>
      tpu.vector_store %arg2[%swap3A_315, %swap3A_316], %min3A_314 {strides = array<i32>} : memref<16x1024xf32, #tpu.memory_space<vmem>>, vector<16x1024xf32>,
      %reduce_max3A_318 = arith.constant dense<0xFF800000> : vector<16xf32>
      %reduce_max3A_319 = vector.multi_reduction <maximumf>, %min3A_314, %reduce_max3A_318 [1] : vector<16x1024xf32> to vector<16xf32>
      %broadcast_in_dim3A_320 = vector.shape_cast %reduce_max3A_319 : vector<16xf32> to vector<16x1xf32>
      %eq3A_321 = vector.broadcast %broadcast_in_dim3A_320 : vector<16x1xf32> to vector<16x1024xf32>
      %eq3A_322 = arith.cmpf oeq, %min3A_314, %eq3A_321 : vector<16x1024xf32>
      %jit3A_323 = arith.constant 1024 : i32
      %broadcast_in_dim3A_324 = vector.broadcast %jit3A_323 : i32 to vector<16x1024xi32>
      %select_n3A_325 = arith.select %eq3A_322, %iota3A, %broadcast_in_dim3A_324 : vector<16x1024xi1>, vector<16x1024xi32>
      %reduce_min3A_326 = arith.constant dense<2147483647> : vector<16xi32>
      %reduce_min3A_327 = vector.multi_reduction <minsi>, %select_n3A_325, %reduce_min3A_326 [1] : vector<16x1024xi32> to vector<16xi32>
      %broadcast_in_dim3A_328 = vector.shape_cast %reduce_min3A_327 : vector<16xi32> to vector<16x1xi32>
      scf.yield %broadcast_in_dim3A_328 : vector<16x1xi32>
    }
    %scan3A_28 = arith.constant 255 : i32
    %eq3A = vector.broadcast %scan3A_27 : vector<16x1xi32> to vector<16x1024xi32>
    %eq3A_29 = arith.cmpi eq, %iota3A, %eq3A : vector<16x1024xi32>
    %get3A_30 = arith.constant 0 : index
    %get3A_31 = arith.constant 0 : index
    %get3A_32 = vector.load %arg3[%get3A_30, %get3A_31] : memref<16x1024xi32, #tpu.memory_space<vmem>>, vector<16x1024xi32>
    %jit3A = arith.constant 255 : i32
    %broadcast_in_dim3A_33 = vector.broadcast %jit3A : i32 to vector<16x1024xi32>
    %select_n3A = arith.select %eq3A_29, %broadcast_in_dim3A_33, %get3A_32 : vector<16x1024xi1>, vector<16x1024xi32>
    %swap3A_34 = arith.constant 0 : index
    %swap3A_35 = arith.constant 0 : index
    %swap3A_36 = arith.constant 0 : index
    %swap3A_37 = vector.load %arg1[%swap3A_34, %swap3A_35, %swap3A_36] : memref<16x1x1024xi32, #tpu.memory_space<vmem>>, vector<16x1x1024xi32>
    %swap3A_38 = vector.shape_cast %swap3A_37 : vector<16x1x1024xi32> to vector<16x1024xi32>
    %swap3A_39 = vector.shape_cast %select_n3A : vector<16x1024xi32> to vector<16x1x1024xi32>
    tpu.vector_store %arg1[%swap3A_34, %swap3A_35, %swap3A_36], %swap3A_39 {strides = array<i32>} : memref<16x1x1024xi32, #tpu.memory_space<vmem>>, vector<16x1x1024xi32>,
    return
  }
}

module attributes {stable_mosaic.version = 14 : i64} {
  func.func @_vote_body(%arg0: i32, %arg1: memref<1x256x1024xf32, #tpu.memory_space<vmem>>, %arg2: memref<1x3x1024xf32, #tpu.memory_space<vmem>>, %arg3: memref<256x256xf32, #tpu.memory_space<vmem>>, %arg4: memref<256x1xf32, #tpu.memory_space<vmem>>, %arg5: memref<256x256xf32, #tpu.memory_space<vmem>>, %arg6: memref<256x1xf32, #tpu.memory_space<vmem>>, %arg7: memref<3x256xf32, #tpu.memory_space<vmem>>, %arg8: memref<3x1xf32, #tpu.memory_space<vmem>>, %arg9: memref<256x256xf32, #tpu.memory_space<vmem>>, %arg10: memref<256x1xf32, #tpu.memory_space<vmem>>, %arg11: memref<256x128xf32, #tpu.memory_space<vmem>>, %arg12: memref<3x128xf32, #tpu.memory_space<vmem>>, %arg13: memref<1x128xf32, #tpu.memory_space<vmem>>, %arg14: memref<1x3x1024xf32, #tpu.memory_space<vmem>>, %arg15: memref<1x1024x128xf32, #tpu.memory_space<vmem>>) attributes {dimension_semantics = [#tpu.dimension_semantics<parallel>], iteration_bounds = array<i64: 16>, scalar_prefetch = 0 : i64, scratch_operands = 0 : i64, tpu.core_type = #tpu.core_type<tc>, window_params = [{transform_indices = @transform_0, window_bounds = array<i64: 1, 256, 1024>}, {transform_indices = @transform_1, window_bounds = array<i64: 1, 3, 1024>}, {pipeline_mode = #tpu.pipeline_mode<synchronous>, transform_indices = @transform_2, window_bounds = array<i64: 256, 256>}, {pipeline_mode = #tpu.pipeline_mode<synchronous>, transform_indices = @transform_3, window_bounds = array<i64: 256, 1>}, {pipeline_mode = #tpu.pipeline_mode<synchronous>, transform_indices = @transform_4, window_bounds = array<i64: 256, 256>}, {pipeline_mode = #tpu.pipeline_mode<synchronous>, transform_indices = @transform_5, window_bounds = array<i64: 256, 1>}, {pipeline_mode = #tpu.pipeline_mode<synchronous>, transform_indices = @transform_6, window_bounds = array<i64: 3, 256>}, {pipeline_mode = #tpu.pipeline_mode<synchronous>, transform_indices = @transform_7, window_bounds = array<i64: 3, 1>}, {pipeline_mode = #tpu.pipeline_mode<synchronous>, transform_indices = @transform_8, window_bounds = array<i64: 256, 256>}, {pipeline_mode = #tpu.pipeline_mode<synchronous>, transform_indices = @transform_9, window_bounds = array<i64: 256, 1>}, {pipeline_mode = #tpu.pipeline_mode<synchronous>, transform_indices = @transform_10, window_bounds = array<i64: 256, 128>}, {pipeline_mode = #tpu.pipeline_mode<synchronous>, transform_indices = @transform_11, window_bounds = array<i64: 3, 128>}, {pipeline_mode = #tpu.pipeline_mode<synchronous>, transform_indices = @transform_12, window_bounds = array<i64: 1, 128>}, {transform_indices = @transform_13, window_bounds = array<i64: 1, 3, 1024>}, {transform_indices = @transform_14, window_bounds = array<i64: 1, 1024, 128>}]} {
    %get3A = arith.constant 0 : index
    %get3A_0 = arith.constant 0 : index
    %get3A_1 = arith.constant 0 : index
    %get3A_2 = vector.load %arg1[%get3A, %get3A_0, %get3A_1] : memref<1x256x1024xf32, #tpu.memory_space<vmem>>, vector<1x256x1024xf32>
    %get3A_3 = vector.shape_cast %get3A_2 : vector<1x256x1024xf32> to vector<256x1024xf32>
    %get3A_4 = arith.constant 0 : index
    %get3A_5 = arith.constant 0 : index
    %get3A_6 = arith.constant 0 : index
    %get3A_7 = vector.load %arg2[%get3A_4, %get3A_5, %get3A_6] : memref<1x3x1024xf32, #tpu.memory_space<vmem>>, vector<1x3x1024xf32>
    %get3A_8 = vector.shape_cast %get3A_7 : vector<1x3x1024xf32> to vector<3x1024xf32>
    %get3A_9 = arith.constant 0 : index
    %get3A_10 = arith.constant 0 : index
    %get3A_11 = vector.load %arg3[%get3A_9, %get3A_10] : memref<256x256xf32, #tpu.memory_space<vmem>>, vector<256x256xf32>
    %dot_general3A = arith.constant dense<0.000000e+00> : vector<256x1024xf32>
    %dot_general3A_12 = tpu.matmul %get3A_11, %get3A_3, %dot_general3A {dimension_numbers = #tpu.dot_dimension_numbers<[1], [0], [0], [1], [0, 0, 1, 1], [], []>, transpose_lhs_hint = false} : vector<256x256xf32>, vector<256x1024xf32>, vector<256x1024xf32> -> vector<256x1024xf32>
    %get3A_13 = arith.constant 0 : index
    %get3A_14 = arith.constant 0 : index
    %get3A_15 = vector.load %arg4[%get3A_13, %get3A_14] : memref<256x1xf32, #tpu.memory_space<vmem>>, vector<256x1xf32>
    %add3A = vector.broadcast %get3A_15 : vector<256x1xf32> to vector<256x1024xf32>
    %add3A_16 = arith.addf %dot_general3A_12, %add3A : vector<256x1024xf32>
    %max3A = arith.constant 0.000000e+00 : f32
    %max3A_17 = vector.broadcast %max3A : f32 to vector<256x1024xf32>
    %max3A_18 = arith.maximumf %add3A_16, %max3A_17 : vector<256x1024xf32>
    %get3A_19 = arith.constant 0 : index
    %get3A_20 = arith.constant 0 : index
    %get3A_21 = vector.load %arg5[%get3A_19, %get3A_20] : memref<256x256xf32, #tpu.memory_space<vmem>>, vector<256x256xf32>
    %dot_general3A_22 = arith.constant dense<0.000000e+00> : vector<256x1024xf32>
    %dot_general3A_23 = tpu.matmul %get3A_21, %max3A_18, %dot_general3A_22 {dimension_numbers = #tpu.dot_dimension_numbers<[1], [0], [0], [1], [0, 0, 1, 1], [], []>, transpose_lhs_hint = false} : vector<256x256xf32>, vector<256x1024xf32>, vector<256x1024xf32> -> vector<256x1024xf32>
    %get3A_24 = arith.constant 0 : index
    %get3A_25 = arith.constant 0 : index
    %get3A_26 = vector.load %arg6[%get3A_24, %get3A_25] : memref<256x1xf32, #tpu.memory_space<vmem>>, vector<256x1xf32>
    %add3A_27 = vector.broadcast %get3A_26 : vector<256x1xf32> to vector<256x1024xf32>
    %add3A_28 = arith.addf %dot_general3A_23, %add3A_27 : vector<256x1024xf32>
    %max3A_29 = arith.constant 0.000000e+00 : f32
    %max3A_30 = vector.broadcast %max3A_29 : f32 to vector<256x1024xf32>
    %max3A_31 = arith.maximumf %add3A_28, %max3A_30 : vector<256x1024xf32>
    %get3A_32 = arith.constant 0 : index
    %get3A_33 = arith.constant 0 : index
    %get3A_34 = vector.load %arg7[%get3A_32, %get3A_33] : memref<3x256xf32, #tpu.memory_space<vmem>>, vector<3x256xf32>
    %dot_general3A_35 = arith.constant dense<0.000000e+00> : vector<3x1024xf32>
    %dot_general3A_36 = tpu.matmul %get3A_34, %max3A_31, %dot_general3A_35 {dimension_numbers = #tpu.dot_dimension_numbers<[1], [0], [0], [1], [0, 0, 1, 1], [], []>, transpose_lhs_hint = false} : vector<3x256xf32>, vector<256x1024xf32>, vector<3x1024xf32> -> vector<3x1024xf32>
    %get3A_37 = arith.constant 0 : index
    %get3A_38 = arith.constant 0 : index
    %get3A_39 = vector.load %arg8[%get3A_37, %get3A_38] : memref<3x1xf32, #tpu.memory_space<vmem>>, vector<3x1xf32>
    %add3A_40 = vector.broadcast %get3A_39 : vector<3x1xf32> to vector<3x1024xf32>
    %add3A_41 = arith.addf %dot_general3A_36, %add3A_40 : vector<3x1024xf32>
    %get3A_42 = arith.constant 0 : index
    %get3A_43 = arith.constant 0 : index
    %get3A_44 = vector.load %arg9[%get3A_42, %get3A_43] : memref<256x256xf32, #tpu.memory_space<vmem>>, vector<256x256xf32>
    %dot_general3A_45 = arith.constant dense<0.000000e+00> : vector<256x1024xf32>
    %dot_general3A_46 = tpu.matmul %get3A_44, %max3A_31, %dot_general3A_45 {dimension_numbers = #tpu.dot_dimension_numbers<[1], [0], [0], [1], [0, 0, 1, 1], [], []>, transpose_lhs_hint = false} : vector<256x256xf32>, vector<256x1024xf32>, vector<256x1024xf32> -> vector<256x1024xf32>
    %get3A_47 = arith.constant 0 : index
    %get3A_48 = arith.constant 0 : index
    %get3A_49 = vector.load %arg10[%get3A_47, %get3A_48] : memref<256x1xf32, #tpu.memory_space<vmem>>, vector<256x1xf32>
    %add3A_50 = vector.broadcast %get3A_49 : vector<256x1xf32> to vector<256x1024xf32>
    %add3A_51 = arith.addf %dot_general3A_46, %add3A_50 : vector<256x1024xf32>
    %add3A_52 = arith.addf %get3A_8, %add3A_41 : vector<3x1024xf32>
    %add3A_53 = arith.addf %get3A_3, %add3A_51 : vector<256x1024xf32>
    %swap3A = arith.constant 0 : index
    %swap3A_54 = arith.constant 0 : index
    %swap3A_55 = arith.constant 0 : index
    %swap3A_56 = vector.load %arg14[%swap3A, %swap3A_54, %swap3A_55] : memref<1x3x1024xf32, #tpu.memory_space<vmem>>, vector<1x3x1024xf32>
    %swap3A_57 = vector.shape_cast %swap3A_56 : vector<1x3x1024xf32> to vector<3x1024xf32>
    %swap3A_58 = vector.shape_cast %add3A_52 : vector<3x1024xf32> to vector<1x3x1024xf32>
    tpu.vector_store %arg14[%swap3A, %swap3A_54, %swap3A_55], %swap3A_58 {strides = array<i32>} : memref<1x3x1024xf32, #tpu.memory_space<vmem>>, vector<1x3x1024xf32>,
    %get3A_59 = arith.constant 0 : index
    %get3A_60 = arith.constant 0 : index
    %get3A_61 = vector.load %arg11[%get3A_59, %get3A_60] : memref<256x128xf32, #tpu.memory_space<vmem>>, vector<256x128xf32>
    %dot_general3A_62 = arith.constant dense<0.000000e+00> : vector<1024x128xf32>
    %dot_general3A_63 = tpu.matmul %add3A_53, %get3A_61, %dot_general3A_62 {dimension_numbers = #tpu.dot_dimension_numbers<[0], [0], [1], [1], [0, 1, 1, 1], [], []>, transpose_lhs_hint = false} : vector<256x1024xf32>, vector<256x128xf32>, vector<1024x128xf32> -> vector<1024x128xf32>
    %get3A_64 = arith.constant 0 : index
    %get3A_65 = arith.constant 0 : index
    %get3A_66 = vector.load %arg12[%get3A_64, %get3A_65] : memref<3x128xf32, #tpu.memory_space<vmem>>, vector<3x128xf32>
    %dot_general3A_67 = arith.constant dense<0.000000e+00> : vector<1024x128xf32>
    %dot_general3A_68 = tpu.matmul %add3A_52, %get3A_66, %dot_general3A_67 {dimension_numbers = #tpu.dot_dimension_numbers<[0], [0], [1], [1], [0, 1, 1, 1], [], []>, transpose_lhs_hint = false} : vector<3x1024xf32>, vector<3x128xf32>, vector<1024x128xf32> -> vector<1024x128xf32>
    %add3A_69 = arith.addf %dot_general3A_63, %dot_general3A_68 : vector<1024x128xf32>
    %get3A_70 = arith.constant 0 : index
    %get3A_71 = arith.constant 0 : index
    %get3A_72 = vector.load %arg13[%get3A_70, %get3A_71] : memref<1x128xf32, #tpu.memory_space<vmem>>, vector<1x128xf32>
    %add3A_73 = vector.broadcast %get3A_72 : vector<1x128xf32> to vector<1024x128xf32>
    %add3A_74 = arith.addf %add3A_69, %add3A_73 : vector<1024x128xf32>
    %swap3A_75 = arith.constant 0 : index
    %swap3A_76 = arith.constant 0 : index
    %swap3A_77 = arith.constant 0 : index
    %swap3A_78 = vector.load %arg15[%swap3A_75, %swap3A_76, %swap3A_77] : memref<1x1024x128xf32, #tpu.memory_space<vmem>>, vector<1x1024x128xf32>
    %swap3A_79 = vector.shape_cast %swap3A_78 : vector<1x1024x128xf32> to vector<1024x128xf32>
    %swap3A_80 = vector.shape_cast %add3A_74 : vector<1024x128xf32> to vector<1x1024x128xf32>
    tpu.vector_store %arg15[%swap3A_75, %swap3A_76, %swap3A_77], %swap3A_80 {strides = array<i32>} : memref<1x1024x128xf32, #tpu.memory_space<vmem>>, vector<1x1024x128xf32>,
    return
  }
  func.func @transform_0(%arg0: i32) -> (i32, i32, i32) {
    %c0_i32 = arith.constant 0 : i32
    %c0_i32_0 = arith.constant 0 : i32
    %c0_i32_1 = arith.constant 0 : i32
    return %arg0, %c0_i32, %c0_i32_0 : i32, i32, i32
  }
  func.func @transform_1(%arg0: i32) -> (i32, i32, i32) {
    %c0_i32 = arith.constant 0 : i32
    %c0_i32_0 = arith.constant 0 : i32
    %c0_i32_1 = arith.constant 0 : i32
    return %arg0, %c0_i32, %c0_i32_0 : i32, i32, i32
  }
  func.func @transform_2(%arg0: i32) -> (i32, i32) {
    %c0_i32 = arith.constant 0 : i32
    %c0_i32_0 = arith.constant 0 : i32
    %c0_i32_1 = arith.constant 0 : i32
    return %c0_i32, %c0_i32_0 : i32, i32
  }
  func.func @transform_3(%arg0: i32) -> (i32, i32) {
    %c0_i32 = arith.constant 0 : i32
    %c0_i32_0 = arith.constant 0 : i32
    %c0_i32_1 = arith.constant 0 : i32
    return %c0_i32, %c0_i32_0 : i32, i32
  }
  func.func @transform_4(%arg0: i32) -> (i32, i32) {
    %c0_i32 = arith.constant 0 : i32
    %c0_i32_0 = arith.constant 0 : i32
    %c0_i32_1 = arith.constant 0 : i32
    return %c0_i32, %c0_i32_0 : i32, i32
  }
  func.func @transform_5(%arg0: i32) -> (i32, i32) {
    %c0_i32 = arith.constant 0 : i32
    %c0_i32_0 = arith.constant 0 : i32
    %c0_i32_1 = arith.constant 0 : i32
    return %c0_i32, %c0_i32_0 : i32, i32
  }
  func.func @transform_6(%arg0: i32) -> (i32, i32) {
    %c0_i32 = arith.constant 0 : i32
    %c0_i32_0 = arith.constant 0 : i32
    %c0_i32_1 = arith.constant 0 : i32
    return %c0_i32, %c0_i32_0 : i32, i32
  }
  func.func @transform_7(%arg0: i32) -> (i32, i32) {
    %c0_i32 = arith.constant 0 : i32
    %c0_i32_0 = arith.constant 0 : i32
    %c0_i32_1 = arith.constant 0 : i32
    return %c0_i32, %c0_i32_0 : i32, i32
  }
  func.func @transform_8(%arg0: i32) -> (i32, i32) {
    %c0_i32 = arith.constant 0 : i32
    %c0_i32_0 = arith.constant 0 : i32
    %c0_i32_1 = arith.constant 0 : i32
    return %c0_i32, %c0_i32_0 : i32, i32
  }
  func.func @transform_9(%arg0: i32) -> (i32, i32) {
    %c0_i32 = arith.constant 0 : i32
    %c0_i32_0 = arith.constant 0 : i32
    %c0_i32_1 = arith.constant 0 : i32
    return %c0_i32, %c0_i32_0 : i32, i32
  }
  func.func @transform_10(%arg0: i32) -> (i32, i32) {
    %c0_i32 = arith.constant 0 : i32
    %c0_i32_0 = arith.constant 0 : i32
    %c0_i32_1 = arith.constant 0 : i32
    return %c0_i32, %c0_i32_0 : i32, i32
  }
  func.func @transform_11(%arg0: i32) -> (i32, i32) {
    %c0_i32 = arith.constant 0 : i32
    %c0_i32_0 = arith.constant 0 : i32
    %c0_i32_1 = arith.constant 0 : i32
    return %c0_i32, %c0_i32_0 : i32, i32
  }
  func.func @transform_12(%arg0: i32) -> (i32, i32) {
    %c0_i32 = arith.constant 0 : i32
    %c0_i32_0 = arith.constant 0 : i32
    %c0_i32_1 = arith.constant 0 : i32
    return %c0_i32, %c0_i32_0 : i32, i32
  }
  func.func @transform_13(%arg0: i32) -> (i32, i32, i32) {
    %c0_i32 = arith.constant 0 : i32
    %c0_i32_0 = arith.constant 0 : i32
    %c0_i32_1 = arith.constant 0 : i32
    return %arg0, %c0_i32, %c0_i32_0 : i32, i32, i32
  }
  func.func @transform_14(%arg0: i32) -> (i32, i32, i32) {
    %c0_i32 = arith.constant 0 : i32
    %c0_i32_0 = arith.constant 0 : i32
    %c0_i32_1 = arith.constant 0 : i32
    return %arg0, %c0_i32, %c0_i32_0 : i32, i32, i32
  }
}

module attributes {stable_mosaic.version = 14 : i64} {
  func.func @_knn_body(%arg0: i32, %arg1: memref<1x3x1024xf32, #tpu.memory_space<vmem>>, %arg2: memref<1x1x1024xi32, #tpu.memory_space<vmem>>, %arg3: memref<1x256x16xi32, #tpu.memory_space<vmem>>, %arg4: memref<1x256x3xf32, #tpu.memory_space<vmem>>) attributes {dimension_semantics = [#tpu.dimension_semantics<arbitrary>], iteration_bounds = array<i64: 8>, scalar_prefetch = 0 : i64, scratch_operands = 0 : i64, tpu.core_type = #tpu.core_type<tc>, window_params = [{transform_indices = @transform_0, window_bounds = array<i64: 1, 3, 1024>}, {transform_indices = @transform_1, window_bounds = array<i64: 1, 1, 1024>}, {transform_indices = @transform_2, window_bounds = array<i64: 1, 256, 16>}, {transform_indices = @transform_3, window_bounds = array<i64: 1, 256, 3>}]} {
    %add3A = arith.constant 0 : i32
    %add3A_0 = arith.addi %arg0, %add3A : i32
    %get3A = arith.constant 0 : index
    %get3A_1 = arith.constant 0 : index
    %get3A_2 = arith.constant 0 : index
    %get3A_3 = vector.load %arg1[%get3A, %get3A_1, %get3A_2] : memref<1x3x1024xf32, #tpu.memory_space<vmem>>, vector<1x1x1024xf32>
    %get3A_4 = vector.shape_cast %get3A_3 : vector<1x1x1024xf32> to vector<1x1024xf32>
    %get3A_5 = arith.constant 0 : index
    %get3A_6 = arith.constant 1 : index
    %get3A_7 = arith.constant 0 : index
    %get3A_8 = vector.load %arg1[%get3A_5, %get3A_6, %get3A_7] : memref<1x3x1024xf32, #tpu.memory_space<vmem>>, vector<1x1x1024xf32>
    %get3A_9 = vector.shape_cast %get3A_8 : vector<1x1x1024xf32> to vector<1x1024xf32>
    %get3A_10 = arith.constant 0 : index
    %get3A_11 = arith.constant 2 : index
    %get3A_12 = arith.constant 0 : index
    %get3A_13 = vector.load %arg1[%get3A_10, %get3A_11, %get3A_12] : memref<1x3x1024xf32, #tpu.memory_space<vmem>>, vector<1x1x1024xf32>
    %get3A_14 = vector.shape_cast %get3A_13 : vector<1x1x1024xf32> to vector<1x1024xf32>
    %get3A_15 = arith.constant 0 : index
    %get3A_16 = arith.constant 0 : index
    %get3A_17 = arith.constant 0 : index
    %get3A_18 = vector.load %arg2[%get3A_15, %get3A_16, %get3A_17] : memref<1x1x1024xi32, #tpu.memory_space<vmem>>, vector<1x1x1024xi32>
    %get3A_19 = vector.shape_cast %get3A_18 : vector<1x1x1024xi32> to vector<1x1024xi32>
    %iota3A = tpu.iota {dimensions = array<i32: 0>} : vector<256x1xi32>
    %eq3A = vector.broadcast %get3A_19 : vector<1x1024xi32> to vector<256x1024xi32>
    %eq3A_20 = vector.broadcast %iota3A : vector<256x1xi32> to vector<256x1024xi32>
    %eq3A_21 = arith.cmpi eq, %eq3A, %eq3A_20 : vector<256x1024xi32>
    %jit3A = arith.constant 0.000000e+00 : f32
    %broadcast_in_dim3A = vector.shape_cast %get3A_4 : vector<1x1024xf32> to vector<1x1024xf32>
    %broadcast_in_dim3A_22 = vector.broadcast %broadcast_in_dim3A : vector<1x1024xf32> to vector<256x1024xf32>
    %broadcast_in_dim3A_23 = vector.broadcast %jit3A : f32 to vector<256x1024xf32>
    %select_n3A = arith.select %eq3A_21, %broadcast_in_dim3A_22, %broadcast_in_dim3A_23 : vector<256x1024xi1>, vector<256x1024xf32>
    %reduce_sum3A = arith.constant dense<0.000000e+00> : vector<256xf32>
    %reduce_sum3A_24 = vector.multi_reduction <add>, %select_n3A, %reduce_sum3A [1] : vector<256x1024xf32> to vector<256xf32>
    %broadcast_in_dim3A_25 = vector.shape_cast %reduce_sum3A_24 : vector<256xf32> to vector<256x1xf32>
    %jit3A_26 = arith.constant 0.000000e+00 : f32
    %broadcast_in_dim3A_27 = vector.shape_cast %get3A_9 : vector<1x1024xf32> to vector<1x1024xf32>
    %broadcast_in_dim3A_28 = vector.broadcast %broadcast_in_dim3A_27 : vector<1x1024xf32> to vector<256x1024xf32>
    %broadcast_in_dim3A_29 = vector.broadcast %jit3A_26 : f32 to vector<256x1024xf32>
    %select_n3A_30 = arith.select %eq3A_21, %broadcast_in_dim3A_28, %broadcast_in_dim3A_29 : vector<256x1024xi1>, vector<256x1024xf32>
    %reduce_sum3A_31 = arith.constant dense<0.000000e+00> : vector<256xf32>
    %reduce_sum3A_32 = vector.multi_reduction <add>, %select_n3A_30, %reduce_sum3A_31 [1] : vector<256x1024xf32> to vector<256xf32>
    %broadcast_in_dim3A_33 = vector.shape_cast %reduce_sum3A_32 : vector<256xf32> to vector<256x1xf32>
    %jit3A_34 = arith.constant 0.000000e+00 : f32
    %broadcast_in_dim3A_35 = vector.shape_cast %get3A_14 : vector<1x1024xf32> to vector<1x1024xf32>
    %broadcast_in_dim3A_36 = vector.broadcast %broadcast_in_dim3A_35 : vector<1x1024xf32> to vector<256x1024xf32>
    %broadcast_in_dim3A_37 = vector.broadcast %jit3A_34 : f32 to vector<256x1024xf32>
    %select_n3A_38 = arith.select %eq3A_21, %broadcast_in_dim3A_36, %broadcast_in_dim3A_37 : vector<256x1024xi1>, vector<256x1024xf32>
    %reduce_sum3A_39 = arith.constant dense<0.000000e+00> : vector<256xf32>
    %reduce_sum3A_40 = vector.multi_reduction <add>, %select_n3A_38, %reduce_sum3A_39 [1] : vector<256x1024xf32> to vector<256xf32>
    %broadcast_in_dim3A_41 = vector.shape_cast %reduce_sum3A_40 : vector<256xf32> to vector<256x1xf32>
    %sub3A = vector.broadcast %broadcast_in_dim3A_25 : vector<256x1xf32> to vector<256x1024xf32>
    %sub3A_42 = vector.broadcast %get3A_4 : vector<1x1024xf32> to vector<256x1024xf32>
    %sub3A_43 = arith.subf %sub3A, %sub3A_42 : vector<256x1024xf32>
    %integer_pow3A = arith.mulf %sub3A_43, %sub3A_43 : vector<256x1024xf32>
    %sub3A_44 = vector.broadcast %broadcast_in_dim3A_33 : vector<256x1xf32> to vector<256x1024xf32>
    %sub3A_45 = vector.broadcast %get3A_9 : vector<1x1024xf32> to vector<256x1024xf32>
    %sub3A_46 = arith.subf %sub3A_44, %sub3A_45 : vector<256x1024xf32>
    %integer_pow3A_47 = arith.mulf %sub3A_46, %sub3A_46 : vector<256x1024xf32>
    %add3A_48 = arith.addf %integer_pow3A, %integer_pow3A_47 : vector<256x1024xf32>
    %sub3A_49 = vector.broadcast %broadcast_in_dim3A_41 : vector<256x1xf32> to vector<256x1024xf32>
    %sub3A_50 = vector.broadcast %get3A_14 : vector<1x1024xf32> to vector<256x1024xf32>
    %sub3A_51 = arith.subf %sub3A_49, %sub3A_50 : vector<256x1024xf32>
    %integer_pow3A_52 = arith.mulf %sub3A_51, %sub3A_51 : vector<256x1024xf32>
    %add3A_53 = arith.addf %add3A_48, %integer_pow3A_52 : vector<256x1024xf32>
    %iota3A_54 = tpu.iota {dimensions = array<i32: 1>} : vector<256x1024xi32>
    %reduce_min3A = arith.constant dense<0x7F800000> : vector<256xf32>
    %reduce_min3A_55 = vector.multi_reduction <minimumf>, %add3A_53, %reduce_min3A [1] : vector<256x1024xf32> to vector<256xf32>
    %broadcast_in_dim3A_56 = vector.shape_cast %reduce_min3A_55 : vector<256xf32> to vector<256x1xf32>
    %eq3A_57 = vector.broadcast %broadcast_in_dim3A_56 : vector<256x1xf32> to vector<256x1024xf32>
    %eq3A_58 = arith.cmpf oeq, %add3A_53, %eq3A_57 : vector<256x1024xf32>
    %jit3A_59 = arith.constant 1024 : i32
    %broadcast_in_dim3A_60 = vector.broadcast %jit3A_59 : i32 to vector<256x1024xi32>
    %select_n3A_61 = arith.select %eq3A_58, %iota3A_54, %broadcast_in_dim3A_60 : vector<256x1024xi1>, vector<256x1024xi32>
    %reduce_min3A_62 = arith.constant dense<2147483647> : vector<256xi32>
    %reduce_min3A_63 = vector.multi_reduction <minsi>, %select_n3A_61, %reduce_min3A_62 [1] : vector<256x1024xi32> to vector<256xi32>
    %broadcast_in_dim3A_64 = vector.shape_cast %reduce_min3A_63 : vector<256xi32> to vector<256x1xi32>
    %lt3A = arith.constant 9.000000e-02 : f32
    %lt3A_65 = vector.broadcast %lt3A : f32 to vector<256x1xf32>
    %lt3A_66 = arith.cmpf olt, %broadcast_in_dim3A_56, %lt3A_65 : vector<256x1xf32>
    %select_n3A_67 = arith.select %lt3A_66, %broadcast_in_dim3A_64, %broadcast_in_dim3A_64 : vector<256x1xi1>, vector<256x1xi32>
    %eq3A_68 = vector.broadcast %broadcast_in_dim3A_64 : vector<256x1xi32> to vector<256x1024xi32>
    %eq3A_69 = arith.cmpi eq, %iota3A_54, %eq3A_68 : vector<256x1024xi32>
    %jit3A_70 = arith.constant 0x7F800000 : f32
    %broadcast_in_dim3A_71 = vector.broadcast %jit3A_70 : f32 to vector<256x1024xf32>
    %select_n3A_72 = arith.select %eq3A_69, %broadcast_in_dim3A_71, %add3A_53 : vector<256x1024xi1>, vector<256x1024xf32>
    %reduce_min3A_73 = arith.constant dense<0x7F800000> : vector<256xf32>
    %reduce_min3A_74 = vector.multi_reduction <minimumf>, %select_n3A_72, %reduce_min3A_73 [1] : vector<256x1024xf32> to vector<256xf32>
    %broadcast_in_dim3A_75 = vector.shape_cast %reduce_min3A_74 : vector<256xf32> to vector<256x1xf32>
    %eq3A_76 = vector.broadcast %broadcast_in_dim3A_75 : vector<256x1xf32> to vector<256x1024xf32>
    %eq3A_77 = arith.cmpf oeq, %select_n3A_72, %eq3A_76 : vector<256x1024xf32>
    %jit3A_78 = arith.constant 1024 : i32
    %broadcast_in_dim3A_79 = vector.broadcast %jit3A_78 : i32 to vector<256x1024xi32>
    %select_n3A_80 = arith.select %eq3A_77, %iota3A_54, %broadcast_in_dim3A_79 : vector<256x1024xi1>, vector<256x1024xi32>
    %reduce_min3A_81 = arith.constant dense<2147483647> : vector<256xi32>
    %reduce_min3A_82 = vector.multi_reduction <minsi>, %select_n3A_80, %reduce_min3A_81 [1] : vector<256x1024xi32> to vector<256xi32>
    %broadcast_in_dim3A_83 = vector.shape_cast %reduce_min3A_82 : vector<256xi32> to vector<256x1xi32>
    %lt3A_84 = arith.constant 9.000000e-02 : f32
    %lt3A_85 = vector.broadcast %lt3A_84 : f32 to vector<256x1xf32>
    %lt3A_86 = arith.cmpf olt, %broadcast_in_dim3A_75, %lt3A_85 : vector<256x1xf32>
    %select_n3A_87 = arith.select %lt3A_86, %broadcast_in_dim3A_83, %broadcast_in_dim3A_64 : vector<256x1xi1>, vector<256x1xi32>
    %eq3A_88 = vector.broadcast %broadcast_in_dim3A_83 : vector<256x1xi32> to vector<256x1024xi32>
    %eq3A_89 = arith.cmpi eq, %iota3A_54, %eq3A_88 : vector<256x1024xi32>
    %jit3A_90 = arith.constant 0x7F800000 : f32
    %broadcast_in_dim3A_91 = vector.broadcast %jit3A_90 : f32 to vector<256x1024xf32>
    %select_n3A_92 = arith.select %eq3A_89, %broadcast_in_dim3A_91, %select_n3A_72 : vector<256x1024xi1>, vector<256x1024xf32>
    %reduce_min3A_93 = arith.constant dense<0x7F800000> : vector<256xf32>
    %reduce_min3A_94 = vector.multi_reduction <minimumf>, %select_n3A_92, %reduce_min3A_93 [1] : vector<256x1024xf32> to vector<256xf32>
    %broadcast_in_dim3A_95 = vector.shape_cast %reduce_min3A_94 : vector<256xf32> to vector<256x1xf32>
    %eq3A_96 = vector.broadcast %broadcast_in_dim3A_95 : vector<256x1xf32> to vector<256x1024xf32>
    %eq3A_97 = arith.cmpf oeq, %select_n3A_92, %eq3A_96 : vector<256x1024xf32>
    %jit3A_98 = arith.constant 1024 : i32
    %broadcast_in_dim3A_99 = vector.broadcast %jit3A_98 : i32 to vector<256x1024xi32>
    %select_n3A_100 = arith.select %eq3A_97, %iota3A_54, %broadcast_in_dim3A_99 : vector<256x1024xi1>, vector<256x1024xi32>
    %reduce_min3A_101 = arith.constant dense<2147483647> : vector<256xi32>
    %reduce_min3A_102 = vector.multi_reduction <minsi>, %select_n3A_100, %reduce_min3A_101 [1] : vector<256x1024xi32> to vector<256xi32>
    %broadcast_in_dim3A_103 = vector.shape_cast %reduce_min3A_102 : vector<256xi32> to vector<256x1xi32>
    %lt3A_104 = arith.constant 9.000000e-02 : f32
    %lt3A_105 = vector.broadcast %lt3A_104 : f32 to vector<256x1xf32>
    %lt3A_106 = arith.cmpf olt, %broadcast_in_dim3A_95, %lt3A_105 : vector<256x1xf32>
    %select_n3A_107 = arith.select %lt3A_106, %broadcast_in_dim3A_103, %broadcast_in_dim3A_64 : vector<256x1xi1>, vector<256x1xi32>
    %eq3A_108 = vector.broadcast %broadcast_in_dim3A_103 : vector<256x1xi32> to vector<256x1024xi32>
    %eq3A_109 = arith.cmpi eq, %iota3A_54, %eq3A_108 : vector<256x1024xi32>
    %jit3A_110 = arith.constant 0x7F800000 : f32
    %broadcast_in_dim3A_111 = vector.broadcast %jit3A_110 : f32 to vector<256x1024xf32>
    %select_n3A_112 = arith.select %eq3A_109, %broadcast_in_dim3A_111, %select_n3A_92 : vector<256x1024xi1>, vector<256x1024xf32>
    %reduce_min3A_113 = arith.constant dense<0x7F800000> : vector<256xf32>
    %reduce_min3A_114 = vector.multi_reduction <minimumf>, %select_n3A_112, %reduce_min3A_113 [1] : vector<256x1024xf32> to vector<256xf32>
    %broadcast_in_dim3A_115 = vector.shape_cast %reduce_min3A_114 : vector<256xf32> to vector<256x1xf32>
    %eq3A_116 = vector.broadcast %broadcast_in_dim3A_115 : vector<256x1xf32> to vector<256x1024xf32>
    %eq3A_117 = arith.cmpf oeq, %select_n3A_112, %eq3A_116 : vector<256x1024xf32>
    %jit3A_118 = arith.constant 1024 : i32
    %broadcast_in_dim3A_119 = vector.broadcast %jit3A_118 : i32 to vector<256x1024xi32>
    %select_n3A_120 = arith.select %eq3A_117, %iota3A_54, %broadcast_in_dim3A_119 : vector<256x1024xi1>, vector<256x1024xi32>
    %reduce_min3A_121 = arith.constant dense<2147483647> : vector<256xi32>
    %reduce_min3A_122 = vector.multi_reduction <minsi>, %select_n3A_120, %reduce_min3A_121 [1] : vector<256x1024xi32> to vector<256xi32>
    %broadcast_in_dim3A_123 = vector.shape_cast %reduce_min3A_122 : vector<256xi32> to vector<256x1xi32>
    %lt3A_124 = arith.constant 9.000000e-02 : f32
    %lt3A_125 = vector.broadcast %lt3A_124 : f32 to vector<256x1xf32>
    %lt3A_126 = arith.cmpf olt, %broadcast_in_dim3A_115, %lt3A_125 : vector<256x1xf32>
    %select_n3A_127 = arith.select %lt3A_126, %broadcast_in_dim3A_123, %broadcast_in_dim3A_64 : vector<256x1xi1>, vector<256x1xi32>
    %eq3A_128 = vector.broadcast %broadcast_in_dim3A_123 : vector<256x1xi32> to vector<256x1024xi32>
    %eq3A_129 = arith.cmpi eq, %iota3A_54, %eq3A_128 : vector<256x1024xi32>
    %jit3A_130 = arith.constant 0x7F800000 : f32
    %broadcast_in_dim3A_131 = vector.broadcast %jit3A_130 : f32 to vector<256x1024xf32>
    %select_n3A_132 = arith.select %eq3A_129, %broadcast_in_dim3A_131, %select_n3A_112 : vector<256x1024xi1>, vector<256x1024xf32>
    %reduce_min3A_133 = arith.constant dense<0x7F800000> : vector<256xf32>
    %reduce_min3A_134 = vector.multi_reduction <minimumf>, %select_n3A_132, %reduce_min3A_133 [1] : vector<256x1024xf32> to vector<256xf32>
    %broadcast_in_dim3A_135 = vector.shape_cast %reduce_min3A_134 : vector<256xf32> to vector<256x1xf32>
    %eq3A_136 = vector.broadcast %broadcast_in_dim3A_135 : vector<256x1xf32> to vector<256x1024xf32>
    %eq3A_137 = arith.cmpf oeq, %select_n3A_132, %eq3A_136 : vector<256x1024xf32>
    %jit3A_138 = arith.constant 1024 : i32
    %broadcast_in_dim3A_139 = vector.broadcast %jit3A_138 : i32 to vector<256x1024xi32>
    %select_n3A_140 = arith.select %eq3A_137, %iota3A_54, %broadcast_in_dim3A_139 : vector<256x1024xi1>, vector<256x1024xi32>
    %reduce_min3A_141 = arith.constant dense<2147483647> : vector<256xi32>
    %reduce_min3A_142 = vector.multi_reduction <minsi>, %select_n3A_140, %reduce_min3A_141 [1] : vector<256x1024xi32> to vector<256xi32>
    %broadcast_in_dim3A_143 = vector.shape_cast %reduce_min3A_142 : vector<256xi32> to vector<256x1xi32>
    %lt3A_144 = arith.constant 9.000000e-02 : f32
    %lt3A_145 = vector.broadcast %lt3A_144 : f32 to vector<256x1xf32>
    %lt3A_146 = arith.cmpf olt, %broadcast_in_dim3A_135, %lt3A_145 : vector<256x1xf32>
    %select_n3A_147 = arith.select %lt3A_146, %broadcast_in_dim3A_143, %broadcast_in_dim3A_64 : vector<256x1xi1>, vector<256x1xi32>
    %eq3A_148 = vector.broadcast %broadcast_in_dim3A_143 : vector<256x1xi32> to vector<256x1024xi32>
    %eq3A_149 = arith.cmpi eq, %iota3A_54, %eq3A_148 : vector<256x1024xi32>
    %jit3A_150 = arith.constant 0x7F800000 : f32
    %broadcast_in_dim3A_151 = vector.broadcast %jit3A_150 : f32 to vector<256x1024xf32>
    %select_n3A_152 = arith.select %eq3A_149, %broadcast_in_dim3A_151, %select_n3A_132 : vector<256x1024xi1>, vector<256x1024xf32>
    %reduce_min3A_153 = arith.constant dense<0x7F800000> : vector<256xf32>
    %reduce_min3A_154 = vector.multi_reduction <minimumf>, %select_n3A_152, %reduce_min3A_153 [1] : vector<256x1024xf32> to vector<256xf32>
    %broadcast_in_dim3A_155 = vector.shape_cast %reduce_min3A_154 : vector<256xf32> to vector<256x1xf32>
    %eq3A_156 = vector.broadcast %broadcast_in_dim3A_155 : vector<256x1xf32> to vector<256x1024xf32>
    %eq3A_157 = arith.cmpf oeq, %select_n3A_152, %eq3A_156 : vector<256x1024xf32>
    %jit3A_158 = arith.constant 1024 : i32
    %broadcast_in_dim3A_159 = vector.broadcast %jit3A_158 : i32 to vector<256x1024xi32>
    %select_n3A_160 = arith.select %eq3A_157, %iota3A_54, %broadcast_in_dim3A_159 : vector<256x1024xi1>, vector<256x1024xi32>
    %reduce_min3A_161 = arith.constant dense<2147483647> : vector<256xi32>
    %reduce_min3A_162 = vector.multi_reduction <minsi>, %select_n3A_160, %reduce_min3A_161 [1] : vector<256x1024xi32> to vector<256xi32>
    %broadcast_in_dim3A_163 = vector.shape_cast %reduce_min3A_162 : vector<256xi32> to vector<256x1xi32>
    %lt3A_164 = arith.constant 9.000000e-02 : f32
    %lt3A_165 = vector.broadcast %lt3A_164 : f32 to vector<256x1xf32>
    %lt3A_166 = arith.cmpf olt, %broadcast_in_dim3A_155, %lt3A_165 : vector<256x1xf32>
    %select_n3A_167 = arith.select %lt3A_166, %broadcast_in_dim3A_163, %broadcast_in_dim3A_64 : vector<256x1xi1>, vector<256x1xi32>
    %eq3A_168 = vector.broadcast %broadcast_in_dim3A_163 : vector<256x1xi32> to vector<256x1024xi32>
    %eq3A_169 = arith.cmpi eq, %iota3A_54, %eq3A_168 : vector<256x1024xi32>
    %jit3A_170 = arith.constant 0x7F800000 : f32
    %broadcast_in_dim3A_171 = vector.broadcast %jit3A_170 : f32 to vector<256x1024xf32>
    %select_n3A_172 = arith.select %eq3A_169, %broadcast_in_dim3A_171, %select_n3A_152 : vector<256x1024xi1>, vector<256x1024xf32>
    %reduce_min3A_173 = arith.constant dense<0x7F800000> : vector<256xf32>
    %reduce_min3A_174 = vector.multi_reduction <minimumf>, %select_n3A_172, %reduce_min3A_173 [1] : vector<256x1024xf32> to vector<256xf32>
    %broadcast_in_dim3A_175 = vector.shape_cast %reduce_min3A_174 : vector<256xf32> to vector<256x1xf32>
    %eq3A_176 = vector.broadcast %broadcast_in_dim3A_175 : vector<256x1xf32> to vector<256x1024xf32>
    %eq3A_177 = arith.cmpf oeq, %select_n3A_172, %eq3A_176 : vector<256x1024xf32>
    %jit3A_178 = arith.constant 1024 : i32
    %broadcast_in_dim3A_179 = vector.broadcast %jit3A_178 : i32 to vector<256x1024xi32>
    %select_n3A_180 = arith.select %eq3A_177, %iota3A_54, %broadcast_in_dim3A_179 : vector<256x1024xi1>, vector<256x1024xi32>
    %reduce_min3A_181 = arith.constant dense<2147483647> : vector<256xi32>
    %reduce_min3A_182 = vector.multi_reduction <minsi>, %select_n3A_180, %reduce_min3A_181 [1] : vector<256x1024xi32> to vector<256xi32>
    %broadcast_in_dim3A_183 = vector.shape_cast %reduce_min3A_182 : vector<256xi32> to vector<256x1xi32>
    %lt3A_184 = arith.constant 9.000000e-02 : f32
    %lt3A_185 = vector.broadcast %lt3A_184 : f32 to vector<256x1xf32>
    %lt3A_186 = arith.cmpf olt, %broadcast_in_dim3A_175, %lt3A_185 : vector<256x1xf32>
    %select_n3A_187 = arith.select %lt3A_186, %broadcast_in_dim3A_183, %broadcast_in_dim3A_64 : vector<256x1xi1>, vector<256x1xi32>
    %eq3A_188 = vector.broadcast %broadcast_in_dim3A_183 : vector<256x1xi32> to vector<256x1024xi32>
    %eq3A_189 = arith.cmpi eq, %iota3A_54, %eq3A_188 : vector<256x1024xi32>
    %jit3A_190 = arith.constant 0x7F800000 : f32
    %broadcast_in_dim3A_191 = vector.broadcast %jit3A_190 : f32 to vector<256x1024xf32>
    %select_n3A_192 = arith.select %eq3A_189, %broadcast_in_dim3A_191, %select_n3A_172 : vector<256x1024xi1>, vector<256x1024xf32>
    %reduce_min3A_193 = arith.constant dense<0x7F800000> : vector<256xf32>
    %reduce_min3A_194 = vector.multi_reduction <minimumf>, %select_n3A_192, %reduce_min3A_193 [1] : vector<256x1024xf32> to vector<256xf32>
    %broadcast_in_dim3A_195 = vector.shape_cast %reduce_min3A_194 : vector<256xf32> to vector<256x1xf32>
    %eq3A_196 = vector.broadcast %broadcast_in_dim3A_195 : vector<256x1xf32> to vector<256x1024xf32>
    %eq3A_197 = arith.cmpf oeq, %select_n3A_192, %eq3A_196 : vector<256x1024xf32>
    %jit3A_198 = arith.constant 1024 : i32
    %broadcast_in_dim3A_199 = vector.broadcast %jit3A_198 : i32 to vector<256x1024xi32>
    %select_n3A_200 = arith.select %eq3A_197, %iota3A_54, %broadcast_in_dim3A_199 : vector<256x1024xi1>, vector<256x1024xi32>
    %reduce_min3A_201 = arith.constant dense<2147483647> : vector<256xi32>
    %reduce_min3A_202 = vector.multi_reduction <minsi>, %select_n3A_200, %reduce_min3A_201 [1] : vector<256x1024xi32> to vector<256xi32>
    %broadcast_in_dim3A_203 = vector.shape_cast %reduce_min3A_202 : vector<256xi32> to vector<256x1xi32>
    %lt3A_204 = arith.constant 9.000000e-02 : f32
    %lt3A_205 = vector.broadcast %lt3A_204 : f32 to vector<256x1xf32>
    %lt3A_206 = arith.cmpf olt, %broadcast_in_dim3A_195, %lt3A_205 : vector<256x1xf32>
    %select_n3A_207 = arith.select %lt3A_206, %broadcast_in_dim3A_203, %broadcast_in_dim3A_64 : vector<256x1xi1>, vector<256x1xi32>
    %eq3A_208 = vector.broadcast %broadcast_in_dim3A_203 : vector<256x1xi32> to vector<256x1024xi32>
    %eq3A_209 = arith.cmpi eq, %iota3A_54, %eq3A_208 : vector<256x1024xi32>
    %jit3A_210 = arith.constant 0x7F800000 : f32
    %broadcast_in_dim3A_211 = vector.broadcast %jit3A_210 : f32 to vector<256x1024xf32>
    %select_n3A_212 = arith.select %eq3A_209, %broadcast_in_dim3A_211, %select_n3A_192 : vector<256x1024xi1>, vector<256x1024xf32>
    %reduce_min3A_213 = arith.constant dense<0x7F800000> : vector<256xf32>
    %reduce_min3A_214 = vector.multi_reduction <minimumf>, %select_n3A_212, %reduce_min3A_213 [1] : vector<256x1024xf32> to vector<256xf32>
    %broadcast_in_dim3A_215 = vector.shape_cast %reduce_min3A_214 : vector<256xf32> to vector<256x1xf32>
    %eq3A_216 = vector.broadcast %broadcast_in_dim3A_215 : vector<256x1xf32> to vector<256x1024xf32>
    %eq3A_217 = arith.cmpf oeq, %select_n3A_212, %eq3A_216 : vector<256x1024xf32>
    %jit3A_218 = arith.constant 1024 : i32
    %broadcast_in_dim3A_219 = vector.broadcast %jit3A_218 : i32 to vector<256x1024xi32>
    %select_n3A_220 = arith.select %eq3A_217, %iota3A_54, %broadcast_in_dim3A_219 : vector<256x1024xi1>, vector<256x1024xi32>
    %reduce_min3A_221 = arith.constant dense<2147483647> : vector<256xi32>
    %reduce_min3A_222 = vector.multi_reduction <minsi>, %select_n3A_220, %reduce_min3A_221 [1] : vector<256x1024xi32> to vector<256xi32>
    %broadcast_in_dim3A_223 = vector.shape_cast %reduce_min3A_222 : vector<256xi32> to vector<256x1xi32>
    %lt3A_224 = arith.constant 9.000000e-02 : f32
    %lt3A_225 = vector.broadcast %lt3A_224 : f32 to vector<256x1xf32>
    %lt3A_226 = arith.cmpf olt, %broadcast_in_dim3A_215, %lt3A_225 : vector<256x1xf32>
    %select_n3A_227 = arith.select %lt3A_226, %broadcast_in_dim3A_223, %broadcast_in_dim3A_64 : vector<256x1xi1>, vector<256x1xi32>
    %eq3A_228 = vector.broadcast %broadcast_in_dim3A_223 : vector<256x1xi32> to vector<256x1024xi32>
    %eq3A_229 = arith.cmpi eq, %iota3A_54, %eq3A_228 : vector<256x1024xi32>
    %jit3A_230 = arith.constant 0x7F800000 : f32
    %broadcast_in_dim3A_231 = vector.broadcast %jit3A_230 : f32 to vector<256x1024xf32>
    %select_n3A_232 = arith.select %eq3A_229, %broadcast_in_dim3A_231, %select_n3A_212 : vector<256x1024xi1>, vector<256x1024xf32>
    %reduce_min3A_233 = arith.constant dense<0x7F800000> : vector<256xf32>
    %reduce_min3A_234 = vector.multi_reduction <minimumf>, %select_n3A_232, %reduce_min3A_233 [1] : vector<256x1024xf32> to vector<256xf32>
    %broadcast_in_dim3A_235 = vector.shape_cast %reduce_min3A_234 : vector<256xf32> to vector<256x1xf32>
    %eq3A_236 = vector.broadcast %broadcast_in_dim3A_235 : vector<256x1xf32> to vector<256x1024xf32>
    %eq3A_237 = arith.cmpf oeq, %select_n3A_232, %eq3A_236 : vector<256x1024xf32>
    %jit3A_238 = arith.constant 1024 : i32
    %broadcast_in_dim3A_239 = vector.broadcast %jit3A_238 : i32 to vector<256x1024xi32>
    %select_n3A_240 = arith.select %eq3A_237, %iota3A_54, %broadcast_in_dim3A_239 : vector<256x1024xi1>, vector<256x1024xi32>
    %reduce_min3A_241 = arith.constant dense<2147483647> : vector<256xi32>
    %reduce_min3A_242 = vector.multi_reduction <minsi>, %select_n3A_240, %reduce_min3A_241 [1] : vector<256x1024xi32> to vector<256xi32>
    %broadcast_in_dim3A_243 = vector.shape_cast %reduce_min3A_242 : vector<256xi32> to vector<256x1xi32>
    %lt3A_244 = arith.constant 9.000000e-02 : f32
    %lt3A_245 = vector.broadcast %lt3A_244 : f32 to vector<256x1xf32>
    %lt3A_246 = arith.cmpf olt, %broadcast_in_dim3A_235, %lt3A_245 : vector<256x1xf32>
    %select_n3A_247 = arith.select %lt3A_246, %broadcast_in_dim3A_243, %broadcast_in_dim3A_64 : vector<256x1xi1>, vector<256x1xi32>
    %eq3A_248 = vector.broadcast %broadcast_in_dim3A_243 : vector<256x1xi32> to vector<256x1024xi32>
    %eq3A_249 = arith.cmpi eq, %iota3A_54, %eq3A_248 : vector<256x1024xi32>
    %jit3A_250 = arith.constant 0x7F800000 : f32
    %broadcast_in_dim3A_251 = vector.broadcast %jit3A_250 : f32 to vector<256x1024xf32>
    %select_n3A_252 = arith.select %eq3A_249, %broadcast_in_dim3A_251, %select_n3A_232 : vector<256x1024xi1>, vector<256x1024xf32>
    %reduce_min3A_253 = arith.constant dense<0x7F800000> : vector<256xf32>
    %reduce_min3A_254 = vector.multi_reduction <minimumf>, %select_n3A_252, %reduce_min3A_253 [1] : vector<256x1024xf32> to vector<256xf32>
    %broadcast_in_dim3A_255 = vector.shape_cast %reduce_min3A_254 : vector<256xf32> to vector<256x1xf32>
    %eq3A_256 = vector.broadcast %broadcast_in_dim3A_255 : vector<256x1xf32> to vector<256x1024xf32>
    %eq3A_257 = arith.cmpf oeq, %select_n3A_252, %eq3A_256 : vector<256x1024xf32>
    %jit3A_258 = arith.constant 1024 : i32
    %broadcast_in_dim3A_259 = vector.broadcast %jit3A_258 : i32 to vector<256x1024xi32>
    %select_n3A_260 = arith.select %eq3A_257, %iota3A_54, %broadcast_in_dim3A_259 : vector<256x1024xi1>, vector<256x1024xi32>
    %reduce_min3A_261 = arith.constant dense<2147483647> : vector<256xi32>
    %reduce_min3A_262 = vector.multi_reduction <minsi>, %select_n3A_260, %reduce_min3A_261 [1] : vector<256x1024xi32> to vector<256xi32>
    %broadcast_in_dim3A_263 = vector.shape_cast %reduce_min3A_262 : vector<256xi32> to vector<256x1xi32>
    %lt3A_264 = arith.constant 9.000000e-02 : f32
    %lt3A_265 = vector.broadcast %lt3A_264 : f32 to vector<256x1xf32>
    %lt3A_266 = arith.cmpf olt, %broadcast_in_dim3A_255, %lt3A_265 : vector<256x1xf32>
    %select_n3A_267 = arith.select %lt3A_266, %broadcast_in_dim3A_263, %broadcast_in_dim3A_64 : vector<256x1xi1>, vector<256x1xi32>
    %eq3A_268 = vector.broadcast %broadcast_in_dim3A_263 : vector<256x1xi32> to vector<256x1024xi32>
    %eq3A_269 = arith.cmpi eq, %iota3A_54, %eq3A_268 : vector<256x1024xi32>
    %jit3A_270 = arith.constant 0x7F800000 : f32
    %broadcast_in_dim3A_271 = vector.broadcast %jit3A_270 : f32 to vector<256x1024xf32>
    %select_n3A_272 = arith.select %eq3A_269, %broadcast_in_dim3A_271, %select_n3A_252 : vector<256x1024xi1>, vector<256x1024xf32>
    %reduce_min3A_273 = arith.constant dense<0x7F800000> : vector<256xf32>
    %reduce_min3A_274 = vector.multi_reduction <minimumf>, %select_n3A_272, %reduce_min3A_273 [1] : vector<256x1024xf32> to vector<256xf32>
    %broadcast_in_dim3A_275 = vector.shape_cast %reduce_min3A_274 : vector<256xf32> to vector<256x1xf32>
    %eq3A_276 = vector.broadcast %broadcast_in_dim3A_275 : vector<256x1xf32> to vector<256x1024xf32>
    %eq3A_277 = arith.cmpf oeq, %select_n3A_272, %eq3A_276 : vector<256x1024xf32>
    %jit3A_278 = arith.constant 1024 : i32
    %broadcast_in_dim3A_279 = vector.broadcast %jit3A_278 : i32 to vector<256x1024xi32>
    %select_n3A_280 = arith.select %eq3A_277, %iota3A_54, %broadcast_in_dim3A_279 : vector<256x1024xi1>, vector<256x1024xi32>
    %reduce_min3A_281 = arith.constant dense<2147483647> : vector<256xi32>
    %reduce_min3A_282 = vector.multi_reduction <minsi>, %select_n3A_280, %reduce_min3A_281 [1] : vector<256x1024xi32> to vector<256xi32>
    %broadcast_in_dim3A_283 = vector.shape_cast %reduce_min3A_282 : vector<256xi32> to vector<256x1xi32>
    %lt3A_284 = arith.constant 9.000000e-02 : f32
    %lt3A_285 = vector.broadcast %lt3A_284 : f32 to vector<256x1xf32>
    %lt3A_286 = arith.cmpf olt, %broadcast_in_dim3A_275, %lt3A_285 : vector<256x1xf32>
    %select_n3A_287 = arith.select %lt3A_286, %broadcast_in_dim3A_283, %broadcast_in_dim3A_64 : vector<256x1xi1>, vector<256x1xi32>
    %eq3A_288 = vector.broadcast %broadcast_in_dim3A_283 : vector<256x1xi32> to vector<256x1024xi32>
    %eq3A_289 = arith.cmpi eq, %iota3A_54, %eq3A_288 : vector<256x1024xi32>
    %jit3A_290 = arith.constant 0x7F800000 : f32
    %broadcast_in_dim3A_291 = vector.broadcast %jit3A_290 : f32 to vector<256x1024xf32>
    %select_n3A_292 = arith.select %eq3A_289, %broadcast_in_dim3A_291, %select_n3A_272 : vector<256x1024xi1>, vector<256x1024xf32>
    %reduce_min3A_293 = arith.constant dense<0x7F800000> : vector<256xf32>
    %reduce_min3A_294 = vector.multi_reduction <minimumf>, %select_n3A_292, %reduce_min3A_293 [1] : vector<256x1024xf32> to vector<256xf32>
    %broadcast_in_dim3A_295 = vector.shape_cast %reduce_min3A_294 : vector<256xf32> to vector<256x1xf32>
    %eq3A_296 = vector.broadcast %broadcast_in_dim3A_295 : vector<256x1xf32> to vector<256x1024xf32>
    %eq3A_297 = arith.cmpf oeq, %select_n3A_292, %eq3A_296 : vector<256x1024xf32>
    %jit3A_298 = arith.constant 1024 : i32
    %broadcast_in_dim3A_299 = vector.broadcast %jit3A_298 : i32 to vector<256x1024xi32>
    %select_n3A_300 = arith.select %eq3A_297, %iota3A_54, %broadcast_in_dim3A_299 : vector<256x1024xi1>, vector<256x1024xi32>
    %reduce_min3A_301 = arith.constant dense<2147483647> : vector<256xi32>
    %reduce_min3A_302 = vector.multi_reduction <minsi>, %select_n3A_300, %reduce_min3A_301 [1] : vector<256x1024xi32> to vector<256xi32>
    %broadcast_in_dim3A_303 = vector.shape_cast %reduce_min3A_302 : vector<256xi32> to vector<256x1xi32>
    %lt3A_304 = arith.constant 9.000000e-02 : f32
    %lt3A_305 = vector.broadcast %lt3A_304 : f32 to vector<256x1xf32>
    %lt3A_306 = arith.cmpf olt, %broadcast_in_dim3A_295, %lt3A_305 : vector<256x1xf32>
    %select_n3A_307 = arith.select %lt3A_306, %broadcast_in_dim3A_303, %broadcast_in_dim3A_64 : vector<256x1xi1>, vector<256x1xi32>
    %eq3A_308 = vector.broadcast %broadcast_in_dim3A_303 : vector<256x1xi32> to vector<256x1024xi32>
    %eq3A_309 = arith.cmpi eq, %iota3A_54, %eq3A_308 : vector<256x1024xi32>
    %jit3A_310 = arith.constant 0x7F800000 : f32
    %broadcast_in_dim3A_311 = vector.broadcast %jit3A_310 : f32 to vector<256x1024xf32>
    %select_n3A_312 = arith.select %eq3A_309, %broadcast_in_dim3A_311, %select_n3A_292 : vector<256x1024xi1>, vector<256x1024xf32>
    %reduce_min3A_313 = arith.constant dense<0x7F800000> : vector<256xf32>
    %reduce_min3A_314 = vector.multi_reduction <minimumf>, %select_n3A_312, %reduce_min3A_313 [1] : vector<256x1024xf32> to vector<256xf32>
    %broadcast_in_dim3A_315 = vector.shape_cast %reduce_min3A_314 : vector<256xf32> to vector<256x1xf32>
    %eq3A_316 = vector.broadcast %broadcast_in_dim3A_315 : vector<256x1xf32> to vector<256x1024xf32>
    %eq3A_317 = arith.cmpf oeq, %select_n3A_312, %eq3A_316 : vector<256x1024xf32>
    %jit3A_318 = arith.constant 1024 : i32
    %broadcast_in_dim3A_319 = vector.broadcast %jit3A_318 : i32 to vector<256x1024xi32>
    %select_n3A_320 = arith.select %eq3A_317, %iota3A_54, %broadcast_in_dim3A_319 : vector<256x1024xi1>, vector<256x1024xi32>
    %reduce_min3A_321 = arith.constant dense<2147483647> : vector<256xi32>
    %reduce_min3A_322 = vector.multi_reduction <minsi>, %select_n3A_320, %reduce_min3A_321 [1] : vector<256x1024xi32> to vector<256xi32>
    %broadcast_in_dim3A_323 = vector.shape_cast %reduce_min3A_322 : vector<256xi32> to vector<256x1xi32>
    %lt3A_324 = arith.constant 9.000000e-02 : f32
    %lt3A_325 = vector.broadcast %lt3A_324 : f32 to vector<256x1xf32>
    %lt3A_326 = arith.cmpf olt, %broadcast_in_dim3A_315, %lt3A_325 : vector<256x1xf32>
    %select_n3A_327 = arith.select %lt3A_326, %broadcast_in_dim3A_323, %broadcast_in_dim3A_64 : vector<256x1xi1>, vector<256x1xi32>
    %eq3A_328 = vector.broadcast %broadcast_in_dim3A_323 : vector<256x1xi32> to vector<256x1024xi32>
    %eq3A_329 = arith.cmpi eq, %iota3A_54, %eq3A_328 : vector<256x1024xi32>
    %jit3A_330 = arith.constant 0x7F800000 : f32
    %broadcast_in_dim3A_331 = vector.broadcast %jit3A_330 : f32 to vector<256x1024xf32>
    %select_n3A_332 = arith.select %eq3A_329, %broadcast_in_dim3A_331, %select_n3A_312 : vector<256x1024xi1>, vector<256x1024xf32>
    %reduce_min3A_333 = arith.constant dense<0x7F800000> : vector<256xf32>
    %reduce_min3A_334 = vector.multi_reduction <minimumf>, %select_n3A_332, %reduce_min3A_333 [1] : vector<256x1024xf32> to vector<256xf32>
    %broadcast_in_dim3A_335 = vector.shape_cast %reduce_min3A_334 : vector<256xf32> to vector<256x1xf32>
    %eq3A_336 = vector.broadcast %broadcast_in_dim3A_335 : vector<256x1xf32> to vector<256x1024xf32>
    %eq3A_337 = arith.cmpf oeq, %select_n3A_332, %eq3A_336 : vector<256x1024xf32>
    %jit3A_338 = arith.constant 1024 : i32
    %broadcast_in_dim3A_339 = vector.broadcast %jit3A_338 : i32 to vector<256x1024xi32>
    %select_n3A_340 = arith.select %eq3A_337, %iota3A_54, %broadcast_in_dim3A_339 : vector<256x1024xi1>, vector<256x1024xi32>
    %reduce_min3A_341 = arith.constant dense<2147483647> : vector<256xi32>
    %reduce_min3A_342 = vector.multi_reduction <minsi>, %select_n3A_340, %reduce_min3A_341 [1] : vector<256x1024xi32> to vector<256xi32>
    %broadcast_in_dim3A_343 = vector.shape_cast %reduce_min3A_342 : vector<256xi32> to vector<256x1xi32>
    %lt3A_344 = arith.constant 9.000000e-02 : f32
    %lt3A_345 = vector.broadcast %lt3A_344 : f32 to vector<256x1xf32>
    %lt3A_346 = arith.cmpf olt, %broadcast_in_dim3A_335, %lt3A_345 : vector<256x1xf32>
    %select_n3A_347 = arith.select %lt3A_346, %broadcast_in_dim3A_343, %broadcast_in_dim3A_64 : vector<256x1xi1>, vector<256x1xi32>
    %eq3A_348 = vector.broadcast %broadcast_in_dim3A_343 : vector<256x1xi32> to vector<256x1024xi32>
    %eq3A_349 = arith.cmpi eq, %iota3A_54, %eq3A_348 : vector<256x1024xi32>
    %jit3A_350 = arith.constant 0x7F800000 : f32
    %broadcast_in_dim3A_351 = vector.broadcast %jit3A_350 : f32 to vector<256x1024xf32>
    %select_n3A_352 = arith.select %eq3A_349, %broadcast_in_dim3A_351, %select_n3A_332 : vector<256x1024xi1>, vector<256x1024xf32>
    %reduce_min3A_353 = arith.constant dense<0x7F800000> : vector<256xf32>
    %reduce_min3A_354 = vector.multi_reduction <minimumf>, %select_n3A_352, %reduce_min3A_353 [1] : vector<256x1024xf32> to vector<256xf32>
    %broadcast_in_dim3A_355 = vector.shape_cast %reduce_min3A_354 : vector<256xf32> to vector<256x1xf32>
    %eq3A_356 = vector.broadcast %broadcast_in_dim3A_355 : vector<256x1xf32> to vector<256x1024xf32>
    %eq3A_357 = arith.cmpf oeq, %select_n3A_352, %eq3A_356 : vector<256x1024xf32>
    %jit3A_358 = arith.constant 1024 : i32
    %broadcast_in_dim3A_359 = vector.broadcast %jit3A_358 : i32 to vector<256x1024xi32>
    %select_n3A_360 = arith.select %eq3A_357, %iota3A_54, %broadcast_in_dim3A_359 : vector<256x1024xi1>, vector<256x1024xi32>
    %reduce_min3A_361 = arith.constant dense<2147483647> : vector<256xi32>
    %reduce_min3A_362 = vector.multi_reduction <minsi>, %select_n3A_360, %reduce_min3A_361 [1] : vector<256x1024xi32> to vector<256xi32>
    %broadcast_in_dim3A_363 = vector.shape_cast %reduce_min3A_362 : vector<256xi32> to vector<256x1xi32>
    %lt3A_364 = arith.constant 9.000000e-02 : f32
    %lt3A_365 = vector.broadcast %lt3A_364 : f32 to vector<256x1xf32>
    %lt3A_366 = arith.cmpf olt, %broadcast_in_dim3A_355, %lt3A_365 : vector<256x1xf32>
    %select_n3A_367 = arith.select %lt3A_366, %broadcast_in_dim3A_363, %broadcast_in_dim3A_64 : vector<256x1xi1>, vector<256x1xi32>
    %concatenate3A = tpu.concatenate %select_n3A_67, %select_n3A_87, %select_n3A_107, %select_n3A_127, %select_n3A_147, %select_n3A_167, %select_n3A_187, %select_n3A_207, %select_n3A_227, %select_n3A_247, %select_n3A_267, %select_n3A_287, %select_n3A_307, %select_n3A_327, %select_n3A_347, %select_n3A_367 in 1 : vector<256x1xi32>, vector<256x1xi32>, vector<256x1xi32>, vector<256x1xi32>, vector<256x1xi32>, vector<256x1xi32>, vector<256x1xi32>, vector<256x1xi32>, vector<256x1xi32>, vector<256x1xi32>, vector<256x1xi32>, vector<256x1xi32>, vector<256x1xi32>, vector<256x1xi32>, vector<256x1xi32>, vector<256x1xi32> -> vector<256x16xi32>
    %mul3A = arith.constant 1024 : i32
    %mul3A_368 = arith.muli %add3A_0, %mul3A : i32
    %add3A_369 = vector.broadcast %mul3A_368 : i32 to vector<256x16xi32>
    %add3A_370 = arith.addi %concatenate3A, %add3A_369 : vector<256x16xi32>
    %swap3A = arith.constant 0 : index
    %swap3A_371 = arith.constant 0 : index
    %swap3A_372 = arith.constant 0 : index
    %swap3A_373 = vector.load %arg3[%swap3A, %swap3A_371, %swap3A_372] : memref<1x256x16xi32, #tpu.memory_space<vmem>>, vector<1x256x16xi32>
    %swap3A_374 = vector.shape_cast %swap3A_373 : vector<1x256x16xi32> to vector<256x16xi32>
    %swap3A_375 = vector.shape_cast %add3A_370 : vector<256x16xi32> to vector<1x256x16xi32>
    tpu.vector_store %arg3[%swap3A, %swap3A_371, %swap3A_372], %swap3A_375 {strides = array<i32>} : memref<1x256x16xi32, #tpu.memory_space<vmem>>, vector<1x256x16xi32>,
    %concatenate3A_376 = tpu.concatenate %broadcast_in_dim3A_25, %broadcast_in_dim3A_33, %broadcast_in_dim3A_41 in 1 : vector<256x1xf32>, vector<256x1xf32>, vector<256x1xf32> -> vector<256x3xf32>
    %swap3A_377 = arith.constant 0 : index
    %swap3A_378 = arith.constant 0 : index
    %swap3A_379 = arith.constant 0 : index
    %swap3A_380 = vector.load %arg4[%swap3A_377, %swap3A_378, %swap3A_379] : memref<1x256x3xf32, #tpu.memory_space<vmem>>, vector<1x256x3xf32>
    %swap3A_381 = vector.shape_cast %swap3A_380 : vector<1x256x3xf32> to vector<256x3xf32>
    %swap3A_382 = vector.shape_cast %concatenate3A_376 : vector<256x3xf32> to vector<1x256x3xf32>
    tpu.vector_store %arg4[%swap3A_377, %swap3A_378, %swap3A_379], %swap3A_382 {strides = array<i32>} : memref<1x256x3xf32, #tpu.memory_space<vmem>>, vector<1x256x3xf32>,
    return
  }
  func.func @transform_0(%arg0: i32) -> (i32, i32, i32) {
    %add3A = arith.constant 0 : i32
    %add3A_0 = arith.addi %arg0, %add3A : i32
    %c0_i32 = arith.constant 0 : i32
    %c0_i32_1 = arith.constant 0 : i32
    %c0_i32_2 = arith.constant 0 : i32
    return %add3A_0, %c0_i32, %c0_i32_1 : i32, i32, i32
  }
  func.func @transform_1(%arg0: i32) -> (i32, i32, i32) {
    %add3A = arith.constant 0 : i32
    %add3A_0 = arith.addi %arg0, %add3A : i32
    %c0_i32 = arith.constant 0 : i32
    %c0_i32_1 = arith.constant 0 : i32
    %c0_i32_2 = arith.constant 0 : i32
    return %add3A_0, %c0_i32, %c0_i32_1 : i32, i32, i32
  }
  func.func @transform_2(%arg0: i32) -> (i32, i32, i32) {
    %c0_i32 = arith.constant 0 : i32
    %c0_i32_0 = arith.constant 0 : i32
    %c0_i32_1 = arith.constant 0 : i32
    return %arg0, %c0_i32, %c0_i32_0 : i32, i32, i32
  }
  func.func @transform_3(%arg0: i32) -> (i32, i32, i32) {
    %c0_i32 = arith.constant 0 : i32
    %c0_i32_0 = arith.constant 0 : i32
    %c0_i32_1 = arith.constant 0 : i32
    return %arg0, %c0_i32, %c0_i32_0 : i32, i32, i32
  }
}

module attributes {stable_mosaic.version = 14 : i64} {
  func.func @_knn_body(%arg0: i32, %arg1: memref<1x3x1024xf32, #tpu.memory_space<vmem>>, %arg2: memref<1x1x1024xi32, #tpu.memory_space<vmem>>, %arg3: memref<1x256x16xi32, #tpu.memory_space<vmem>>, %arg4: memref<1x256x3xf32, #tpu.memory_space<vmem>>) attributes {dimension_semantics = [#tpu.dimension_semantics<arbitrary>], iteration_bounds = array<i64: 8>, scalar_prefetch = 0 : i64, scratch_operands = 0 : i64, tpu.core_type = #tpu.core_type<tc>, window_params = [{transform_indices = @transform_0, window_bounds = array<i64: 1, 3, 1024>}, {transform_indices = @transform_1, window_bounds = array<i64: 1, 1, 1024>}, {transform_indices = @transform_2, window_bounds = array<i64: 1, 256, 16>}, {transform_indices = @transform_3, window_bounds = array<i64: 1, 256, 3>}]} {
    %add3A = arith.constant 8 : i32
    %add3A_0 = arith.addi %arg0, %add3A : i32
    %get3A = arith.constant 0 : index
    %get3A_1 = arith.constant 0 : index
    %get3A_2 = arith.constant 0 : index
    %get3A_3 = vector.load %arg1[%get3A, %get3A_1, %get3A_2] : memref<1x3x1024xf32, #tpu.memory_space<vmem>>, vector<1x1x1024xf32>
    %get3A_4 = vector.shape_cast %get3A_3 : vector<1x1x1024xf32> to vector<1x1024xf32>
    %get3A_5 = arith.constant 0 : index
    %get3A_6 = arith.constant 1 : index
    %get3A_7 = arith.constant 0 : index
    %get3A_8 = vector.load %arg1[%get3A_5, %get3A_6, %get3A_7] : memref<1x3x1024xf32, #tpu.memory_space<vmem>>, vector<1x1x1024xf32>
    %get3A_9 = vector.shape_cast %get3A_8 : vector<1x1x1024xf32> to vector<1x1024xf32>
    %get3A_10 = arith.constant 0 : index
    %get3A_11 = arith.constant 2 : index
    %get3A_12 = arith.constant 0 : index
    %get3A_13 = vector.load %arg1[%get3A_10, %get3A_11, %get3A_12] : memref<1x3x1024xf32, #tpu.memory_space<vmem>>, vector<1x1x1024xf32>
    %get3A_14 = vector.shape_cast %get3A_13 : vector<1x1x1024xf32> to vector<1x1024xf32>
    %get3A_15 = arith.constant 0 : index
    %get3A_16 = arith.constant 0 : index
    %get3A_17 = arith.constant 0 : index
    %get3A_18 = vector.load %arg2[%get3A_15, %get3A_16, %get3A_17] : memref<1x1x1024xi32, #tpu.memory_space<vmem>>, vector<1x1x1024xi32>
    %get3A_19 = vector.shape_cast %get3A_18 : vector<1x1x1024xi32> to vector<1x1024xi32>
    %iota3A = tpu.iota {dimensions = array<i32: 0>} : vector<256x1xi32>
    %eq3A = vector.broadcast %get3A_19 : vector<1x1024xi32> to vector<256x1024xi32>
    %eq3A_20 = vector.broadcast %iota3A : vector<256x1xi32> to vector<256x1024xi32>
    %eq3A_21 = arith.cmpi eq, %eq3A, %eq3A_20 : vector<256x1024xi32>
    %jit3A = arith.constant 0.000000e+00 : f32
    %broadcast_in_dim3A = vector.shape_cast %get3A_4 : vector<1x1024xf32> to vector<1x1024xf32>
    %broadcast_in_dim3A_22 = vector.broadcast %broadcast_in_dim3A : vector<1x1024xf32> to vector<256x1024xf32>
    %broadcast_in_dim3A_23 = vector.broadcast %jit3A : f32 to vector<256x1024xf32>
    %select_n3A = arith.select %eq3A_21, %broadcast_in_dim3A_22, %broadcast_in_dim3A_23 : vector<256x1024xi1>, vector<256x1024xf32>
    %reduce_sum3A = arith.constant dense<0.000000e+00> : vector<256xf32>
    %reduce_sum3A_24 = vector.multi_reduction <add>, %select_n3A, %reduce_sum3A [1] : vector<256x1024xf32> to vector<256xf32>
    %broadcast_in_dim3A_25 = vector.shape_cast %reduce_sum3A_24 : vector<256xf32> to vector<256x1xf32>
    %jit3A_26 = arith.constant 0.000000e+00 : f32
    %broadcast_in_dim3A_27 = vector.shape_cast %get3A_9 : vector<1x1024xf32> to vector<1x1024xf32>
    %broadcast_in_dim3A_28 = vector.broadcast %broadcast_in_dim3A_27 : vector<1x1024xf32> to vector<256x1024xf32>
    %broadcast_in_dim3A_29 = vector.broadcast %jit3A_26 : f32 to vector<256x1024xf32>
    %select_n3A_30 = arith.select %eq3A_21, %broadcast_in_dim3A_28, %broadcast_in_dim3A_29 : vector<256x1024xi1>, vector<256x1024xf32>
    %reduce_sum3A_31 = arith.constant dense<0.000000e+00> : vector<256xf32>
    %reduce_sum3A_32 = vector.multi_reduction <add>, %select_n3A_30, %reduce_sum3A_31 [1] : vector<256x1024xf32> to vector<256xf32>
    %broadcast_in_dim3A_33 = vector.shape_cast %reduce_sum3A_32 : vector<256xf32> to vector<256x1xf32>
    %jit3A_34 = arith.constant 0.000000e+00 : f32
    %broadcast_in_dim3A_35 = vector.shape_cast %get3A_14 : vector<1x1024xf32> to vector<1x1024xf32>
    %broadcast_in_dim3A_36 = vector.broadcast %broadcast_in_dim3A_35 : vector<1x1024xf32> to vector<256x1024xf32>
    %broadcast_in_dim3A_37 = vector.broadcast %jit3A_34 : f32 to vector<256x1024xf32>
    %select_n3A_38 = arith.select %eq3A_21, %broadcast_in_dim3A_36, %broadcast_in_dim3A_37 : vector<256x1024xi1>, vector<256x1024xf32>
    %reduce_sum3A_39 = arith.constant dense<0.000000e+00> : vector<256xf32>
    %reduce_sum3A_40 = vector.multi_reduction <add>, %select_n3A_38, %reduce_sum3A_39 [1] : vector<256x1024xf32> to vector<256xf32>
    %broadcast_in_dim3A_41 = vector.shape_cast %reduce_sum3A_40 : vector<256xf32> to vector<256x1xf32>
    %sub3A = vector.broadcast %broadcast_in_dim3A_25 : vector<256x1xf32> to vector<256x1024xf32>
    %sub3A_42 = vector.broadcast %get3A_4 : vector<1x1024xf32> to vector<256x1024xf32>
    %sub3A_43 = arith.subf %sub3A, %sub3A_42 : vector<256x1024xf32>
    %integer_pow3A = arith.mulf %sub3A_43, %sub3A_43 : vector<256x1024xf32>
    %sub3A_44 = vector.broadcast %broadcast_in_dim3A_33 : vector<256x1xf32> to vector<256x1024xf32>
    %sub3A_45 = vector.broadcast %get3A_9 : vector<1x1024xf32> to vector<256x1024xf32>
    %sub3A_46 = arith.subf %sub3A_44, %sub3A_45 : vector<256x1024xf32>
    %integer_pow3A_47 = arith.mulf %sub3A_46, %sub3A_46 : vector<256x1024xf32>
    %add3A_48 = arith.addf %integer_pow3A, %integer_pow3A_47 : vector<256x1024xf32>
    %sub3A_49 = vector.broadcast %broadcast_in_dim3A_41 : vector<256x1xf32> to vector<256x1024xf32>
    %sub3A_50 = vector.broadcast %get3A_14 : vector<1x1024xf32> to vector<256x1024xf32>
    %sub3A_51 = arith.subf %sub3A_49, %sub3A_50 : vector<256x1024xf32>
    %integer_pow3A_52 = arith.mulf %sub3A_51, %sub3A_51 : vector<256x1024xf32>
    %add3A_53 = arith.addf %add3A_48, %integer_pow3A_52 : vector<256x1024xf32>
    %iota3A_54 = tpu.iota {dimensions = array<i32: 1>} : vector<256x1024xi32>
    %reduce_min3A = arith.constant dense<0x7F800000> : vector<256xf32>
    %reduce_min3A_55 = vector.multi_reduction <minimumf>, %add3A_53, %reduce_min3A [1] : vector<256x1024xf32> to vector<256xf32>
    %broadcast_in_dim3A_56 = vector.shape_cast %reduce_min3A_55 : vector<256xf32> to vector<256x1xf32>
    %eq3A_57 = vector.broadcast %broadcast_in_dim3A_56 : vector<256x1xf32> to vector<256x1024xf32>
    %eq3A_58 = arith.cmpf oeq, %add3A_53, %eq3A_57 : vector<256x1024xf32>
    %jit3A_59 = arith.constant 1024 : i32
    %broadcast_in_dim3A_60 = vector.broadcast %jit3A_59 : i32 to vector<256x1024xi32>
    %select_n3A_61 = arith.select %eq3A_58, %iota3A_54, %broadcast_in_dim3A_60 : vector<256x1024xi1>, vector<256x1024xi32>
    %reduce_min3A_62 = arith.constant dense<2147483647> : vector<256xi32>
    %reduce_min3A_63 = vector.multi_reduction <minsi>, %select_n3A_61, %reduce_min3A_62 [1] : vector<256x1024xi32> to vector<256xi32>
    %broadcast_in_dim3A_64 = vector.shape_cast %reduce_min3A_63 : vector<256xi32> to vector<256x1xi32>
    %lt3A = arith.constant 9.000000e-02 : f32
    %lt3A_65 = vector.broadcast %lt3A : f32 to vector<256x1xf32>
    %lt3A_66 = arith.cmpf olt, %broadcast_in_dim3A_56, %lt3A_65 : vector<256x1xf32>
    %select_n3A_67 = arith.select %lt3A_66, %broadcast_in_dim3A_64, %broadcast_in_dim3A_64 : vector<256x1xi1>, vector<256x1xi32>
    %eq3A_68 = vector.broadcast %broadcast_in_dim3A_64 : vector<256x1xi32> to vector<256x1024xi32>
    %eq3A_69 = arith.cmpi eq, %iota3A_54, %eq3A_68 : vector<256x1024xi32>
    %jit3A_70 = arith.constant 0x7F800000 : f32
    %broadcast_in_dim3A_71 = vector.broadcast %jit3A_70 : f32 to vector<256x1024xf32>
    %select_n3A_72 = arith.select %eq3A_69, %broadcast_in_dim3A_71, %add3A_53 : vector<256x1024xi1>, vector<256x1024xf32>
    %reduce_min3A_73 = arith.constant dense<0x7F800000> : vector<256xf32>
    %reduce_min3A_74 = vector.multi_reduction <minimumf>, %select_n3A_72, %reduce_min3A_73 [1] : vector<256x1024xf32> to vector<256xf32>
    %broadcast_in_dim3A_75 = vector.shape_cast %reduce_min3A_74 : vector<256xf32> to vector<256x1xf32>
    %eq3A_76 = vector.broadcast %broadcast_in_dim3A_75 : vector<256x1xf32> to vector<256x1024xf32>
    %eq3A_77 = arith.cmpf oeq, %select_n3A_72, %eq3A_76 : vector<256x1024xf32>
    %jit3A_78 = arith.constant 1024 : i32
    %broadcast_in_dim3A_79 = vector.broadcast %jit3A_78 : i32 to vector<256x1024xi32>
    %select_n3A_80 = arith.select %eq3A_77, %iota3A_54, %broadcast_in_dim3A_79 : vector<256x1024xi1>, vector<256x1024xi32>
    %reduce_min3A_81 = arith.constant dense<2147483647> : vector<256xi32>
    %reduce_min3A_82 = vector.multi_reduction <minsi>, %select_n3A_80, %reduce_min3A_81 [1] : vector<256x1024xi32> to vector<256xi32>
    %broadcast_in_dim3A_83 = vector.shape_cast %reduce_min3A_82 : vector<256xi32> to vector<256x1xi32>
    %lt3A_84 = arith.constant 9.000000e-02 : f32
    %lt3A_85 = vector.broadcast %lt3A_84 : f32 to vector<256x1xf32>
    %lt3A_86 = arith.cmpf olt, %broadcast_in_dim3A_75, %lt3A_85 : vector<256x1xf32>
    %select_n3A_87 = arith.select %lt3A_86, %broadcast_in_dim3A_83, %broadcast_in_dim3A_64 : vector<256x1xi1>, vector<256x1xi32>
    %eq3A_88 = vector.broadcast %broadcast_in_dim3A_83 : vector<256x1xi32> to vector<256x1024xi32>
    %eq3A_89 = arith.cmpi eq, %iota3A_54, %eq3A_88 : vector<256x1024xi32>
    %jit3A_90 = arith.constant 0x7F800000 : f32
    %broadcast_in_dim3A_91 = vector.broadcast %jit3A_90 : f32 to vector<256x1024xf32>
    %select_n3A_92 = arith.select %eq3A_89, %broadcast_in_dim3A_91, %select_n3A_72 : vector<256x1024xi1>, vector<256x1024xf32>
    %reduce_min3A_93 = arith.constant dense<0x7F800000> : vector<256xf32>
    %reduce_min3A_94 = vector.multi_reduction <minimumf>, %select_n3A_92, %reduce_min3A_93 [1] : vector<256x1024xf32> to vector<256xf32>
    %broadcast_in_dim3A_95 = vector.shape_cast %reduce_min3A_94 : vector<256xf32> to vector<256x1xf32>
    %eq3A_96 = vector.broadcast %broadcast_in_dim3A_95 : vector<256x1xf32> to vector<256x1024xf32>
    %eq3A_97 = arith.cmpf oeq, %select_n3A_92, %eq3A_96 : vector<256x1024xf32>
    %jit3A_98 = arith.constant 1024 : i32
    %broadcast_in_dim3A_99 = vector.broadcast %jit3A_98 : i32 to vector<256x1024xi32>
    %select_n3A_100 = arith.select %eq3A_97, %iota3A_54, %broadcast_in_dim3A_99 : vector<256x1024xi1>, vector<256x1024xi32>
    %reduce_min3A_101 = arith.constant dense<2147483647> : vector<256xi32>
    %reduce_min3A_102 = vector.multi_reduction <minsi>, %select_n3A_100, %reduce_min3A_101 [1] : vector<256x1024xi32> to vector<256xi32>
    %broadcast_in_dim3A_103 = vector.shape_cast %reduce_min3A_102 : vector<256xi32> to vector<256x1xi32>
    %lt3A_104 = arith.constant 9.000000e-02 : f32
    %lt3A_105 = vector.broadcast %lt3A_104 : f32 to vector<256x1xf32>
    %lt3A_106 = arith.cmpf olt, %broadcast_in_dim3A_95, %lt3A_105 : vector<256x1xf32>
    %select_n3A_107 = arith.select %lt3A_106, %broadcast_in_dim3A_103, %broadcast_in_dim3A_64 : vector<256x1xi1>, vector<256x1xi32>
    %eq3A_108 = vector.broadcast %broadcast_in_dim3A_103 : vector<256x1xi32> to vector<256x1024xi32>
    %eq3A_109 = arith.cmpi eq, %iota3A_54, %eq3A_108 : vector<256x1024xi32>
    %jit3A_110 = arith.constant 0x7F800000 : f32
    %broadcast_in_dim3A_111 = vector.broadcast %jit3A_110 : f32 to vector<256x1024xf32>
    %select_n3A_112 = arith.select %eq3A_109, %broadcast_in_dim3A_111, %select_n3A_92 : vector<256x1024xi1>, vector<256x1024xf32>
    %reduce_min3A_113 = arith.constant dense<0x7F800000> : vector<256xf32>
    %reduce_min3A_114 = vector.multi_reduction <minimumf>, %select_n3A_112, %reduce_min3A_113 [1] : vector<256x1024xf32> to vector<256xf32>
    %broadcast_in_dim3A_115 = vector.shape_cast %reduce_min3A_114 : vector<256xf32> to vector<256x1xf32>
    %eq3A_116 = vector.broadcast %broadcast_in_dim3A_115 : vector<256x1xf32> to vector<256x1024xf32>
    %eq3A_117 = arith.cmpf oeq, %select_n3A_112, %eq3A_116 : vector<256x1024xf32>
    %jit3A_118 = arith.constant 1024 : i32
    %broadcast_in_dim3A_119 = vector.broadcast %jit3A_118 : i32 to vector<256x1024xi32>
    %select_n3A_120 = arith.select %eq3A_117, %iota3A_54, %broadcast_in_dim3A_119 : vector<256x1024xi1>, vector<256x1024xi32>
    %reduce_min3A_121 = arith.constant dense<2147483647> : vector<256xi32>
    %reduce_min3A_122 = vector.multi_reduction <minsi>, %select_n3A_120, %reduce_min3A_121 [1] : vector<256x1024xi32> to vector<256xi32>
    %broadcast_in_dim3A_123 = vector.shape_cast %reduce_min3A_122 : vector<256xi32> to vector<256x1xi32>
    %lt3A_124 = arith.constant 9.000000e-02 : f32
    %lt3A_125 = vector.broadcast %lt3A_124 : f32 to vector<256x1xf32>
    %lt3A_126 = arith.cmpf olt, %broadcast_in_dim3A_115, %lt3A_125 : vector<256x1xf32>
    %select_n3A_127 = arith.select %lt3A_126, %broadcast_in_dim3A_123, %broadcast_in_dim3A_64 : vector<256x1xi1>, vector<256x1xi32>
    %eq3A_128 = vector.broadcast %broadcast_in_dim3A_123 : vector<256x1xi32> to vector<256x1024xi32>
    %eq3A_129 = arith.cmpi eq, %iota3A_54, %eq3A_128 : vector<256x1024xi32>
    %jit3A_130 = arith.constant 0x7F800000 : f32
    %broadcast_in_dim3A_131 = vector.broadcast %jit3A_130 : f32 to vector<256x1024xf32>
    %select_n3A_132 = arith.select %eq3A_129, %broadcast_in_dim3A_131, %select_n3A_112 : vector<256x1024xi1>, vector<256x1024xf32>
    %reduce_min3A_133 = arith.constant dense<0x7F800000> : vector<256xf32>
    %reduce_min3A_134 = vector.multi_reduction <minimumf>, %select_n3A_132, %reduce_min3A_133 [1] : vector<256x1024xf32> to vector<256xf32>
    %broadcast_in_dim3A_135 = vector.shape_cast %reduce_min3A_134 : vector<256xf32> to vector<256x1xf32>
    %eq3A_136 = vector.broadcast %broadcast_in_dim3A_135 : vector<256x1xf32> to vector<256x1024xf32>
    %eq3A_137 = arith.cmpf oeq, %select_n3A_132, %eq3A_136 : vector<256x1024xf32>
    %jit3A_138 = arith.constant 1024 : i32
    %broadcast_in_dim3A_139 = vector.broadcast %jit3A_138 : i32 to vector<256x1024xi32>
    %select_n3A_140 = arith.select %eq3A_137, %iota3A_54, %broadcast_in_dim3A_139 : vector<256x1024xi1>, vector<256x1024xi32>
    %reduce_min3A_141 = arith.constant dense<2147483647> : vector<256xi32>
    %reduce_min3A_142 = vector.multi_reduction <minsi>, %select_n3A_140, %reduce_min3A_141 [1] : vector<256x1024xi32> to vector<256xi32>
    %broadcast_in_dim3A_143 = vector.shape_cast %reduce_min3A_142 : vector<256xi32> to vector<256x1xi32>
    %lt3A_144 = arith.constant 9.000000e-02 : f32
    %lt3A_145 = vector.broadcast %lt3A_144 : f32 to vector<256x1xf32>
    %lt3A_146 = arith.cmpf olt, %broadcast_in_dim3A_135, %lt3A_145 : vector<256x1xf32>
    %select_n3A_147 = arith.select %lt3A_146, %broadcast_in_dim3A_143, %broadcast_in_dim3A_64 : vector<256x1xi1>, vector<256x1xi32>
    %eq3A_148 = vector.broadcast %broadcast_in_dim3A_143 : vector<256x1xi32> to vector<256x1024xi32>
    %eq3A_149 = arith.cmpi eq, %iota3A_54, %eq3A_148 : vector<256x1024xi32>
    %jit3A_150 = arith.constant 0x7F800000 : f32
    %broadcast_in_dim3A_151 = vector.broadcast %jit3A_150 : f32 to vector<256x1024xf32>
    %select_n3A_152 = arith.select %eq3A_149, %broadcast_in_dim3A_151, %select_n3A_132 : vector<256x1024xi1>, vector<256x1024xf32>
    %reduce_min3A_153 = arith.constant dense<0x7F800000> : vector<256xf32>
    %reduce_min3A_154 = vector.multi_reduction <minimumf>, %select_n3A_152, %reduce_min3A_153 [1] : vector<256x1024xf32> to vector<256xf32>
    %broadcast_in_dim3A_155 = vector.shape_cast %reduce_min3A_154 : vector<256xf32> to vector<256x1xf32>
    %eq3A_156 = vector.broadcast %broadcast_in_dim3A_155 : vector<256x1xf32> to vector<256x1024xf32>
    %eq3A_157 = arith.cmpf oeq, %select_n3A_152, %eq3A_156 : vector<256x1024xf32>
    %jit3A_158 = arith.constant 1024 : i32
    %broadcast_in_dim3A_159 = vector.broadcast %jit3A_158 : i32 to vector<256x1024xi32>
    %select_n3A_160 = arith.select %eq3A_157, %iota3A_54, %broadcast_in_dim3A_159 : vector<256x1024xi1>, vector<256x1024xi32>
    %reduce_min3A_161 = arith.constant dense<2147483647> : vector<256xi32>
    %reduce_min3A_162 = vector.multi_reduction <minsi>, %select_n3A_160, %reduce_min3A_161 [1] : vector<256x1024xi32> to vector<256xi32>
    %broadcast_in_dim3A_163 = vector.shape_cast %reduce_min3A_162 : vector<256xi32> to vector<256x1xi32>
    %lt3A_164 = arith.constant 9.000000e-02 : f32
    %lt3A_165 = vector.broadcast %lt3A_164 : f32 to vector<256x1xf32>
    %lt3A_166 = arith.cmpf olt, %broadcast_in_dim3A_155, %lt3A_165 : vector<256x1xf32>
    %select_n3A_167 = arith.select %lt3A_166, %broadcast_in_dim3A_163, %broadcast_in_dim3A_64 : vector<256x1xi1>, vector<256x1xi32>
    %eq3A_168 = vector.broadcast %broadcast_in_dim3A_163 : vector<256x1xi32> to vector<256x1024xi32>
    %eq3A_169 = arith.cmpi eq, %iota3A_54, %eq3A_168 : vector<256x1024xi32>
    %jit3A_170 = arith.constant 0x7F800000 : f32
    %broadcast_in_dim3A_171 = vector.broadcast %jit3A_170 : f32 to vector<256x1024xf32>
    %select_n3A_172 = arith.select %eq3A_169, %broadcast_in_dim3A_171, %select_n3A_152 : vector<256x1024xi1>, vector<256x1024xf32>
    %reduce_min3A_173 = arith.constant dense<0x7F800000> : vector<256xf32>
    %reduce_min3A_174 = vector.multi_reduction <minimumf>, %select_n3A_172, %reduce_min3A_173 [1] : vector<256x1024xf32> to vector<256xf32>
    %broadcast_in_dim3A_175 = vector.shape_cast %reduce_min3A_174 : vector<256xf32> to vector<256x1xf32>
    %eq3A_176 = vector.broadcast %broadcast_in_dim3A_175 : vector<256x1xf32> to vector<256x1024xf32>
    %eq3A_177 = arith.cmpf oeq, %select_n3A_172, %eq3A_176 : vector<256x1024xf32>
    %jit3A_178 = arith.constant 1024 : i32
    %broadcast_in_dim3A_179 = vector.broadcast %jit3A_178 : i32 to vector<256x1024xi32>
    %select_n3A_180 = arith.select %eq3A_177, %iota3A_54, %broadcast_in_dim3A_179 : vector<256x1024xi1>, vector<256x1024xi32>
    %reduce_min3A_181 = arith.constant dense<2147483647> : vector<256xi32>
    %reduce_min3A_182 = vector.multi_reduction <minsi>, %select_n3A_180, %reduce_min3A_181 [1] : vector<256x1024xi32> to vector<256xi32>
    %broadcast_in_dim3A_183 = vector.shape_cast %reduce_min3A_182 : vector<256xi32> to vector<256x1xi32>
    %lt3A_184 = arith.constant 9.000000e-02 : f32
    %lt3A_185 = vector.broadcast %lt3A_184 : f32 to vector<256x1xf32>
    %lt3A_186 = arith.cmpf olt, %broadcast_in_dim3A_175, %lt3A_185 : vector<256x1xf32>
    %select_n3A_187 = arith.select %lt3A_186, %broadcast_in_dim3A_183, %broadcast_in_dim3A_64 : vector<256x1xi1>, vector<256x1xi32>
    %eq3A_188 = vector.broadcast %broadcast_in_dim3A_183 : vector<256x1xi32> to vector<256x1024xi32>
    %eq3A_189 = arith.cmpi eq, %iota3A_54, %eq3A_188 : vector<256x1024xi32>
    %jit3A_190 = arith.constant 0x7F800000 : f32
    %broadcast_in_dim3A_191 = vector.broadcast %jit3A_190 : f32 to vector<256x1024xf32>
    %select_n3A_192 = arith.select %eq3A_189, %broadcast_in_dim3A_191, %select_n3A_172 : vector<256x1024xi1>, vector<256x1024xf32>
    %reduce_min3A_193 = arith.constant dense<0x7F800000> : vector<256xf32>
    %reduce_min3A_194 = vector.multi_reduction <minimumf>, %select_n3A_192, %reduce_min3A_193 [1] : vector<256x1024xf32> to vector<256xf32>
    %broadcast_in_dim3A_195 = vector.shape_cast %reduce_min3A_194 : vector<256xf32> to vector<256x1xf32>
    %eq3A_196 = vector.broadcast %broadcast_in_dim3A_195 : vector<256x1xf32> to vector<256x1024xf32>
    %eq3A_197 = arith.cmpf oeq, %select_n3A_192, %eq3A_196 : vector<256x1024xf32>
    %jit3A_198 = arith.constant 1024 : i32
    %broadcast_in_dim3A_199 = vector.broadcast %jit3A_198 : i32 to vector<256x1024xi32>
    %select_n3A_200 = arith.select %eq3A_197, %iota3A_54, %broadcast_in_dim3A_199 : vector<256x1024xi1>, vector<256x1024xi32>
    %reduce_min3A_201 = arith.constant dense<2147483647> : vector<256xi32>
    %reduce_min3A_202 = vector.multi_reduction <minsi>, %select_n3A_200, %reduce_min3A_201 [1] : vector<256x1024xi32> to vector<256xi32>
    %broadcast_in_dim3A_203 = vector.shape_cast %reduce_min3A_202 : vector<256xi32> to vector<256x1xi32>
    %lt3A_204 = arith.constant 9.000000e-02 : f32
    %lt3A_205 = vector.broadcast %lt3A_204 : f32 to vector<256x1xf32>
    %lt3A_206 = arith.cmpf olt, %broadcast_in_dim3A_195, %lt3A_205 : vector<256x1xf32>
    %select_n3A_207 = arith.select %lt3A_206, %broadcast_in_dim3A_203, %broadcast_in_dim3A_64 : vector<256x1xi1>, vector<256x1xi32>
    %eq3A_208 = vector.broadcast %broadcast_in_dim3A_203 : vector<256x1xi32> to vector<256x1024xi32>
    %eq3A_209 = arith.cmpi eq, %iota3A_54, %eq3A_208 : vector<256x1024xi32>
    %jit3A_210 = arith.constant 0x7F800000 : f32
    %broadcast_in_dim3A_211 = vector.broadcast %jit3A_210 : f32 to vector<256x1024xf32>
    %select_n3A_212 = arith.select %eq3A_209, %broadcast_in_dim3A_211, %select_n3A_192 : vector<256x1024xi1>, vector<256x1024xf32>
    %reduce_min3A_213 = arith.constant dense<0x7F800000> : vector<256xf32>
    %reduce_min3A_214 = vector.multi_reduction <minimumf>, %select_n3A_212, %reduce_min3A_213 [1] : vector<256x1024xf32> to vector<256xf32>
    %broadcast_in_dim3A_215 = vector.shape_cast %reduce_min3A_214 : vector<256xf32> to vector<256x1xf32>
    %eq3A_216 = vector.broadcast %broadcast_in_dim3A_215 : vector<256x1xf32> to vector<256x1024xf32>
    %eq3A_217 = arith.cmpf oeq, %select_n3A_212, %eq3A_216 : vector<256x1024xf32>
    %jit3A_218 = arith.constant 1024 : i32
    %broadcast_in_dim3A_219 = vector.broadcast %jit3A_218 : i32 to vector<256x1024xi32>
    %select_n3A_220 = arith.select %eq3A_217, %iota3A_54, %broadcast_in_dim3A_219 : vector<256x1024xi1>, vector<256x1024xi32>
    %reduce_min3A_221 = arith.constant dense<2147483647> : vector<256xi32>
    %reduce_min3A_222 = vector.multi_reduction <minsi>, %select_n3A_220, %reduce_min3A_221 [1] : vector<256x1024xi32> to vector<256xi32>
    %broadcast_in_dim3A_223 = vector.shape_cast %reduce_min3A_222 : vector<256xi32> to vector<256x1xi32>
    %lt3A_224 = arith.constant 9.000000e-02 : f32
    %lt3A_225 = vector.broadcast %lt3A_224 : f32 to vector<256x1xf32>
    %lt3A_226 = arith.cmpf olt, %broadcast_in_dim3A_215, %lt3A_225 : vector<256x1xf32>
    %select_n3A_227 = arith.select %lt3A_226, %broadcast_in_dim3A_223, %broadcast_in_dim3A_64 : vector<256x1xi1>, vector<256x1xi32>
    %eq3A_228 = vector.broadcast %broadcast_in_dim3A_223 : vector<256x1xi32> to vector<256x1024xi32>
    %eq3A_229 = arith.cmpi eq, %iota3A_54, %eq3A_228 : vector<256x1024xi32>
    %jit3A_230 = arith.constant 0x7F800000 : f32
    %broadcast_in_dim3A_231 = vector.broadcast %jit3A_230 : f32 to vector<256x1024xf32>
    %select_n3A_232 = arith.select %eq3A_229, %broadcast_in_dim3A_231, %select_n3A_212 : vector<256x1024xi1>, vector<256x1024xf32>
    %reduce_min3A_233 = arith.constant dense<0x7F800000> : vector<256xf32>
    %reduce_min3A_234 = vector.multi_reduction <minimumf>, %select_n3A_232, %reduce_min3A_233 [1] : vector<256x1024xf32> to vector<256xf32>
    %broadcast_in_dim3A_235 = vector.shape_cast %reduce_min3A_234 : vector<256xf32> to vector<256x1xf32>
    %eq3A_236 = vector.broadcast %broadcast_in_dim3A_235 : vector<256x1xf32> to vector<256x1024xf32>
    %eq3A_237 = arith.cmpf oeq, %select_n3A_232, %eq3A_236 : vector<256x1024xf32>
    %jit3A_238 = arith.constant 1024 : i32
    %broadcast_in_dim3A_239 = vector.broadcast %jit3A_238 : i32 to vector<256x1024xi32>
    %select_n3A_240 = arith.select %eq3A_237, %iota3A_54, %broadcast_in_dim3A_239 : vector<256x1024xi1>, vector<256x1024xi32>
    %reduce_min3A_241 = arith.constant dense<2147483647> : vector<256xi32>
    %reduce_min3A_242 = vector.multi_reduction <minsi>, %select_n3A_240, %reduce_min3A_241 [1] : vector<256x1024xi32> to vector<256xi32>
    %broadcast_in_dim3A_243 = vector.shape_cast %reduce_min3A_242 : vector<256xi32> to vector<256x1xi32>
    %lt3A_244 = arith.constant 9.000000e-02 : f32
    %lt3A_245 = vector.broadcast %lt3A_244 : f32 to vector<256x1xf32>
    %lt3A_246 = arith.cmpf olt, %broadcast_in_dim3A_235, %lt3A_245 : vector<256x1xf32>
    %select_n3A_247 = arith.select %lt3A_246, %broadcast_in_dim3A_243, %broadcast_in_dim3A_64 : vector<256x1xi1>, vector<256x1xi32>
    %eq3A_248 = vector.broadcast %broadcast_in_dim3A_243 : vector<256x1xi32> to vector<256x1024xi32>
    %eq3A_249 = arith.cmpi eq, %iota3A_54, %eq3A_248 : vector<256x1024xi32>
    %jit3A_250 = arith.constant 0x7F800000 : f32
    %broadcast_in_dim3A_251 = vector.broadcast %jit3A_250 : f32 to vector<256x1024xf32>
    %select_n3A_252 = arith.select %eq3A_249, %broadcast_in_dim3A_251, %select_n3A_232 : vector<256x1024xi1>, vector<256x1024xf32>
    %reduce_min3A_253 = arith.constant dense<0x7F800000> : vector<256xf32>
    %reduce_min3A_254 = vector.multi_reduction <minimumf>, %select_n3A_252, %reduce_min3A_253 [1] : vector<256x1024xf32> to vector<256xf32>
    %broadcast_in_dim3A_255 = vector.shape_cast %reduce_min3A_254 : vector<256xf32> to vector<256x1xf32>
    %eq3A_256 = vector.broadcast %broadcast_in_dim3A_255 : vector<256x1xf32> to vector<256x1024xf32>
    %eq3A_257 = arith.cmpf oeq, %select_n3A_252, %eq3A_256 : vector<256x1024xf32>
    %jit3A_258 = arith.constant 1024 : i32
    %broadcast_in_dim3A_259 = vector.broadcast %jit3A_258 : i32 to vector<256x1024xi32>
    %select_n3A_260 = arith.select %eq3A_257, %iota3A_54, %broadcast_in_dim3A_259 : vector<256x1024xi1>, vector<256x1024xi32>
    %reduce_min3A_261 = arith.constant dense<2147483647> : vector<256xi32>
    %reduce_min3A_262 = vector.multi_reduction <minsi>, %select_n3A_260, %reduce_min3A_261 [1] : vector<256x1024xi32> to vector<256xi32>
    %broadcast_in_dim3A_263 = vector.shape_cast %reduce_min3A_262 : vector<256xi32> to vector<256x1xi32>
    %lt3A_264 = arith.constant 9.000000e-02 : f32
    %lt3A_265 = vector.broadcast %lt3A_264 : f32 to vector<256x1xf32>
    %lt3A_266 = arith.cmpf olt, %broadcast_in_dim3A_255, %lt3A_265 : vector<256x1xf32>
    %select_n3A_267 = arith.select %lt3A_266, %broadcast_in_dim3A_263, %broadcast_in_dim3A_64 : vector<256x1xi1>, vector<256x1xi32>
    %eq3A_268 = vector.broadcast %broadcast_in_dim3A_263 : vector<256x1xi32> to vector<256x1024xi32>
    %eq3A_269 = arith.cmpi eq, %iota3A_54, %eq3A_268 : vector<256x1024xi32>
    %jit3A_270 = arith.constant 0x7F800000 : f32
    %broadcast_in_dim3A_271 = vector.broadcast %jit3A_270 : f32 to vector<256x1024xf32>
    %select_n3A_272 = arith.select %eq3A_269, %broadcast_in_dim3A_271, %select_n3A_252 : vector<256x1024xi1>, vector<256x1024xf32>
    %reduce_min3A_273 = arith.constant dense<0x7F800000> : vector<256xf32>
    %reduce_min3A_274 = vector.multi_reduction <minimumf>, %select_n3A_272, %reduce_min3A_273 [1] : vector<256x1024xf32> to vector<256xf32>
    %broadcast_in_dim3A_275 = vector.shape_cast %reduce_min3A_274 : vector<256xf32> to vector<256x1xf32>
    %eq3A_276 = vector.broadcast %broadcast_in_dim3A_275 : vector<256x1xf32> to vector<256x1024xf32>
    %eq3A_277 = arith.cmpf oeq, %select_n3A_272, %eq3A_276 : vector<256x1024xf32>
    %jit3A_278 = arith.constant 1024 : i32
    %broadcast_in_dim3A_279 = vector.broadcast %jit3A_278 : i32 to vector<256x1024xi32>
    %select_n3A_280 = arith.select %eq3A_277, %iota3A_54, %broadcast_in_dim3A_279 : vector<256x1024xi1>, vector<256x1024xi32>
    %reduce_min3A_281 = arith.constant dense<2147483647> : vector<256xi32>
    %reduce_min3A_282 = vector.multi_reduction <minsi>, %select_n3A_280, %reduce_min3A_281 [1] : vector<256x1024xi32> to vector<256xi32>
    %broadcast_in_dim3A_283 = vector.shape_cast %reduce_min3A_282 : vector<256xi32> to vector<256x1xi32>
    %lt3A_284 = arith.constant 9.000000e-02 : f32
    %lt3A_285 = vector.broadcast %lt3A_284 : f32 to vector<256x1xf32>
    %lt3A_286 = arith.cmpf olt, %broadcast_in_dim3A_275, %lt3A_285 : vector<256x1xf32>
    %select_n3A_287 = arith.select %lt3A_286, %broadcast_in_dim3A_283, %broadcast_in_dim3A_64 : vector<256x1xi1>, vector<256x1xi32>
    %eq3A_288 = vector.broadcast %broadcast_in_dim3A_283 : vector<256x1xi32> to vector<256x1024xi32>
    %eq3A_289 = arith.cmpi eq, %iota3A_54, %eq3A_288 : vector<256x1024xi32>
    %jit3A_290 = arith.constant 0x7F800000 : f32
    %broadcast_in_dim3A_291 = vector.broadcast %jit3A_290 : f32 to vector<256x1024xf32>
    %select_n3A_292 = arith.select %eq3A_289, %broadcast_in_dim3A_291, %select_n3A_272 : vector<256x1024xi1>, vector<256x1024xf32>
    %reduce_min3A_293 = arith.constant dense<0x7F800000> : vector<256xf32>
    %reduce_min3A_294 = vector.multi_reduction <minimumf>, %select_n3A_292, %reduce_min3A_293 [1] : vector<256x1024xf32> to vector<256xf32>
    %broadcast_in_dim3A_295 = vector.shape_cast %reduce_min3A_294 : vector<256xf32> to vector<256x1xf32>
    %eq3A_296 = vector.broadcast %broadcast_in_dim3A_295 : vector<256x1xf32> to vector<256x1024xf32>
    %eq3A_297 = arith.cmpf oeq, %select_n3A_292, %eq3A_296 : vector<256x1024xf32>
    %jit3A_298 = arith.constant 1024 : i32
    %broadcast_in_dim3A_299 = vector.broadcast %jit3A_298 : i32 to vector<256x1024xi32>
    %select_n3A_300 = arith.select %eq3A_297, %iota3A_54, %broadcast_in_dim3A_299 : vector<256x1024xi1>, vector<256x1024xi32>
    %reduce_min3A_301 = arith.constant dense<2147483647> : vector<256xi32>
    %reduce_min3A_302 = vector.multi_reduction <minsi>, %select_n3A_300, %reduce_min3A_301 [1] : vector<256x1024xi32> to vector<256xi32>
    %broadcast_in_dim3A_303 = vector.shape_cast %reduce_min3A_302 : vector<256xi32> to vector<256x1xi32>
    %lt3A_304 = arith.constant 9.000000e-02 : f32
    %lt3A_305 = vector.broadcast %lt3A_304 : f32 to vector<256x1xf32>
    %lt3A_306 = arith.cmpf olt, %broadcast_in_dim3A_295, %lt3A_305 : vector<256x1xf32>
    %select_n3A_307 = arith.select %lt3A_306, %broadcast_in_dim3A_303, %broadcast_in_dim3A_64 : vector<256x1xi1>, vector<256x1xi32>
    %eq3A_308 = vector.broadcast %broadcast_in_dim3A_303 : vector<256x1xi32> to vector<256x1024xi32>
    %eq3A_309 = arith.cmpi eq, %iota3A_54, %eq3A_308 : vector<256x1024xi32>
    %jit3A_310 = arith.constant 0x7F800000 : f32
    %broadcast_in_dim3A_311 = vector.broadcast %jit3A_310 : f32 to vector<256x1024xf32>
    %select_n3A_312 = arith.select %eq3A_309, %broadcast_in_dim3A_311, %select_n3A_292 : vector<256x1024xi1>, vector<256x1024xf32>
    %reduce_min3A_313 = arith.constant dense<0x7F800000> : vector<256xf32>
    %reduce_min3A_314 = vector.multi_reduction <minimumf>, %select_n3A_312, %reduce_min3A_313 [1] : vector<256x1024xf32> to vector<256xf32>
    %broadcast_in_dim3A_315 = vector.shape_cast %reduce_min3A_314 : vector<256xf32> to vector<256x1xf32>
    %eq3A_316 = vector.broadcast %broadcast_in_dim3A_315 : vector<256x1xf32> to vector<256x1024xf32>
    %eq3A_317 = arith.cmpf oeq, %select_n3A_312, %eq3A_316 : vector<256x1024xf32>
    %jit3A_318 = arith.constant 1024 : i32
    %broadcast_in_dim3A_319 = vector.broadcast %jit3A_318 : i32 to vector<256x1024xi32>
    %select_n3A_320 = arith.select %eq3A_317, %iota3A_54, %broadcast_in_dim3A_319 : vector<256x1024xi1>, vector<256x1024xi32>
    %reduce_min3A_321 = arith.constant dense<2147483647> : vector<256xi32>
    %reduce_min3A_322 = vector.multi_reduction <minsi>, %select_n3A_320, %reduce_min3A_321 [1] : vector<256x1024xi32> to vector<256xi32>
    %broadcast_in_dim3A_323 = vector.shape_cast %reduce_min3A_322 : vector<256xi32> to vector<256x1xi32>
    %lt3A_324 = arith.constant 9.000000e-02 : f32
    %lt3A_325 = vector.broadcast %lt3A_324 : f32 to vector<256x1xf32>
    %lt3A_326 = arith.cmpf olt, %broadcast_in_dim3A_315, %lt3A_325 : vector<256x1xf32>
    %select_n3A_327 = arith.select %lt3A_326, %broadcast_in_dim3A_323, %broadcast_in_dim3A_64 : vector<256x1xi1>, vector<256x1xi32>
    %eq3A_328 = vector.broadcast %broadcast_in_dim3A_323 : vector<256x1xi32> to vector<256x1024xi32>
    %eq3A_329 = arith.cmpi eq, %iota3A_54, %eq3A_328 : vector<256x1024xi32>
    %jit3A_330 = arith.constant 0x7F800000 : f32
    %broadcast_in_dim3A_331 = vector.broadcast %jit3A_330 : f32 to vector<256x1024xf32>
    %select_n3A_332 = arith.select %eq3A_329, %broadcast_in_dim3A_331, %select_n3A_312 : vector<256x1024xi1>, vector<256x1024xf32>
    %reduce_min3A_333 = arith.constant dense<0x7F800000> : vector<256xf32>
    %reduce_min3A_334 = vector.multi_reduction <minimumf>, %select_n3A_332, %reduce_min3A_333 [1] : vector<256x1024xf32> to vector<256xf32>
    %broadcast_in_dim3A_335 = vector.shape_cast %reduce_min3A_334 : vector<256xf32> to vector<256x1xf32>
    %eq3A_336 = vector.broadcast %broadcast_in_dim3A_335 : vector<256x1xf32> to vector<256x1024xf32>
    %eq3A_337 = arith.cmpf oeq, %select_n3A_332, %eq3A_336 : vector<256x1024xf32>
    %jit3A_338 = arith.constant 1024 : i32
    %broadcast_in_dim3A_339 = vector.broadcast %jit3A_338 : i32 to vector<256x1024xi32>
    %select_n3A_340 = arith.select %eq3A_337, %iota3A_54, %broadcast_in_dim3A_339 : vector<256x1024xi1>, vector<256x1024xi32>
    %reduce_min3A_341 = arith.constant dense<2147483647> : vector<256xi32>
    %reduce_min3A_342 = vector.multi_reduction <minsi>, %select_n3A_340, %reduce_min3A_341 [1] : vector<256x1024xi32> to vector<256xi32>
    %broadcast_in_dim3A_343 = vector.shape_cast %reduce_min3A_342 : vector<256xi32> to vector<256x1xi32>
    %lt3A_344 = arith.constant 9.000000e-02 : f32
    %lt3A_345 = vector.broadcast %lt3A_344 : f32 to vector<256x1xf32>
    %lt3A_346 = arith.cmpf olt, %broadcast_in_dim3A_335, %lt3A_345 : vector<256x1xf32>
    %select_n3A_347 = arith.select %lt3A_346, %broadcast_in_dim3A_343, %broadcast_in_dim3A_64 : vector<256x1xi1>, vector<256x1xi32>
    %eq3A_348 = vector.broadcast %broadcast_in_dim3A_343 : vector<256x1xi32> to vector<256x1024xi32>
    %eq3A_349 = arith.cmpi eq, %iota3A_54, %eq3A_348 : vector<256x1024xi32>
    %jit3A_350 = arith.constant 0x7F800000 : f32
    %broadcast_in_dim3A_351 = vector.broadcast %jit3A_350 : f32 to vector<256x1024xf32>
    %select_n3A_352 = arith.select %eq3A_349, %broadcast_in_dim3A_351, %select_n3A_332 : vector<256x1024xi1>, vector<256x1024xf32>
    %reduce_min3A_353 = arith.constant dense<0x7F800000> : vector<256xf32>
    %reduce_min3A_354 = vector.multi_reduction <minimumf>, %select_n3A_352, %reduce_min3A_353 [1] : vector<256x1024xf32> to vector<256xf32>
    %broadcast_in_dim3A_355 = vector.shape_cast %reduce_min3A_354 : vector<256xf32> to vector<256x1xf32>
    %eq3A_356 = vector.broadcast %broadcast_in_dim3A_355 : vector<256x1xf32> to vector<256x1024xf32>
    %eq3A_357 = arith.cmpf oeq, %select_n3A_352, %eq3A_356 : vector<256x1024xf32>
    %jit3A_358 = arith.constant 1024 : i32
    %broadcast_in_dim3A_359 = vector.broadcast %jit3A_358 : i32 to vector<256x1024xi32>
    %select_n3A_360 = arith.select %eq3A_357, %iota3A_54, %broadcast_in_dim3A_359 : vector<256x1024xi1>, vector<256x1024xi32>
    %reduce_min3A_361 = arith.constant dense<2147483647> : vector<256xi32>
    %reduce_min3A_362 = vector.multi_reduction <minsi>, %select_n3A_360, %reduce_min3A_361 [1] : vector<256x1024xi32> to vector<256xi32>
    %broadcast_in_dim3A_363 = vector.shape_cast %reduce_min3A_362 : vector<256xi32> to vector<256x1xi32>
    %lt3A_364 = arith.constant 9.000000e-02 : f32
    %lt3A_365 = vector.broadcast %lt3A_364 : f32 to vector<256x1xf32>
    %lt3A_366 = arith.cmpf olt, %broadcast_in_dim3A_355, %lt3A_365 : vector<256x1xf32>
    %select_n3A_367 = arith.select %lt3A_366, %broadcast_in_dim3A_363, %broadcast_in_dim3A_64 : vector<256x1xi1>, vector<256x1xi32>
    %concatenate3A = tpu.concatenate %select_n3A_67, %select_n3A_87, %select_n3A_107, %select_n3A_127, %select_n3A_147, %select_n3A_167, %select_n3A_187, %select_n3A_207, %select_n3A_227, %select_n3A_247, %select_n3A_267, %select_n3A_287, %select_n3A_307, %select_n3A_327, %select_n3A_347, %select_n3A_367 in 1 : vector<256x1xi32>, vector<256x1xi32>, vector<256x1xi32>, vector<256x1xi32>, vector<256x1xi32>, vector<256x1xi32>, vector<256x1xi32>, vector<256x1xi32>, vector<256x1xi32>, vector<256x1xi32>, vector<256x1xi32>, vector<256x1xi32>, vector<256x1xi32>, vector<256x1xi32>, vector<256x1xi32>, vector<256x1xi32> -> vector<256x16xi32>
    %mul3A = arith.constant 1024 : i32
    %mul3A_368 = arith.muli %add3A_0, %mul3A : i32
    %add3A_369 = vector.broadcast %mul3A_368 : i32 to vector<256x16xi32>
    %add3A_370 = arith.addi %concatenate3A, %add3A_369 : vector<256x16xi32>
    %swap3A = arith.constant 0 : index
    %swap3A_371 = arith.constant 0 : index
    %swap3A_372 = arith.constant 0 : index
    %swap3A_373 = vector.load %arg3[%swap3A, %swap3A_371, %swap3A_372] : memref<1x256x16xi32, #tpu.memory_space<vmem>>, vector<1x256x16xi32>
    %swap3A_374 = vector.shape_cast %swap3A_373 : vector<1x256x16xi32> to vector<256x16xi32>
    %swap3A_375 = vector.shape_cast %add3A_370 : vector<256x16xi32> to vector<1x256x16xi32>
    tpu.vector_store %arg3[%swap3A, %swap3A_371, %swap3A_372], %swap3A_375 {strides = array<i32>} : memref<1x256x16xi32, #tpu.memory_space<vmem>>, vector<1x256x16xi32>,
    %concatenate3A_376 = tpu.concatenate %broadcast_in_dim3A_25, %broadcast_in_dim3A_33, %broadcast_in_dim3A_41 in 1 : vector<256x1xf32>, vector<256x1xf32>, vector<256x1xf32> -> vector<256x3xf32>
    %swap3A_377 = arith.constant 0 : index
    %swap3A_378 = arith.constant 0 : index
    %swap3A_379 = arith.constant 0 : index
    %swap3A_380 = vector.load %arg4[%swap3A_377, %swap3A_378, %swap3A_379] : memref<1x256x3xf32, #tpu.memory_space<vmem>>, vector<1x256x3xf32>
    %swap3A_381 = vector.shape_cast %swap3A_380 : vector<1x256x3xf32> to vector<256x3xf32>
    %swap3A_382 = vector.shape_cast %concatenate3A_376 : vector<256x3xf32> to vector<1x256x3xf32>
    tpu.vector_store %arg4[%swap3A_377, %swap3A_378, %swap3A_379], %swap3A_382 {strides = array<i32>} : memref<1x256x3xf32, #tpu.memory_space<vmem>>, vector<1x256x3xf32>,
    return
  }
  func.func @transform_0(%arg0: i32) -> (i32, i32, i32) {
    %add3A = arith.constant 8 : i32
    %add3A_0 = arith.addi %arg0, %add3A : i32
    %c0_i32 = arith.constant 0 : i32
    %c0_i32_1 = arith.constant 0 : i32
    %c0_i32_2 = arith.constant 0 : i32
    return %add3A_0, %c0_i32, %c0_i32_1 : i32, i32, i32
  }
  func.func @transform_1(%arg0: i32) -> (i32, i32, i32) {
    %add3A = arith.constant 8 : i32
    %add3A_0 = arith.addi %arg0, %add3A : i32
    %c0_i32 = arith.constant 0 : i32
    %c0_i32_1 = arith.constant 0 : i32
    %c0_i32_2 = arith.constant 0 : i32
    return %add3A_0, %c0_i32, %c0_i32_1 : i32, i32, i32
  }
  func.func @transform_2(%arg0: i32) -> (i32, i32, i32) {
    %c0_i32 = arith.constant 0 : i32
    %c0_i32_0 = arith.constant 0 : i32
    %c0_i32_1 = arith.constant 0 : i32
    return %arg0, %c0_i32, %c0_i32_0 : i32, i32, i32
  }
  func.func @transform_3(%arg0: i32) -> (i32, i32, i32) {
    %c0_i32 = arith.constant 0 : i32
    %c0_i32_0 = arith.constant 0 : i32
    %c0_i32_1 = arith.constant 0 : i32
    return %arg0, %c0_i32, %c0_i32_0 : i32, i32, i32
  }
}

module attributes {stable_mosaic.version = 14 : i64} {
  func.func @_head_body(%arg0: i32, %arg1: memref<1x4096x128xf32, #tpu.memory_space<vmem>>, %arg2: memref<1x256x3xf32, #tpu.memory_space<vmem>>, %arg3: memref<3x128xf32, #tpu.memory_space<vmem>>, %arg4: memref<128x128xf32, #tpu.memory_space<vmem>>, %arg5: memref<1x128xf32, #tpu.memory_space<vmem>>, %arg6: memref<128x128xf32, #tpu.memory_space<vmem>>, %arg7: memref<1x128xf32, #tpu.memory_space<vmem>>, %arg8: memref<128x128xf32, #tpu.memory_space<vmem>>, %arg9: memref<1x128xf32, #tpu.memory_space<vmem>>, %arg10: memref<128x128xf32, #tpu.memory_space<vmem>>, %arg11: memref<1x128xf32, #tpu.memory_space<vmem>>, %arg12: memref<128x12xf32, #tpu.memory_space<vmem>>, %arg13: memref<1x12xf32, #tpu.memory_space<vmem>>, %arg14: memref<128x67xf32, #tpu.memory_space<vmem>>, %arg15: memref<1x67xf32, #tpu.memory_space<vmem>>, %arg16: memref<1x30xf32, #tpu.memory_space<vmem>>, %arg17: memref<1x256x79xf32, #tpu.memory_space<vmem>>) attributes {dimension_semantics = [#tpu.dimension_semantics<arbitrary>], iteration_bounds = array<i64: 8>, scalar_prefetch = 0 : i64, scratch_operands = 0 : i64, tpu.core_type = #tpu.core_type<tc>, window_params = [{transform_indices = @transform_0, window_bounds = array<i64: 1, 4096, 128>}, {transform_indices = @transform_1, window_bounds = array<i64: 1, 256, 3>}, {pipeline_mode = #tpu.pipeline_mode<synchronous>, transform_indices = @transform_2, window_bounds = array<i64: 3, 128>}, {pipeline_mode = #tpu.pipeline_mode<synchronous>, transform_indices = @transform_3, window_bounds = array<i64: 128, 128>}, {pipeline_mode = #tpu.pipeline_mode<synchronous>, transform_indices = @transform_4, window_bounds = array<i64: 1, 128>}, {pipeline_mode = #tpu.pipeline_mode<synchronous>, transform_indices = @transform_5, window_bounds = array<i64: 128, 128>}, {pipeline_mode = #tpu.pipeline_mode<synchronous>, transform_indices = @transform_6, window_bounds = array<i64: 1, 128>}, {pipeline_mode = #tpu.pipeline_mode<synchronous>, transform_indices = @transform_7, window_bounds = array<i64: 128, 128>}, {pipeline_mode = #tpu.pipeline_mode<synchronous>, transform_indices = @transform_8, window_bounds = array<i64: 1, 128>}, {pipeline_mode = #tpu.pipeline_mode<synchronous>, transform_indices = @transform_9, window_bounds = array<i64: 128, 128>}, {pipeline_mode = #tpu.pipeline_mode<synchronous>, transform_indices = @transform_10, window_bounds = array<i64: 1, 128>}, {pipeline_mode = #tpu.pipeline_mode<synchronous>, transform_indices = @transform_11, window_bounds = array<i64: 128, 12>}, {pipeline_mode = #tpu.pipeline_mode<synchronous>, transform_indices = @transform_12, window_bounds = array<i64: 1, 12>}, {pipeline_mode = #tpu.pipeline_mode<synchronous>, transform_indices = @transform_13, window_bounds = array<i64: 128, 67>}, {pipeline_mode = #tpu.pipeline_mode<synchronous>, transform_indices = @transform_14, window_bounds = array<i64: 1, 67>}, {pipeline_mode = #tpu.pipeline_mode<synchronous>, transform_indices = @transform_15, window_bounds = array<i64: 1, 30>}, {transform_indices = @transform_16, window_bounds = array<i64: 1, 256, 79>}]} {
    %get3A = arith.constant 0 : index
    %get3A_0 = arith.constant 0 : index
    %get3A_1 = arith.constant 0 : index
    %get3A_2 = vector.load %arg2[%get3A, %get3A_0, %get3A_1] : memref<1x256x3xf32, #tpu.memory_space<vmem>>, vector<1x256x3xf32>
    %get3A_3 = vector.shape_cast %get3A_2 : vector<1x256x3xf32> to vector<256x3xf32>
    %slice3A = vector.extract_strided_slice %get3A_3 {offsets = [0, 0], sizes = [256, 1], strides = [1, 1]} : vector<256x3xf32> to vector<256x1xf32>
    %slice3A_4 = vector.extract_strided_slice %get3A_3 {offsets = [0, 1], sizes = [256, 1], strides = [1, 1]} : vector<256x3xf32> to vector<256x1xf32>
    %slice3A_5 = vector.extract_strided_slice %get3A_3 {offsets = [0, 2], sizes = [256, 1], strides = [1, 1]} : vector<256x3xf32> to vector<256x1xf32>
    %get3A_6 = arith.constant 0 : index
    %get3A_7 = arith.constant 0 : index
    %get3A_8 = vector.load %arg3[%get3A_6, %get3A_7] : memref<3x128xf32, #tpu.memory_space<vmem>>, vector<3x128xf32>
    %slice3A_9 = vector.extract_strided_slice %get3A_8 {offsets = [0, 0], sizes = [1, 128], strides = [1, 1]} : vector<3x128xf32> to vector<1x128xf32>
    %mul3A = vector.broadcast %slice3A : vector<256x1xf32> to vector<256x128xf32>
    %mul3A_10 = vector.broadcast %slice3A_9 : vector<1x128xf32> to vector<256x128xf32>
    %mul3A_11 = arith.mulf %mul3A, %mul3A_10 : vector<256x128xf32>
    %slice3A_12 = vector.extract_strided_slice %get3A_8 {offsets = [1, 0], sizes = [1, 128], strides = [1, 1]} : vector<3x128xf32> to vector<1x128xf32>
    %mul3A_13 = vector.broadcast %slice3A_4 : vector<256x1xf32> to vector<256x128xf32>
    %mul3A_14 = vector.broadcast %slice3A_12 : vector<1x128xf32> to vector<256x128xf32>
    %mul3A_15 = arith.mulf %mul3A_13, %mul3A_14 : vector<256x128xf32>
    %add3A = arith.addf %mul3A_11, %mul3A_15 : vector<256x128xf32>
    %slice3A_16 = vector.extract_strided_slice %get3A_8 {offsets = [2, 0], sizes = [1, 128], strides = [1, 1]} : vector<3x128xf32> to vector<1x128xf32>
    %mul3A_17 = vector.broadcast %slice3A_5 : vector<256x1xf32> to vector<256x128xf32>
    %mul3A_18 = vector.broadcast %slice3A_16 : vector<1x128xf32> to vector<256x128xf32>
    %mul3A_19 = arith.mulf %mul3A_17, %mul3A_18 : vector<256x128xf32>
    %add3A_20 = arith.addf %add3A, %mul3A_19 : vector<256x128xf32>
    %get3A_21 = arith.constant 0 : index
    %get3A_22 = arith.constant 0 : index
    %get3A_23 = arith.constant 0 : index
    %get3A_24 = vector.load %arg1[%get3A_21, %get3A_22, %get3A_23] : memref<1x4096x128xf32, #tpu.memory_space<vmem>>, vector<1x512x128xf32>
    %get3A_25 = vector.shape_cast %get3A_24 : vector<1x512x128xf32> to vector<512x128xf32>
    %slice3A_26 = vector.extract_strided_slice %add3A_20 {offsets = [0, 0], sizes = [32, 128], strides = [1, 1]} : vector<256x128xf32> to vector<32x128xf32>
    %reshape3A = vector.shape_cast %slice3A_26 : vector<32x128xf32> to vector<32x1x128xf32>
    %broadcast_in_dim3A = vector.shape_cast %reshape3A : vector<32x1x128xf32> to vector<32x1x128xf32>
    %broadcast_in_dim3A_27 = vector.broadcast %broadcast_in_dim3A : vector<32x1x128xf32> to vector<32x16x128xf32>
    %reshape3A_28 = vector.shape_cast %broadcast_in_dim3A_27 : vector<32x16x128xf32> to vector<512x128xf32>
    %sub3A = arith.subf %get3A_25, %reshape3A_28 : vector<512x128xf32>
    %max3A = arith.constant 0.000000e+00 : f32
    %max3A_29 = vector.broadcast %max3A : f32 to vector<512x128xf32>
    %max3A_30 = arith.maximumf %sub3A, %max3A_29 : vector<512x128xf32>
    %get3A_31 = arith.constant 0 : index
    %get3A_32 = arith.constant 0 : index
    %get3A_33 = vector.load %arg4[%get3A_31, %get3A_32] : memref<128x128xf32, #tpu.memory_space<vmem>>, vector<128x128xf32>
    %dot_general3A = arith.constant dense<0.000000e+00> : vector<512x128xf32>
    %dot_general3A_34 = tpu.matmul %max3A_30, %get3A_33, %dot_general3A {dimension_numbers = #tpu.dot_dimension_numbers<[1], [0], [0], [1], [0, 0, 1, 1], [], []>, transpose_lhs_hint = false} : vector<512x128xf32>, vector<128x128xf32>, vector<512x128xf32> -> vector<512x128xf32>
    %get3A_35 = arith.constant 0 : index
    %get3A_36 = arith.constant 0 : index
    %get3A_37 = vector.load %arg5[%get3A_35, %get3A_36] : memref<1x128xf32, #tpu.memory_space<vmem>>, vector<1x128xf32>
    %add3A_38 = vector.broadcast %get3A_37 : vector<1x128xf32> to vector<512x128xf32>
    %add3A_39 = arith.addf %dot_general3A_34, %add3A_38 : vector<512x128xf32>
    %max3A_40 = arith.constant 0.000000e+00 : f32
    %max3A_41 = vector.broadcast %max3A_40 : f32 to vector<512x128xf32>
    %max3A_42 = arith.maximumf %add3A_39, %max3A_41 : vector<512x128xf32>
    %get3A_43 = arith.constant 0 : index
    %get3A_44 = arith.constant 0 : index
    %get3A_45 = vector.load %arg6[%get3A_43, %get3A_44] : memref<128x128xf32, #tpu.memory_space<vmem>>, vector<128x128xf32>
    %dot_general3A_46 = arith.constant dense<0.000000e+00> : vector<512x128xf32>
    %dot_general3A_47 = tpu.matmul %max3A_42, %get3A_45, %dot_general3A_46 {dimension_numbers = #tpu.dot_dimension_numbers<[1], [0], [0], [1], [0, 0, 1, 1], [], []>, transpose_lhs_hint = false} : vector<512x128xf32>, vector<128x128xf32>, vector<512x128xf32> -> vector<512x128xf32>
    %get3A_48 = arith.constant 0 : index
    %get3A_49 = arith.constant 0 : index
    %get3A_50 = vector.load %arg7[%get3A_48, %get3A_49] : memref<1x128xf32, #tpu.memory_space<vmem>>, vector<1x128xf32>
    %add3A_51 = vector.broadcast %get3A_50 : vector<1x128xf32> to vector<512x128xf32>
    %add3A_52 = arith.addf %dot_general3A_47, %add3A_51 : vector<512x128xf32>
    %max3A_53 = arith.constant 0.000000e+00 : f32
    %max3A_54 = vector.broadcast %max3A_53 : f32 to vector<512x128xf32>
    %max3A_55 = arith.maximumf %add3A_52, %max3A_54 : vector<512x128xf32>
    %reshape3A_56 = vector.shape_cast %max3A_55 : vector<512x128xf32> to vector<32x16x128xf32>
    %reduce_max3A = arith.constant dense<0xFF800000> : vector<32x128xf32>
    %reduce_max3A_57 = vector.multi_reduction <maximumf>, %reshape3A_56, %reduce_max3A [1] : vector<32x16x128xf32> to vector<32x128xf32>
    %get3A_58 = arith.constant 0 : index
    %get3A_59 = arith.constant 512 : index
    %get3A_60 = arith.constant 0 : index
    %get3A_61 = vector.load %arg1[%get3A_58, %get3A_59, %get3A_60] : memref<1x4096x128xf32, #tpu.memory_space<vmem>>, vector<1x512x128xf32>
    %get3A_62 = vector.shape_cast %get3A_61 : vector<1x512x128xf32> to vector<512x128xf32>
    %slice3A_63 = vector.extract_strided_slice %add3A_20 {offsets = [32, 0], sizes = [32, 128], strides = [1, 1]} : vector<256x128xf32> to vector<32x128xf32>
    %reshape3A_64 = vector.shape_cast %slice3A_63 : vector<32x128xf32> to vector<32x1x128xf32>
    %broadcast_in_dim3A_65 = vector.shape_cast %reshape3A_64 : vector<32x1x128xf32> to vector<32x1x128xf32>
    %broadcast_in_dim3A_66 = vector.broadcast %broadcast_in_dim3A_65 : vector<32x1x128xf32> to vector<32x16x128xf32>
    %reshape3A_67 = vector.shape_cast %broadcast_in_dim3A_66 : vector<32x16x128xf32> to vector<512x128xf32>
    %sub3A_68 = arith.subf %get3A_62, %reshape3A_67 : vector<512x128xf32>
    %max3A_69 = arith.constant 0.000000e+00 : f32
    %max3A_70 = vector.broadcast %max3A_69 : f32 to vector<512x128xf32>
    %max3A_71 = arith.maximumf %sub3A_68, %max3A_70 : vector<512x128xf32>
    %get3A_72 = arith.constant 0 : index
    %get3A_73 = arith.constant 0 : index
    %get3A_74 = vector.load %arg4[%get3A_72, %get3A_73] : memref<128x128xf32, #tpu.memory_space<vmem>>, vector<128x128xf32>
    %dot_general3A_75 = arith.constant dense<0.000000e+00> : vector<512x128xf32>
    %dot_general3A_76 = tpu.matmul %max3A_71, %get3A_74, %dot_general3A_75 {dimension_numbers = #tpu.dot_dimension_numbers<[1], [0], [0], [1], [0, 0, 1, 1], [], []>, transpose_lhs_hint = false} : vector<512x128xf32>, vector<128x128xf32>, vector<512x128xf32> -> vector<512x128xf32>
    %get3A_77 = arith.constant 0 : index
    %get3A_78 = arith.constant 0 : index
    %get3A_79 = vector.load %arg5[%get3A_77, %get3A_78] : memref<1x128xf32, #tpu.memory_space<vmem>>, vector<1x128xf32>
    %add3A_80 = vector.broadcast %get3A_79 : vector<1x128xf32> to vector<512x128xf32>
    %add3A_81 = arith.addf %dot_general3A_76, %add3A_80 : vector<512x128xf32>
    %max3A_82 = arith.constant 0.000000e+00 : f32
    %max3A_83 = vector.broadcast %max3A_82 : f32 to vector<512x128xf32>
    %max3A_84 = arith.maximumf %add3A_81, %max3A_83 : vector<512x128xf32>
    %get3A_85 = arith.constant 0 : index
    %get3A_86 = arith.constant 0 : index
    %get3A_87 = vector.load %arg6[%get3A_85, %get3A_86] : memref<128x128xf32, #tpu.memory_space<vmem>>, vector<128x128xf32>
    %dot_general3A_88 = arith.constant dense<0.000000e+00> : vector<512x128xf32>
    %dot_general3A_89 = tpu.matmul %max3A_84, %get3A_87, %dot_general3A_88 {dimension_numbers = #tpu.dot_dimension_numbers<[1], [0], [0], [1], [0, 0, 1, 1], [], []>, transpose_lhs_hint = false} : vector<512x128xf32>, vector<128x128xf32>, vector<512x128xf32> -> vector<512x128xf32>
    %get3A_90 = arith.constant 0 : index
    %get3A_91 = arith.constant 0 : index
    %get3A_92 = vector.load %arg7[%get3A_90, %get3A_91] : memref<1x128xf32, #tpu.memory_space<vmem>>, vector<1x128xf32>
    %add3A_93 = vector.broadcast %get3A_92 : vector<1x128xf32> to vector<512x128xf32>
    %add3A_94 = arith.addf %dot_general3A_89, %add3A_93 : vector<512x128xf32>
    %max3A_95 = arith.constant 0.000000e+00 : f32
    %max3A_96 = vector.broadcast %max3A_95 : f32 to vector<512x128xf32>
    %max3A_97 = arith.maximumf %add3A_94, %max3A_96 : vector<512x128xf32>
    %reshape3A_98 = vector.shape_cast %max3A_97 : vector<512x128xf32> to vector<32x16x128xf32>
    %reduce_max3A_99 = arith.constant dense<0xFF800000> : vector<32x128xf32>
    %reduce_max3A_100 = vector.multi_reduction <maximumf>, %reshape3A_98, %reduce_max3A_99 [1] : vector<32x16x128xf32> to vector<32x128xf32>
    %get3A_101 = arith.constant 0 : index
    %get3A_102 = arith.constant 1024 : index
    %get3A_103 = arith.constant 0 : index
    %get3A_104 = vector.load %arg1[%get3A_101, %get3A_102, %get3A_103] : memref<1x4096x128xf32, #tpu.memory_space<vmem>>, vector<1x512x128xf32>
    %get3A_105 = vector.shape_cast %get3A_104 : vector<1x512x128xf32> to vector<512x128xf32>
    %slice3A_106 = vector.extract_strided_slice %add3A_20 {offsets = [64, 0], sizes = [32, 128], strides = [1, 1]} : vector<256x128xf32> to vector<32x128xf32>
    %reshape3A_107 = vector.shape_cast %slice3A_106 : vector<32x128xf32> to vector<32x1x128xf32>
    %broadcast_in_dim3A_108 = vector.shape_cast %reshape3A_107 : vector<32x1x128xf32> to vector<32x1x128xf32>
    %broadcast_in_dim3A_109 = vector.broadcast %broadcast_in_dim3A_108 : vector<32x1x128xf32> to vector<32x16x128xf32>
    %reshape3A_110 = vector.shape_cast %broadcast_in_dim3A_109 : vector<32x16x128xf32> to vector<512x128xf32>
    %sub3A_111 = arith.subf %get3A_105, %reshape3A_110 : vector<512x128xf32>
    %max3A_112 = arith.constant 0.000000e+00 : f32
    %max3A_113 = vector.broadcast %max3A_112 : f32 to vector<512x128xf32>
    %max3A_114 = arith.maximumf %sub3A_111, %max3A_113 : vector<512x128xf32>
    %get3A_115 = arith.constant 0 : index
    %get3A_116 = arith.constant 0 : index
    %get3A_117 = vector.load %arg4[%get3A_115, %get3A_116] : memref<128x128xf32, #tpu.memory_space<vmem>>, vector<128x128xf32>
    %dot_general3A_118 = arith.constant dense<0.000000e+00> : vector<512x128xf32>
    %dot_general3A_119 = tpu.matmul %max3A_114, %get3A_117, %dot_general3A_118 {dimension_numbers = #tpu.dot_dimension_numbers<[1], [0], [0], [1], [0, 0, 1, 1], [], []>, transpose_lhs_hint = false} : vector<512x128xf32>, vector<128x128xf32>, vector<512x128xf32> -> vector<512x128xf32>
    %get3A_120 = arith.constant 0 : index
    %get3A_121 = arith.constant 0 : index
    %get3A_122 = vector.load %arg5[%get3A_120, %get3A_121] : memref<1x128xf32, #tpu.memory_space<vmem>>, vector<1x128xf32>
    %add3A_123 = vector.broadcast %get3A_122 : vector<1x128xf32> to vector<512x128xf32>
    %add3A_124 = arith.addf %dot_general3A_119, %add3A_123 : vector<512x128xf32>
    %max3A_125 = arith.constant 0.000000e+00 : f32
    %max3A_126 = vector.broadcast %max3A_125 : f32 to vector<512x128xf32>
    %max3A_127 = arith.maximumf %add3A_124, %max3A_126 : vector<512x128xf32>
    %get3A_128 = arith.constant 0 : index
    %get3A_129 = arith.constant 0 : index
    %get3A_130 = vector.load %arg6[%get3A_128, %get3A_129] : memref<128x128xf32, #tpu.memory_space<vmem>>, vector<128x128xf32>
    %dot_general3A_131 = arith.constant dense<0.000000e+00> : vector<512x128xf32>
    %dot_general3A_132 = tpu.matmul %max3A_127, %get3A_130, %dot_general3A_131 {dimension_numbers = #tpu.dot_dimension_numbers<[1], [0], [0], [1], [0, 0, 1, 1], [], []>, transpose_lhs_hint = false} : vector<512x128xf32>, vector<128x128xf32>, vector<512x128xf32> -> vector<512x128xf32>
    %get3A_133 = arith.constant 0 : index
    %get3A_134 = arith.constant 0 : index
    %get3A_135 = vector.load %arg7[%get3A_133, %get3A_134] : memref<1x128xf32, #tpu.memory_space<vmem>>, vector<1x128xf32>
    %add3A_136 = vector.broadcast %get3A_135 : vector<1x128xf32> to vector<512x128xf32>
    %add3A_137 = arith.addf %dot_general3A_132, %add3A_136 : vector<512x128xf32>
    %max3A_138 = arith.constant 0.000000e+00 : f32
    %max3A_139 = vector.broadcast %max3A_138 : f32 to vector<512x128xf32>
    %max3A_140 = arith.maximumf %add3A_137, %max3A_139 : vector<512x128xf32>
    %reshape3A_141 = vector.shape_cast %max3A_140 : vector<512x128xf32> to vector<32x16x128xf32>
    %reduce_max3A_142 = arith.constant dense<0xFF800000> : vector<32x128xf32>
    %reduce_max3A_143 = vector.multi_reduction <maximumf>, %reshape3A_141, %reduce_max3A_142 [1] : vector<32x16x128xf32> to vector<32x128xf32>
    %get3A_144 = arith.constant 0 : index
    %get3A_145 = arith.constant 1536 : index
    %get3A_146 = arith.constant 0 : index
    %get3A_147 = vector.load %arg1[%get3A_144, %get3A_145, %get3A_146] : memref<1x4096x128xf32, #tpu.memory_space<vmem>>, vector<1x512x128xf32>
    %get3A_148 = vector.shape_cast %get3A_147 : vector<1x512x128xf32> to vector<512x128xf32>
    %slice3A_149 = vector.extract_strided_slice %add3A_20 {offsets = [96, 0], sizes = [32, 128], strides = [1, 1]} : vector<256x128xf32> to vector<32x128xf32>
    %reshape3A_150 = vector.shape_cast %slice3A_149 : vector<32x128xf32> to vector<32x1x128xf32>
    %broadcast_in_dim3A_151 = vector.shape_cast %reshape3A_150 : vector<32x1x128xf32> to vector<32x1x128xf32>
    %broadcast_in_dim3A_152 = vector.broadcast %broadcast_in_dim3A_151 : vector<32x1x128xf32> to vector<32x16x128xf32>
    %reshape3A_153 = vector.shape_cast %broadcast_in_dim3A_152 : vector<32x16x128xf32> to vector<512x128xf32>
    %sub3A_154 = arith.subf %get3A_148, %reshape3A_153 : vector<512x128xf32>
    %max3A_155 = arith.constant 0.000000e+00 : f32
    %max3A_156 = vector.broadcast %max3A_155 : f32 to vector<512x128xf32>
    %max3A_157 = arith.maximumf %sub3A_154, %max3A_156 : vector<512x128xf32>
    %get3A_158 = arith.constant 0 : index
    %get3A_159 = arith.constant 0 : index
    %get3A_160 = vector.load %arg4[%get3A_158, %get3A_159] : memref<128x128xf32, #tpu.memory_space<vmem>>, vector<128x128xf32>
    %dot_general3A_161 = arith.constant dense<0.000000e+00> : vector<512x128xf32>
    %dot_general3A_162 = tpu.matmul %max3A_157, %get3A_160, %dot_general3A_161 {dimension_numbers = #tpu.dot_dimension_numbers<[1], [0], [0], [1], [0, 0, 1, 1], [], []>, transpose_lhs_hint = false} : vector<512x128xf32>, vector<128x128xf32>, vector<512x128xf32> -> vector<512x128xf32>
    %get3A_163 = arith.constant 0 : index
    %get3A_164 = arith.constant 0 : index
    %get3A_165 = vector.load %arg5[%get3A_163, %get3A_164] : memref<1x128xf32, #tpu.memory_space<vmem>>, vector<1x128xf32>
    %add3A_166 = vector.broadcast %get3A_165 : vector<1x128xf32> to vector<512x128xf32>
    %add3A_167 = arith.addf %dot_general3A_162, %add3A_166 : vector<512x128xf32>
    %max3A_168 = arith.constant 0.000000e+00 : f32
    %max3A_169 = vector.broadcast %max3A_168 : f32 to vector<512x128xf32>
    %max3A_170 = arith.maximumf %add3A_167, %max3A_169 : vector<512x128xf32>
    %get3A_171 = arith.constant 0 : index
    %get3A_172 = arith.constant 0 : index
    %get3A_173 = vector.load %arg6[%get3A_171, %get3A_172] : memref<128x128xf32, #tpu.memory_space<vmem>>, vector<128x128xf32>
    %dot_general3A_174 = arith.constant dense<0.000000e+00> : vector<512x128xf32>
    %dot_general3A_175 = tpu.matmul %max3A_170, %get3A_173, %dot_general3A_174 {dimension_numbers = #tpu.dot_dimension_numbers<[1], [0], [0], [1], [0, 0, 1, 1], [], []>, transpose_lhs_hint = false} : vector<512x128xf32>, vector<128x128xf32>, vector<512x128xf32> -> vector<512x128xf32>
    %get3A_176 = arith.constant 0 : index
    %get3A_177 = arith.constant 0 : index
    %get3A_178 = vector.load %arg7[%get3A_176, %get3A_177] : memref<1x128xf32, #tpu.memory_space<vmem>>, vector<1x128xf32>
    %add3A_179 = vector.broadcast %get3A_178 : vector<1x128xf32> to vector<512x128xf32>
    %add3A_180 = arith.addf %dot_general3A_175, %add3A_179 : vector<512x128xf32>
    %max3A_181 = arith.constant 0.000000e+00 : f32
    %max3A_182 = vector.broadcast %max3A_181 : f32 to vector<512x128xf32>
    %max3A_183 = arith.maximumf %add3A_180, %max3A_182 : vector<512x128xf32>
    %reshape3A_184 = vector.shape_cast %max3A_183 : vector<512x128xf32> to vector<32x16x128xf32>
    %reduce_max3A_185 = arith.constant dense<0xFF800000> : vector<32x128xf32>
    %reduce_max3A_186 = vector.multi_reduction <maximumf>, %reshape3A_184, %reduce_max3A_185 [1] : vector<32x16x128xf32> to vector<32x128xf32>
    %get3A_187 = arith.constant 0 : index
    %get3A_188 = arith.constant 2048 : index
    %get3A_189 = arith.constant 0 : index
    %get3A_190 = vector.load %arg1[%get3A_187, %get3A_188, %get3A_189] : memref<1x4096x128xf32, #tpu.memory_space<vmem>>, vector<1x512x128xf32>
    %get3A_191 = vector.shape_cast %get3A_190 : vector<1x512x128xf32> to vector<512x128xf32>
    %slice3A_192 = vector.extract_strided_slice %add3A_20 {offsets = [128, 0], sizes = [32, 128], strides = [1, 1]} : vector<256x128xf32> to vector<32x128xf32>
    %reshape3A_193 = vector.shape_cast %slice3A_192 : vector<32x128xf32> to vector<32x1x128xf32>
    %broadcast_in_dim3A_194 = vector.shape_cast %reshape3A_193 : vector<32x1x128xf32> to vector<32x1x128xf32>
    %broadcast_in_dim3A_195 = vector.broadcast %broadcast_in_dim3A_194 : vector<32x1x128xf32> to vector<32x16x128xf32>
    %reshape3A_196 = vector.shape_cast %broadcast_in_dim3A_195 : vector<32x16x128xf32> to vector<512x128xf32>
    %sub3A_197 = arith.subf %get3A_191, %reshape3A_196 : vector<512x128xf32>
    %max3A_198 = arith.constant 0.000000e+00 : f32
    %max3A_199 = vector.broadcast %max3A_198 : f32 to vector<512x128xf32>
    %max3A_200 = arith.maximumf %sub3A_197, %max3A_199 : vector<512x128xf32>
    %get3A_201 = arith.constant 0 : index
    %get3A_202 = arith.constant 0 : index
    %get3A_203 = vector.load %arg4[%get3A_201, %get3A_202] : memref<128x128xf32, #tpu.memory_space<vmem>>, vector<128x128xf32>
    %dot_general3A_204 = arith.constant dense<0.000000e+00> : vector<512x128xf32>
    %dot_general3A_205 = tpu.matmul %max3A_200, %get3A_203, %dot_general3A_204 {dimension_numbers = #tpu.dot_dimension_numbers<[1], [0], [0], [1], [0, 0, 1, 1], [], []>, transpose_lhs_hint = false} : vector<512x128xf32>, vector<128x128xf32>, vector<512x128xf32> -> vector<512x128xf32>
    %get3A_206 = arith.constant 0 : index
    %get3A_207 = arith.constant 0 : index
    %get3A_208 = vector.load %arg5[%get3A_206, %get3A_207] : memref<1x128xf32, #tpu.memory_space<vmem>>, vector<1x128xf32>
    %add3A_209 = vector.broadcast %get3A_208 : vector<1x128xf32> to vector<512x128xf32>
    %add3A_210 = arith.addf %dot_general3A_205, %add3A_209 : vector<512x128xf32>
    %max3A_211 = arith.constant 0.000000e+00 : f32
    %max3A_212 = vector.broadcast %max3A_211 : f32 to vector<512x128xf32>
    %max3A_213 = arith.maximumf %add3A_210, %max3A_212 : vector<512x128xf32>
    %get3A_214 = arith.constant 0 : index
    %get3A_215 = arith.constant 0 : index
    %get3A_216 = vector.load %arg6[%get3A_214, %get3A_215] : memref<128x128xf32, #tpu.memory_space<vmem>>, vector<128x128xf32>
    %dot_general3A_217 = arith.constant dense<0.000000e+00> : vector<512x128xf32>
    %dot_general3A_218 = tpu.matmul %max3A_213, %get3A_216, %dot_general3A_217 {dimension_numbers = #tpu.dot_dimension_numbers<[1], [0], [0], [1], [0, 0, 1, 1], [], []>, transpose_lhs_hint = false} : vector<512x128xf32>, vector<128x128xf32>, vector<512x128xf32> -> vector<512x128xf32>
    %get3A_219 = arith.constant 0 : index
    %get3A_220 = arith.constant 0 : index
    %get3A_221 = vector.load %arg7[%get3A_219, %get3A_220] : memref<1x128xf32, #tpu.memory_space<vmem>>, vector<1x128xf32>
    %add3A_222 = vector.broadcast %get3A_221 : vector<1x128xf32> to vector<512x128xf32>
    %add3A_223 = arith.addf %dot_general3A_218, %add3A_222 : vector<512x128xf32>
    %max3A_224 = arith.constant 0.000000e+00 : f32
    %max3A_225 = vector.broadcast %max3A_224 : f32 to vector<512x128xf32>
    %max3A_226 = arith.maximumf %add3A_223, %max3A_225 : vector<512x128xf32>
    %reshape3A_227 = vector.shape_cast %max3A_226 : vector<512x128xf32> to vector<32x16x128xf32>
    %reduce_max3A_228 = arith.constant dense<0xFF800000> : vector<32x128xf32>
    %reduce_max3A_229 = vector.multi_reduction <maximumf>, %reshape3A_227, %reduce_max3A_228 [1] : vector<32x16x128xf32> to vector<32x128xf32>
    %get3A_230 = arith.constant 0 : index
    %get3A_231 = arith.constant 2560 : index
    %get3A_232 = arith.constant 0 : index
    %get3A_233 = vector.load %arg1[%get3A_230, %get3A_231, %get3A_232] : memref<1x4096x128xf32, #tpu.memory_space<vmem>>, vector<1x512x128xf32>
    %get3A_234 = vector.shape_cast %get3A_233 : vector<1x512x128xf32> to vector<512x128xf32>
    %slice3A_235 = vector.extract_strided_slice %add3A_20 {offsets = [160, 0], sizes = [32, 128], strides = [1, 1]} : vector<256x128xf32> to vector<32x128xf32>
    %reshape3A_236 = vector.shape_cast %slice3A_235 : vector<32x128xf32> to vector<32x1x128xf32>
    %broadcast_in_dim3A_237 = vector.shape_cast %reshape3A_236 : vector<32x1x128xf32> to vector<32x1x128xf32>
    %broadcast_in_dim3A_238 = vector.broadcast %broadcast_in_dim3A_237 : vector<32x1x128xf32> to vector<32x16x128xf32>
    %reshape3A_239 = vector.shape_cast %broadcast_in_dim3A_238 : vector<32x16x128xf32> to vector<512x128xf32>
    %sub3A_240 = arith.subf %get3A_234, %reshape3A_239 : vector<512x128xf32>
    %max3A_241 = arith.constant 0.000000e+00 : f32
    %max3A_242 = vector.broadcast %max3A_241 : f32 to vector<512x128xf32>
    %max3A_243 = arith.maximumf %sub3A_240, %max3A_242 : vector<512x128xf32>
    %get3A_244 = arith.constant 0 : index
    %get3A_245 = arith.constant 0 : index
    %get3A_246 = vector.load %arg4[%get3A_244, %get3A_245] : memref<128x128xf32, #tpu.memory_space<vmem>>, vector<128x128xf32>
    %dot_general3A_247 = arith.constant dense<0.000000e+00> : vector<512x128xf32>
    %dot_general3A_248 = tpu.matmul %max3A_243, %get3A_246, %dot_general3A_247 {dimension_numbers = #tpu.dot_dimension_numbers<[1], [0], [0], [1], [0, 0, 1, 1], [], []>, transpose_lhs_hint = false} : vector<512x128xf32>, vector<128x128xf32>, vector<512x128xf32> -> vector<512x128xf32>
    %get3A_249 = arith.constant 0 : index
    %get3A_250 = arith.constant 0 : index
    %get3A_251 = vector.load %arg5[%get3A_249, %get3A_250] : memref<1x128xf32, #tpu.memory_space<vmem>>, vector<1x128xf32>
    %add3A_252 = vector.broadcast %get3A_251 : vector<1x128xf32> to vector<512x128xf32>
    %add3A_253 = arith.addf %dot_general3A_248, %add3A_252 : vector<512x128xf32>
    %max3A_254 = arith.constant 0.000000e+00 : f32
    %max3A_255 = vector.broadcast %max3A_254 : f32 to vector<512x128xf32>
    %max3A_256 = arith.maximumf %add3A_253, %max3A_255 : vector<512x128xf32>
    %get3A_257 = arith.constant 0 : index
    %get3A_258 = arith.constant 0 : index
    %get3A_259 = vector.load %arg6[%get3A_257, %get3A_258] : memref<128x128xf32, #tpu.memory_space<vmem>>, vector<128x128xf32>
    %dot_general3A_260 = arith.constant dense<0.000000e+00> : vector<512x128xf32>
    %dot_general3A_261 = tpu.matmul %max3A_256, %get3A_259, %dot_general3A_260 {dimension_numbers = #tpu.dot_dimension_numbers<[1], [0], [0], [1], [0, 0, 1, 1], [], []>, transpose_lhs_hint = false} : vector<512x128xf32>, vector<128x128xf32>, vector<512x128xf32> -> vector<512x128xf32>
    %get3A_262 = arith.constant 0 : index
    %get3A_263 = arith.constant 0 : index
    %get3A_264 = vector.load %arg7[%get3A_262, %get3A_263] : memref<1x128xf32, #tpu.memory_space<vmem>>, vector<1x128xf32>
    %add3A_265 = vector.broadcast %get3A_264 : vector<1x128xf32> to vector<512x128xf32>
    %add3A_266 = arith.addf %dot_general3A_261, %add3A_265 : vector<512x128xf32>
    %max3A_267 = arith.constant 0.000000e+00 : f32
    %max3A_268 = vector.broadcast %max3A_267 : f32 to vector<512x128xf32>
    %max3A_269 = arith.maximumf %add3A_266, %max3A_268 : vector<512x128xf32>
    %reshape3A_270 = vector.shape_cast %max3A_269 : vector<512x128xf32> to vector<32x16x128xf32>
    %reduce_max3A_271 = arith.constant dense<0xFF800000> : vector<32x128xf32>
    %reduce_max3A_272 = vector.multi_reduction <maximumf>, %reshape3A_270, %reduce_max3A_271 [1] : vector<32x16x128xf32> to vector<32x128xf32>
    %get3A_273 = arith.constant 0 : index
    %get3A_274 = arith.constant 3072 : index
    %get3A_275 = arith.constant 0 : index
    %get3A_276 = vector.load %arg1[%get3A_273, %get3A_274, %get3A_275] : memref<1x4096x128xf32, #tpu.memory_space<vmem>>, vector<1x512x128xf32>
    %get3A_277 = vector.shape_cast %get3A_276 : vector<1x512x128xf32> to vector<512x128xf32>
    %slice3A_278 = vector.extract_strided_slice %add3A_20 {offsets = [192, 0], sizes = [32, 128], strides = [1, 1]} : vector<256x128xf32> to vector<32x128xf32>
    %reshape3A_279 = vector.shape_cast %slice3A_278 : vector<32x128xf32> to vector<32x1x128xf32>
    %broadcast_in_dim3A_280 = vector.shape_cast %reshape3A_279 : vector<32x1x128xf32> to vector<32x1x128xf32>
    %broadcast_in_dim3A_281 = vector.broadcast %broadcast_in_dim3A_280 : vector<32x1x128xf32> to vector<32x16x128xf32>
    %reshape3A_282 = vector.shape_cast %broadcast_in_dim3A_281 : vector<32x16x128xf32> to vector<512x128xf32>
    %sub3A_283 = arith.subf %get3A_277, %reshape3A_282 : vector<512x128xf32>
    %max3A_284 = arith.constant 0.000000e+00 : f32
    %max3A_285 = vector.broadcast %max3A_284 : f32 to vector<512x128xf32>
    %max3A_286 = arith.maximumf %sub3A_283, %max3A_285 : vector<512x128xf32>
    %get3A_287 = arith.constant 0 : index
    %get3A_288 = arith.constant 0 : index
    %get3A_289 = vector.load %arg4[%get3A_287, %get3A_288] : memref<128x128xf32, #tpu.memory_space<vmem>>, vector<128x128xf32>
    %dot_general3A_290 = arith.constant dense<0.000000e+00> : vector<512x128xf32>
    %dot_general3A_291 = tpu.matmul %max3A_286, %get3A_289, %dot_general3A_290 {dimension_numbers = #tpu.dot_dimension_numbers<[1], [0], [0], [1], [0, 0, 1, 1], [], []>, transpose_lhs_hint = false} : vector<512x128xf32>, vector<128x128xf32>, vector<512x128xf32> -> vector<512x128xf32>
    %get3A_292 = arith.constant 0 : index
    %get3A_293 = arith.constant 0 : index
    %get3A_294 = vector.load %arg5[%get3A_292, %get3A_293] : memref<1x128xf32, #tpu.memory_space<vmem>>, vector<1x128xf32>
    %add3A_295 = vector.broadcast %get3A_294 : vector<1x128xf32> to vector<512x128xf32>
    %add3A_296 = arith.addf %dot_general3A_291, %add3A_295 : vector<512x128xf32>
    %max3A_297 = arith.constant 0.000000e+00 : f32
    %max3A_298 = vector.broadcast %max3A_297 : f32 to vector<512x128xf32>
    %max3A_299 = arith.maximumf %add3A_296, %max3A_298 : vector<512x128xf32>
    %get3A_300 = arith.constant 0 : index
    %get3A_301 = arith.constant 0 : index
    %get3A_302 = vector.load %arg6[%get3A_300, %get3A_301] : memref<128x128xf32, #tpu.memory_space<vmem>>, vector<128x128xf32>
    %dot_general3A_303 = arith.constant dense<0.000000e+00> : vector<512x128xf32>
    %dot_general3A_304 = tpu.matmul %max3A_299, %get3A_302, %dot_general3A_303 {dimension_numbers = #tpu.dot_dimension_numbers<[1], [0], [0], [1], [0, 0, 1, 1], [], []>, transpose_lhs_hint = false} : vector<512x128xf32>, vector<128x128xf32>, vector<512x128xf32> -> vector<512x128xf32>
    %get3A_305 = arith.constant 0 : index
    %get3A_306 = arith.constant 0 : index
    %get3A_307 = vector.load %arg7[%get3A_305, %get3A_306] : memref<1x128xf32, #tpu.memory_space<vmem>>, vector<1x128xf32>
    %add3A_308 = vector.broadcast %get3A_307 : vector<1x128xf32> to vector<512x128xf32>
    %add3A_309 = arith.addf %dot_general3A_304, %add3A_308 : vector<512x128xf32>
    %max3A_310 = arith.constant 0.000000e+00 : f32
    %max3A_311 = vector.broadcast %max3A_310 : f32 to vector<512x128xf32>
    %max3A_312 = arith.maximumf %add3A_309, %max3A_311 : vector<512x128xf32>
    %reshape3A_313 = vector.shape_cast %max3A_312 : vector<512x128xf32> to vector<32x16x128xf32>
    %reduce_max3A_314 = arith.constant dense<0xFF800000> : vector<32x128xf32>
    %reduce_max3A_315 = vector.multi_reduction <maximumf>, %reshape3A_313, %reduce_max3A_314 [1] : vector<32x16x128xf32> to vector<32x128xf32>
    %get3A_316 = arith.constant 0 : index
    %get3A_317 = arith.constant 3584 : index
    %get3A_318 = arith.constant 0 : index
    %get3A_319 = vector.load %arg1[%get3A_316, %get3A_317, %get3A_318] : memref<1x4096x128xf32, #tpu.memory_space<vmem>>, vector<1x512x128xf32>
    %get3A_320 = vector.shape_cast %get3A_319 : vector<1x512x128xf32> to vector<512x128xf32>
    %slice3A_321 = vector.extract_strided_slice %add3A_20 {offsets = [224, 0], sizes = [32, 128], strides = [1, 1]} : vector<256x128xf32> to vector<32x128xf32>
    %reshape3A_322 = vector.shape_cast %slice3A_321 : vector<32x128xf32> to vector<32x1x128xf32>
    %broadcast_in_dim3A_323 = vector.shape_cast %reshape3A_322 : vector<32x1x128xf32> to vector<32x1x128xf32>
    %broadcast_in_dim3A_324 = vector.broadcast %broadcast_in_dim3A_323 : vector<32x1x128xf32> to vector<32x16x128xf32>
    %reshape3A_325 = vector.shape_cast %broadcast_in_dim3A_324 : vector<32x16x128xf32> to vector<512x128xf32>
    %sub3A_326 = arith.subf %get3A_320, %reshape3A_325 : vector<512x128xf32>
    %max3A_327 = arith.constant 0.000000e+00 : f32
    %max3A_328 = vector.broadcast %max3A_327 : f32 to vector<512x128xf32>
    %max3A_329 = arith.maximumf %sub3A_326, %max3A_328 : vector<512x128xf32>
    %get3A_330 = arith.constant 0 : index
    %get3A_331 = arith.constant 0 : index
    %get3A_332 = vector.load %arg4[%get3A_330, %get3A_331] : memref<128x128xf32, #tpu.memory_space<vmem>>, vector<128x128xf32>
    %dot_general3A_333 = arith.constant dense<0.000000e+00> : vector<512x128xf32>
    %dot_general3A_334 = tpu.matmul %max3A_329, %get3A_332, %dot_general3A_333 {dimension_numbers = #tpu.dot_dimension_numbers<[1], [0], [0], [1], [0, 0, 1, 1], [], []>, transpose_lhs_hint = false} : vector<512x128xf32>, vector<128x128xf32>, vector<512x128xf32> -> vector<512x128xf32>
    %get3A_335 = arith.constant 0 : index
    %get3A_336 = arith.constant 0 : index
    %get3A_337 = vector.load %arg5[%get3A_335, %get3A_336] : memref<1x128xf32, #tpu.memory_space<vmem>>, vector<1x128xf32>
    %add3A_338 = vector.broadcast %get3A_337 : vector<1x128xf32> to vector<512x128xf32>
    %add3A_339 = arith.addf %dot_general3A_334, %add3A_338 : vector<512x128xf32>
    %max3A_340 = arith.constant 0.000000e+00 : f32
    %max3A_341 = vector.broadcast %max3A_340 : f32 to vector<512x128xf32>
    %max3A_342 = arith.maximumf %add3A_339, %max3A_341 : vector<512x128xf32>
    %get3A_343 = arith.constant 0 : index
    %get3A_344 = arith.constant 0 : index
    %get3A_345 = vector.load %arg6[%get3A_343, %get3A_344] : memref<128x128xf32, #tpu.memory_space<vmem>>, vector<128x128xf32>
    %dot_general3A_346 = arith.constant dense<0.000000e+00> : vector<512x128xf32>
    %dot_general3A_347 = tpu.matmul %max3A_342, %get3A_345, %dot_general3A_346 {dimension_numbers = #tpu.dot_dimension_numbers<[1], [0], [0], [1], [0, 0, 1, 1], [], []>, transpose_lhs_hint = false} : vector<512x128xf32>, vector<128x128xf32>, vector<512x128xf32> -> vector<512x128xf32>
    %get3A_348 = arith.constant 0 : index
    %get3A_349 = arith.constant 0 : index
    %get3A_350 = vector.load %arg7[%get3A_348, %get3A_349] : memref<1x128xf32, #tpu.memory_space<vmem>>, vector<1x128xf32>
    %add3A_351 = vector.broadcast %get3A_350 : vector<1x128xf32> to vector<512x128xf32>
    %add3A_352 = arith.addf %dot_general3A_347, %add3A_351 : vector<512x128xf32>
    %max3A_353 = arith.constant 0.000000e+00 : f32
    %max3A_354 = vector.broadcast %max3A_353 : f32 to vector<512x128xf32>
    %max3A_355 = arith.maximumf %add3A_352, %max3A_354 : vector<512x128xf32>
    %reshape3A_356 = vector.shape_cast %max3A_355 : vector<512x128xf32> to vector<32x16x128xf32>
    %reduce_max3A_357 = arith.constant dense<0xFF800000> : vector<32x128xf32>
    %reduce_max3A_358 = vector.multi_reduction <maximumf>, %reshape3A_356, %reduce_max3A_357 [1] : vector<32x16x128xf32> to vector<32x128xf32>
    %concatenate3A = tpu.concatenate %reduce_max3A_57, %reduce_max3A_100, %reduce_max3A_143, %reduce_max3A_186, %reduce_max3A_229, %reduce_max3A_272, %reduce_max3A_315, %reduce_max3A_358 in 0 : vector<32x128xf32>, vector<32x128xf32>, vector<32x128xf32>, vector<32x128xf32>, vector<32x128xf32>, vector<32x128xf32>, vector<32x128xf32>, vector<32x128xf32> -> vector<256x128xf32>
    %get3A_359 = arith.constant 0 : index
    %get3A_360 = arith.constant 0 : index
    %get3A_361 = vector.load %arg8[%get3A_359, %get3A_360] : memref<128x128xf32, #tpu.memory_space<vmem>>, vector<128x128xf32>
    %dot_general3A_362 = arith.constant dense<0.000000e+00> : vector<256x128xf32>
    %dot_general3A_363 = tpu.matmul %concatenate3A, %get3A_361, %dot_general3A_362 {dimension_numbers = #tpu.dot_dimension_numbers<[1], [0], [0], [1], [0, 0, 1, 1], [], []>, transpose_lhs_hint = false} : vector<256x128xf32>, vector<128x128xf32>, vector<256x128xf32> -> vector<256x128xf32>
    %get3A_364 = arith.constant 0 : index
    %get3A_365 = arith.constant 0 : index
    %get3A_366 = vector.load %arg9[%get3A_364, %get3A_365] : memref<1x128xf32, #tpu.memory_space<vmem>>, vector<1x128xf32>
    %add3A_367 = vector.broadcast %get3A_366 : vector<1x128xf32> to vector<256x128xf32>
    %add3A_368 = arith.addf %dot_general3A_363, %add3A_367 : vector<256x128xf32>
    %max3A_369 = arith.constant 0.000000e+00 : f32
    %max3A_370 = vector.broadcast %max3A_369 : f32 to vector<256x128xf32>
    %max3A_371 = arith.maximumf %add3A_368, %max3A_370 : vector<256x128xf32>
    %get3A_372 = arith.constant 0 : index
    %get3A_373 = arith.constant 0 : index
    %get3A_374 = vector.load %arg10[%get3A_372, %get3A_373] : memref<128x128xf32, #tpu.memory_space<vmem>>, vector<128x128xf32>
    %dot_general3A_375 = arith.constant dense<0.000000e+00> : vector<256x128xf32>
    %dot_general3A_376 = tpu.matmul %max3A_371, %get3A_374, %dot_general3A_375 {dimension_numbers = #tpu.dot_dimension_numbers<[1], [0], [0], [1], [0, 0, 1, 1], [], []>, transpose_lhs_hint = false} : vector<256x128xf32>, vector<128x128xf32>, vector<256x128xf32> -> vector<256x128xf32>
    %get3A_377 = arith.constant 0 : index
    %get3A_378 = arith.constant 0 : index
    %get3A_379 = vector.load %arg11[%get3A_377, %get3A_378] : memref<1x128xf32, #tpu.memory_space<vmem>>, vector<1x128xf32>
    %add3A_380 = vector.broadcast %get3A_379 : vector<1x128xf32> to vector<256x128xf32>
    %add3A_381 = arith.addf %dot_general3A_376, %add3A_380 : vector<256x128xf32>
    %max3A_382 = arith.constant 0.000000e+00 : f32
    %max3A_383 = vector.broadcast %max3A_382 : f32 to vector<256x128xf32>
    %max3A_384 = arith.maximumf %add3A_381, %max3A_383 : vector<256x128xf32>
    %get3A_385 = arith.constant 0 : index
    %get3A_386 = arith.constant 0 : index
    %get3A_387 = vector.load %arg12[%get3A_385, %get3A_386] : memref<128x12xf32, #tpu.memory_space<vmem>>, vector<128x12xf32>
    %dot_general3A_388 = arith.constant dense<0.000000e+00> : vector<256x12xf32>
    %dot_general3A_389 = tpu.matmul %max3A_384, %get3A_387, %dot_general3A_388 {dimension_numbers = #tpu.dot_dimension_numbers<[1], [0], [0], [1], [0, 0, 1, 1], [], []>, transpose_lhs_hint = false} : vector<256x128xf32>, vector<128x12xf32>, vector<256x12xf32> -> vector<256x12xf32>
    %get3A_390 = arith.constant 0 : index
    %get3A_391 = arith.constant 0 : index
    %get3A_392 = vector.load %arg13[%get3A_390, %get3A_391] : memref<1x12xf32, #tpu.memory_space<vmem>>, vector<1x12xf32>
    %add3A_393 = vector.broadcast %get3A_392 : vector<1x12xf32> to vector<256x12xf32>
    %add3A_394 = arith.addf %dot_general3A_389, %add3A_393 : vector<256x12xf32>
    %get3A_395 = arith.constant 0 : index
    %get3A_396 = arith.constant 0 : index
    %get3A_397 = vector.load %arg14[%get3A_395, %get3A_396] : memref<128x67xf32, #tpu.memory_space<vmem>>, vector<128x67xf32>
    %dot_general3A_398 = arith.constant dense<0.000000e+00> : vector<256x67xf32>
    %dot_general3A_399 = tpu.matmul %max3A_384, %get3A_397, %dot_general3A_398 {dimension_numbers = #tpu.dot_dimension_numbers<[1], [0], [0], [1], [0, 0, 1, 1], [], []>, transpose_lhs_hint = false} : vector<256x128xf32>, vector<128x67xf32>, vector<256x67xf32> -> vector<256x67xf32>
    %get3A_400 = arith.constant 0 : index
    %get3A_401 = arith.constant 0 : index
    %get3A_402 = vector.load %arg15[%get3A_400, %get3A_401] : memref<1x67xf32, #tpu.memory_space<vmem>>, vector<1x67xf32>
    %add3A_403 = vector.broadcast %get3A_402 : vector<1x67xf32> to vector<256x67xf32>
    %add3A_404 = arith.addf %dot_general3A_399, %add3A_403 : vector<256x67xf32>
    %slice3A_405 = vector.extract_strided_slice %add3A_404 {offsets = [0, 0], sizes = [256, 3], strides = [1, 1]} : vector<256x67xf32> to vector<256x3xf32>
    %add3A_406 = arith.addf %get3A_3, %slice3A_405 : vector<256x3xf32>
    %slice3A_407 = vector.extract_strided_slice %add3A_394 {offsets = [0, 0], sizes = [256, 2], strides = [1, 1]} : vector<256x12xf32> to vector<256x2xf32>
    %slice3A_408 = vector.extract_strided_slice %add3A_394 {offsets = [0, 2], sizes = [256, 10], strides = [1, 1]} : vector<256x12xf32> to vector<256x10xf32>
    %slice3A_409 = vector.extract_strided_slice %add3A_404 {offsets = [0, 3], sizes = [256, 12], strides = [1, 1]} : vector<256x67xf32> to vector<256x12xf32>
    %slice3A_410 = vector.extract_strided_slice %add3A_404 {offsets = [0, 15], sizes = [256, 12], strides = [1, 1]} : vector<256x67xf32> to vector<256x12xf32>
    %mul3A_411 = arith.constant 0.261799395 : f32
    %mul3A_412 = vector.broadcast %mul3A_411 : f32 to vector<256x12xf32>
    %mul3A_413 = arith.mulf %slice3A_410, %mul3A_412 : vector<256x12xf32>
    %slice3A_414 = vector.extract_strided_slice %add3A_404 {offsets = [0, 27], sizes = [256, 10], strides = [1, 1]} : vector<256x67xf32> to vector<256x10xf32>
    %slice3A_415 = vector.extract_strided_slice %add3A_404 {offsets = [0, 37], sizes = [256, 30], strides = [1, 1]} : vector<256x67xf32> to vector<256x30xf32>
    %get3A_416 = arith.constant 0 : index
    %get3A_417 = arith.constant 0 : index
    %get3A_418 = vector.load %arg16[%get3A_416, %get3A_417] : memref<1x30xf32, #tpu.memory_space<vmem>>, vector<1x30xf32>
    %mul3A_419 = vector.broadcast %get3A_418 : vector<1x30xf32> to vector<256x30xf32>
    %mul3A_420 = arith.mulf %slice3A_415, %mul3A_419 : vector<256x30xf32>
    %concatenate3A_421 = tpu.concatenate %slice3A_407, %slice3A_408, %add3A_406, %slice3A_409, %mul3A_413, %slice3A_414, %mul3A_420 in 1 : vector<256x2xf32>, vector<256x10xf32>, vector<256x3xf32>, vector<256x12xf32>, vector<256x12xf32>, vector<256x10xf32>, vector<256x30xf32> -> vector<256x79xf32>
    %swap3A = arith.constant 0 : index
    %swap3A_422 = arith.constant 0 : index
    %swap3A_423 = arith.constant 0 : index
    %swap3A_424 = vector.load %arg17[%swap3A, %swap3A_422, %swap3A_423] : memref<1x256x79xf32, #tpu.memory_space<vmem>>, vector<1x256x79xf32>
    %swap3A_425 = vector.shape_cast %swap3A_424 : vector<1x256x79xf32> to vector<256x79xf32>
    %swap3A_426 = vector.shape_cast %concatenate3A_421 : vector<256x79xf32> to vector<1x256x79xf32>
    tpu.vector_store %arg17[%swap3A, %swap3A_422, %swap3A_423], %swap3A_426 {strides = array<i32>} : memref<1x256x79xf32, #tpu.memory_space<vmem>>, vector<1x256x79xf32>,
    return
  }
  func.func @transform_0(%arg0: i32) -> (i32, i32, i32) {
    %c0_i32 = arith.constant 0 : i32
    %c0_i32_0 = arith.constant 0 : i32
    %c0_i32_1 = arith.constant 0 : i32
    return %arg0, %c0_i32, %c0_i32_0 : i32, i32, i32
  }
  func.func @transform_1(%arg0: i32) -> (i32, i32, i32) {
    %c0_i32 = arith.constant 0 : i32
    %c0_i32_0 = arith.constant 0 : i32
    %c0_i32_1 = arith.constant 0 : i32
    return %arg0, %c0_i32, %c0_i32_0 : i32, i32, i32
  }
  func.func @transform_2(%arg0: i32) -> (i32, i32) {
    %c0_i32 = arith.constant 0 : i32
    %c0_i32_0 = arith.constant 0 : i32
    %c0_i32_1 = arith.constant 0 : i32
    return %c0_i32, %c0_i32_0 : i32, i32
  }
  func.func @transform_3(%arg0: i32) -> (i32, i32) {
    %c0_i32 = arith.constant 0 : i32
    %c0_i32_0 = arith.constant 0 : i32
    %c0_i32_1 = arith.constant 0 : i32
    return %c0_i32, %c0_i32_0 : i32, i32
  }
  func.func @transform_4(%arg0: i32) -> (i32, i32) {
    %c0_i32 = arith.constant 0 : i32
    %c0_i32_0 = arith.constant 0 : i32
    %c0_i32_1 = arith.constant 0 : i32
    return %c0_i32, %c0_i32_0 : i32, i32
  }
  func.func @transform_5(%arg0: i32) -> (i32, i32) {
    %c0_i32 = arith.constant 0 : i32
    %c0_i32_0 = arith.constant 0 : i32
    %c0_i32_1 = arith.constant 0 : i32
    return %c0_i32, %c0_i32_0 : i32, i32
  }
  func.func @transform_6(%arg0: i32) -> (i32, i32) {
    %c0_i32 = arith.constant 0 : i32
    %c0_i32_0 = arith.constant 0 : i32
    %c0_i32_1 = arith.constant 0 : i32
    return %c0_i32, %c0_i32_0 : i32, i32
  }
  func.func @transform_7(%arg0: i32) -> (i32, i32) {
    %c0_i32 = arith.constant 0 : i32
    %c0_i32_0 = arith.constant 0 : i32
    %c0_i32_1 = arith.constant 0 : i32
    return %c0_i32, %c0_i32_0 : i32, i32
  }
  func.func @transform_8(%arg0: i32) -> (i32, i32) {
    %c0_i32 = arith.constant 0 : i32
    %c0_i32_0 = arith.constant 0 : i32
    %c0_i32_1 = arith.constant 0 : i32
    return %c0_i32, %c0_i32_0 : i32, i32
  }
  func.func @transform_9(%arg0: i32) -> (i32, i32) {
    %c0_i32 = arith.constant 0 : i32
    %c0_i32_0 = arith.constant 0 : i32
    %c0_i32_1 = arith.constant 0 : i32
    return %c0_i32, %c0_i32_0 : i32, i32
  }
  func.func @transform_10(%arg0: i32) -> (i32, i32) {
    %c0_i32 = arith.constant 0 : i32
    %c0_i32_0 = arith.constant 0 : i32
    %c0_i32_1 = arith.constant 0 : i32
    return %c0_i32, %c0_i32_0 : i32, i32
  }
  func.func @transform_11(%arg0: i32) -> (i32, i32) {
    %c0_i32 = arith.constant 0 : i32
    %c0_i32_0 = arith.constant 0 : i32
    %c0_i32_1 = arith.constant 0 : i32
    return %c0_i32, %c0_i32_0 : i32, i32
  }
  func.func @transform_12(%arg0: i32) -> (i32, i32) {
    %c0_i32 = arith.constant 0 : i32
    %c0_i32_0 = arith.constant 0 : i32
    %c0_i32_1 = arith.constant 0 : i32
    return %c0_i32, %c0_i32_0 : i32, i32
  }
  func.func @transform_13(%arg0: i32) -> (i32, i32) {
    %c0_i32 = arith.constant 0 : i32
    %c0_i32_0 = arith.constant 0 : i32
    %c0_i32_1 = arith.constant 0 : i32
    return %c0_i32, %c0_i32_0 : i32, i32
  }
  func.func @transform_14(%arg0: i32) -> (i32, i32) {
    %c0_i32 = arith.constant 0 : i32
    %c0_i32_0 = arith.constant 0 : i32
    %c0_i32_1 = arith.constant 0 : i32
    return %c0_i32, %c0_i32_0 : i32, i32
  }
  func.func @transform_15(%arg0: i32) -> (i32, i32) {
    %c0_i32 = arith.constant 0 : i32
    %c0_i32_0 = arith.constant 0 : i32
    %c0_i32_1 = arith.constant 0 : i32
    return %c0_i32, %c0_i32_0 : i32, i32
  }
  func.func @transform_16(%arg0: i32) -> (i32, i32, i32) {
    %c0_i32 = arith.constant 0 : i32
    %c0_i32_0 = arith.constant 0 : i32
    %c0_i32_1 = arith.constant 0 : i32
    return %arg0, %c0_i32, %c0_i32_0 : i32, i32, i32
  }
}

</mosaic_0001>

<sc_bundles>
// kernel: kernel.10.cloned.1.call-start
scs
__scs_entry_jumppad:
0x0: {  	(pc) =	sbr.rel $0x88, $3  }
0x1: {  	(tag) =	ssettag $0x0;
	lr =	simm.s32 $0x1  }
0x2: {  	[smem:$0x3F8A] =	sst lr;
	_ =	strace $0xD0000000  }
0x3: {  	_ = 	snop  }
0x4: {  	_ = 	snop  }
0x5: {  	_ = 	snop  }
0x6: {  	_ = 	snop  }
0x7: {  	_ = 	snop  }
__scs_overlays_trampoline_lowered:
0x8: {  	[smem:$0x3F99] =	sst s0  }
0x9: {  	[smem:$0x3F9A] =	sst s1  }
0xa: {  	[smem:$0x3F9B] =	sst s2  }
0xb: {  	[smem:$0x3F9C] =	sst s3  }
0xc: {  	[smem:$0x3F9D] =	sst s4  }
0xd: {  	[smem:$0x3F9E] =	sst s5  }
0xe: {  	[smem:$0x3F9F] =	sst s6  }
0xf: {  	[smem:$0x3FA0] =	sst s7  }
0x10: {  	[smem:$0x3FA1] =	sst s8  }
0x11: {  	[smem:$0x3FA2] =	sst s9;
	s0 =	simm.s32 @!p0 $0x0  }
0x12: {  	s1 =	sld [smem:$0x3F88];
	s0 =	simm.s32 @p0 $0x1  }
0x13: {  	[smem:$0x3FA3] =	sst s0;
	s0 =	simm.s32 @!p1 $0x0  }
0x14: {  	s2 =	sld [smem:$0x3F87];
	s0 =	simm.s32 @p1 $0x1  }
0x15: {  	[smem:$0x3FA4] =	sst s0;
	s0 =	simm.s32 @!p2 $0x0  }
0x16: {  	s3 =	sld [smem:$0x3FDB];
	s0 =	simm.s32 @p2 $0x1  }
0x17: {  	s4 =	simm.s32 $0x1BF5;
	[smem:$0x3FA6] =	sst s0  }
0x18: {  	s0 =	sld [smem:$0x3F89];
	_ =	swait.ge [sflag:s4], $0x0  }
0x19: {  	s7 =	sld [smem:$0x3F8A]  }
0x1a: {  	s8 =	sadd.s32 $0xFFFFE003, lr  }
0x1b: {  	s9 =	sadd.s32 $0xFFFFFEF7, lr;
	s5 =	simm.s32 $0xFFFFFFFF;
	p2 =	slt.u32 s8, $0xFFFFF086  }
0x1c: {  	p1 =	slt.u32 s9, $0xF7A;
	s5 =	simm.s32 @!p2 $0x0  }
0x1d: {  	s5 =	simm.s32 @p1 $0x1;
	p0 =	seq.s32 s7, s2  }
0x1e: {  	s7 =	smul.u32 @!p0 $0xF7A, s2;
	p2 =	seq.s32 @!p0 s5, $0x0  }
0x1f: {  	s9 =	smul.u32 $0xF7A, s1;
	s8 =	simm.s32 @!p0 $0x1BF5;
	p2 =	por !p2, p0  }
0x20: {  	[sflag:s8] =	ssyncset.s32 @!p0 $0xFFFFF086;
	s6 =	sadd.s32 @!p0 s3, s7;
	s7 =	simm.s32 @!p0 $0x108  }
0x21: {  	s3 =	sadd.s32 s3, s9;
	s6 =	sadd.s32 @!p0 $0x88, s6;
	s7 =	simm.s32 @p2 $0x1082  }
0x22: {  	[simem:s7], [sflag:s8] =	dma.local @!p0 [hbm:s6], $0xF7A  }
0x23: {  	s9 =	sor.u32 $0xD0000000, s2;
	s6 =	simm.s32 $0x108;
	_ =	swait.ge @!p0 [sflag:s8], $0x0  }
0x24: {  	s3 =	sadd.s32 $0x88, s3;
	s6 =	simm.s32 @!p1 $0x1082;
	[sflag:s4] =	ssyncset.s32 $0xFFFFF086  }
0x25: {  	[simem:s6], [sflag:s4] =	dma.local [hbm:s3], $0xF7A  }
0x26: {  	[smem:$0x3F8A] =	sst s1;
	(tag) =	ssettag s2;
	_ =	strace s9  }
0x27: {  	s1 =	sld [smem:$0x3F9A]  }
0x28: {  	s2 =	sld [smem:$0x3F9B]  }
0x29: {  	s4 =	sld [smem:$0x3F9D]  }
0x2a: {  	p0 =	seq.s32 s5, $0x0;
	s5 =	sld [smem:$0x3F9E]  }
0x2b: {  	s6 =	sld [smem:$0x3F9F]  }
0x2c: {  	s7 =	sld [smem:$0x3FA0]  }
0x2d: {  	s3 =	simm.s32 $0x108;
	s8 =	sld [smem:$0x3FA1]  }
0x2e: {  	s3 =	simm.s32 @!p0 $0x1082;
	s9 =	sld [smem:$0x3FA2]  }
0x2f: {  	lr =	sadd.s32 s0, s3;
	s0 =	sld [smem:$0x3F99]  }
0x30: {  	s3 =	sld [smem:$0x3F9C]  }
0x31: {  	[smem:$0x3FA5] =	sst s10  }
0x32: {  	s10 =	sld [smem:$0x3FA3];
	_ =	sdelay $0x3  }
0x33: {  	p0 =	seq.s32 s10, $0x1;
	s10 =	sld [smem:$0x3FA5];
	_ =	sdelay $0x3  }
0x34: {  	[smem:$0x3FA5] =	sst s10  }
0x35: {  	s10 =	sld [smem:$0x3FA4];
	_ =	sdelay $0x3  }
0x36: {  	p1 =	seq.s32 s10, $0x1;
	s10 =	sld [smem:$0x3FA5];
	_ =	sdelay $0x3  }
0x37: {  	[smem:$0x3FA5] =	sst s10  }
0x38: {  	s10 =	sld [smem:$0x3FA6]  }
0x39: {  	_ = 	snop;
	(pc) =	sbr.ind lr, $3  }
0x3a: {  	_ = 	snop  }
0x3b: {  	_ = 	snop  }
0x3c: {  	p2 =	seq.s32 s10, $0x1;
	s10 =	sld [smem:$0x3FA5]  }
0x3d: {  	_ =	shalt  }
0x3e: {  	_ =	shalt  }
0x3f: {  	_ =	shalt  }
0x40: {  	_ =	shalt  }
0x41: {  	_ =	shalt  }
0x42: {  	_ =	shalt  }
0x43: {  	_ =	shalt  }
0x44: {  	_ =	shalt  }
0x45: {  	_ =	shalt  }
0x46: {  	_ =	shalt  }
0x47: {  	_ =	shalt  }
0x48: {  	_ =	shalt  }
0x49: {  	_ =	shalt  }
0x4a: {  	_ =	shalt  }
0x4b: {  	_ =	shalt  }
0x4c: {  	_ =	shalt  }
0x4d: {  	_ =	shalt  }
0x4e: {  	_ =	shalt  }
0x4f: {  	_ =	shalt  }
0x50: {  	_ =	shalt  }
0x51: {  	_ =	shalt  }
0x52: {  	_ =	shalt  }
0x53: {  	_ =	shalt  }
0x54: {  	_ =	shalt  }
0x55: {  	_ =	shalt  }
0x56: {  	_ =	shalt  }
0x57: {  	_ =	shalt  }
0x58: {  	_ =	shalt  }
0x59: {  	_ =	shalt  }
0x5a: {  	_ =	shalt  }
0x5b: {  	_ =	shalt  }
0x5c: {  	_ =	shalt  }
0x5d: {  	_ =	shalt  }
0x5e: {  	_ =	shalt  }
0x5f: {  	_ =	shalt  }
0x60: {  	_ =	shalt  }
0x61: {  	_ =	shalt  }
0x62: {  	_ =	shalt  }
0x63: {  	_ =	shalt  }
0x64: {  	_ =	shalt  }
0x65: {  	_ =	shalt  }
0x66: {  	_ =	shalt  }
0x67: {  	_ =	shalt  }
0x68: {  	_ =	shalt  }
0x69: {  	_ =	shalt  }
0x6a: {  	_ =	shalt  }
0x6b: {  	_ =	shalt  }
0x6c: {  	_ =	shalt  }
0x6d: {  	_ =	shalt  }
0x6e: {  	_ =	shalt  }
0x6f: {  	_ =	shalt  }
0x70: {  	_ =	shalt  }
0x71: {  	_ =	shalt  }
0x72: {  	_ =	shalt  }
0x73: {  	_ =	shalt  }
0x74: {  	_ =	shalt  }
0x75: {  	_ =	shalt  }
0x76: {  	_ =	shalt  }
0x77: {  	_ =	shalt  }
0x78: {  	_ =	shalt  }
0x79: {  	_ =	shalt  }
0x7a: {  	_ =	shalt  }
0x7b: {  	_ =	shalt  }
0x7c: {  	_ =	shalt  }
0x7d: {  	_ =	shalt  }
0x7e: {  	_ =	shalt  }
0x7f: {  	_ =	shalt  }
0x80: {  	_ =	shalt  }
0x81: {  	_ =	shalt  }
0x82: {  	_ =	shalt  }
0x83: {  	_ =	shalt  }
0x84: {  	_ =	shalt  }
0x85: {  	_ =	shalt  }
0x86: {  	_ =	shalt  }
0x87: {  	_ =	shalt  }
.Lfunc_end0:
.L_simem_size_0:
called_computation_lowered:
.L_overlay_start_0:
0x88: {  	s2 =	sld [smem:$0x3FD9]  }
0x89: {  	s3 =	sld [smem:$0x3FFE];
	_ =	sdelay $0x1  }
0x8a: {  	s1 =	srdreg.scid  }
0x8b: {  	s0 =	sand.u32 $0x1, s1  }
0x8c: {  	s16 =	sshll.u32 s0, $0xA;
	s2 =	sadd.s32 s3, s2  }
0x8d: {  	s2 =	sadd.s32 s2, s16  }
0x8e: {  	[smem:$0x3FB1] =	sst s2  }
0x8f: {  	_ = 	snop  }
0x90: {  	(tm) =	ssettm $0x1  }
0x91: {  	s17 =	sld [smem:$0x3FFB];
	_ =	sdelay $0x3  }
0x92: {  	_ =	strace s17  }
0x93: {  	s2 =	sld [smem:$0x3FFC];
	_ =	sdelay $0x3  }
0x94: {  	_ =	strace s2  }
0x95: {  	s2 =	sld [smem:$0x3FFD];
	_ =	sdelay $0x3  }
0x96: {  	_ =	strace s2  }
0x97: {  	_ =	strace $0x8FFFFFFF  }
0x98: {  	s18 =	sld [smem:$0x3FDB];
	_ =	sdelay $0x1  }
0x99: {  	s19 =	simm.s32 $_scs_section_size  }
0x9a: {  	s4 =	simm.s32 $_size__tile_overlayer_lowered;
	s5 =	simm.s32 $_tile_overlayer_lowered  }
0x9b: {  	s22 =	simm.s32 $0x1BFF;
	s21 =	sshll.u32 s5, $0x1;
	s2 =	sadd.s32 s19, s18  }
0x9c: {  	s6 =	simm.s32 $0x0;
	s20 =	sshll.u32 s4, $0x1;
	s4 =	sadd.s32 s21, s2  }
0x9d: {  	[timem:s6], [sflag:s22] =	dma.local [hbm:s4], s20  }
0x9e: {  	_ =	swait.ge [sflag:s22], s20  }
0x9f: {  	s3 =	ssub.s32 $0x0, s20;
	[sflag:s22] =	ssyncset.done $0x0  }
0xa0: {  	[sflag:s22] =	ssyncadd.s32 s3;
	_ =	sdelay $0x1  }
0xa1: {  	s23 =	simm.s32 $0x1B8B  }
0xa2: {  	_ =	swait.ge [sflag:s23], $0x1  }
0xa3: {  	[sflag:s23] =	ssyncset.done $0x0  }
0xa4: {  	s25 =	simm.s32 $0x1B8E;
	s24 =	sld [smem:$0x3FFE];
	[sflag:s23] =	ssyncadd.s32 $0xFFFFFFFF  }
0xa5: {  	s26 =	simm.s32 $execute0_lowered;
	[smem:$0x3FD2] =	sst s25  }
0xa6: {  	s4 =	sshll.u32 s26, $0x1;
	_ =	strace $0x80000046;
	[dreg:$0x1] =	wrdreg $0xFFFFFFFF  }
0xa7: {  	s28 =	simm.s32 $_size_execute0_lowered;
	s2 =	sadd.s32 s2, s4;
	[dreg:$0x0] =	wrdreg $0x0  }
0xa8: {  	s4 =	sshll.u32 s28, $0x1;
	[dreg:$0x2] =	wrdreg s2  }
0xa9: {  	[dreg:$0x3] =	wrdreg s4  }
0xaa: {  	[dreg:$0x4] =	wrdreg $0xC0  }
0xab: {  	_ =	task [dreg:s6], $0x5FFFF  }
0xac: {  	[dreg:$0x1] =	wrdreg $0xFFFFFFFF  }
0xad: {  	[dreg:$0x0] =	wrdreg $0x60  }
0xae: {  	[dreg:$0x2] =	wrdreg s24  }
0xaf: {  	[dreg:$0x3] =	wrdreg $0x9  }
0xb0: {  	_ =	task.clear_ibuf [dreg:s6], $0x4FFFF;
	_ =	strace $0x90000046  }
0xb1: {  	s29 =	simm.s32 $0x9;
	_ =	strace $0x80000048  }
0xb2: {  	_ =	swait.ge [sflag:s29], $0x1  }
0xb3: {  	[sflag:s29] =	ssyncadd.s32 $0xFFFFFFFF  }
0xb4: {  	_ =	strace $0x90000048  }
0xb5: {  	_ =	sfence  }
0xb6: {  	s30 =	sld [smem:$0x0];
	_ =	sdelay $0x2  }
0xb7: {  	s31 =	sshll.u32 s1, $0xD;
	s1 =	sshrl.u32 s1, $0x2  }
0xb8: {  	s3 =	sand.u32 $0x4000, s31;
	s1 =	sadd.s32 s1, s30  }
0xb9: {  	s0 =	sor.u32 s3, s0;
	s1 =	sshll.u32 s1, $0x11  }
0xba: {  	s0 =	sor.u32 s1, s0  }
0xbb: {  	s0 =	sadd.s32 $0x8F2B, s0  }
0xbc: {  	[sflag:s0] =	ssyncadd.remote.s32 $0x1  }
0xbd: {  	_ =	sfence.sel $0xFFFF  }
0xbe: {  	[dreg:$0x0] =	wrdreg $0xFFFFFFFF;
	(pc) =	sbr.abs _section_cstart, $3  }
0xbf: {  	[dreg:$0x1] =	wrdreg $0xFFFFFFFF  }
0xc0: {  	_ =	task.clear_ibuf [dreg:s6], $0x2FFFF;
	_ =	strace $0x9FFFFFFF  }
0xc1: {  	(tm) =	ssettm $0x7FFFFFFF  }
tec
execute0_lowered:
.L_overlay_start_1:
0x0: {  	(tag) =	ssettag $0x1  }
0x1: {  	s1 =	srdreg.scid  }
0x2: {  	s0 =	stileid.u32;
	s28 =	sand.u32 $0x1, s1  }
0x3: {  	s31 =	sshll.u32 s0, $0xB;
	s2 =	sshll.u32 s28, $0xA  }
0x4: {  	s15 =	sor.u32 s2, s31  }
0x5: {  	s14 =	rddreg [dreg:$0x0];
	s2 =	simm.s32 $0x0;
	s3 =	sshrl.u32 s15, $0x3  }
0x6: {  	s4 =	simm.s32 $0x3;
	[smem:$0x7FF] =	sst s2;
	s3 =	sadd.s32 s3, s14  }
0x7: {  	s1 =	rddreg [dreg:$0x1];
	_ =	strace $0x80000047;
	s3 =	sadd.s32 $0x43400, s3  }
0x8: {  	[tilespmem:s2], [sflag:$0x3] =	stream.linear.gather [hbm4b:s3+s2], $0x400, $0x38;
	[tilespmem:$0x10400] =	vst v63  }
0x9: {  	_ =	swait.ge [sflag:s4], $0x400  }
0xa: {  	s6 =	simm.s32 $0x80;
	[sflag:s4] =	ssyncset.done $0x0  }
0xb: {  	s7 =	simm.s32 $0x400;
	s5 =	sadd.s32 $0x3400, s14;
	[sflag:s4] =	ssyncadd.s32 $0xFFFFFC00  }
0xc: {  	[tilespmem:s7], [sflag:$0x1] =	stream.indirect.gather [hbm4b:s5+s6], $0x80, s2, s6, $0xb8;
	[tilespmem:$0x10400] =	vst v63  }
0xd: {  	s8 =	simm.s32 $0x4400  }
0xe: {  	[tilespmem:s8], [sflag:$0x1] =	stream.indirect.gather [hbm4b:s5+s6], $0x80, s6, s6, $0xb8;
	[tilespmem:$0x10400] =	vst v63  }
0xf: {  	s9 =	simm.s32 $0x100;
	s10 =	simm.s32 $0x8400  }
0x10: {  	[tilespmem:s10], [sflag:$0x1] =	stream.indirect.gather [hbm4b:s5+s6], $0x80, s9, s6, $0xb8;
	[tilespmem:$0x10400] =	vst v63  }
0x11: {  	s11 =	simm.s32 $0x180;
	s12 =	simm.s32 $0xC400;
	s13 =	simm.s32 $0x1  }
0x12: {  	[tilespmem:s12], [sflag:$0x1] =	stream.indirect.gather [hbm4b:s5+s6], $0x80, s11, s6, $0xb8;
	[tilespmem:$0x10400] =	vst v63  }
0x13: {  	s15 =	sshll.u32 s15, $0x4;
	_ =	swait.ge [sflag:s13], $0x4000  }
0x14: {  	s26 =	sadd.s32 s15, s14;
	[sflag:s13] =	ssyncset.done $0x0  }
0x15: {  	s14 =	sadd.s32 $0x44400, s26;
	[sflag:s13] =	ssyncadd.s32 $0xFFFFC000  }
0x16: {  	[hbm4b:s14+s2] =	stream.linear.scatter [tilespmem:s7], [sflag:$0x2], $0x4000, $0x38;
	[tilespmem:$0x10400] =	vst v63  }
0x17: {  	_ =	swait.ge [sflag:s13], $0x4000  }
0x18: {  	[sflag:s13] =	ssyncset.done $0x0  }
0x19: {  	s15 =	sadd.s32 $0x44C00, s26;
	[sflag:s13] =	ssyncadd.s32 $0xFFFFC000  }
0x1a: {  	[hbm4b:s15+s2] =	stream.linear.scatter [tilespmem:s8], [sflag:$0x2], $0x4000, $0x38;
	[tilespmem:$0x10400] =	vst v63  }
0x1b: {  	_ =	swait.ge [sflag:s13], $0x4000  }
0x1c: {  	[sflag:s13] =	ssyncset.done $0x0  }
0x1d: {  	s16 =	sadd.s32 $0x45400, s26;
	[sflag:s13] =	ssyncadd.s32 $0xFFFFC000  }
0x1e: {  	[hbm4b:s16+s2] =	stream.linear.scatter [tilespmem:s10], [sflag:$0x2], $0x4000, $0x38;
	[tilespmem:$0x10400] =	vst v63  }
0x1f: {  	_ =	swait.ge [sflag:s13], $0x4000  }
0x20: {  	[sflag:s13] =	ssyncset.done $0x0  }
0x21: {  	s17 =	simm.s32 $0x2;
	s18 =	sadd.s32 $0x45C00, s26;
	[sflag:s13] =	ssyncadd.s32 $0xFFFFC000  }
0x22: {  	[hbm4b:s18+s2] =	stream.linear.scatter [tilespmem:s12], [sflag:$0x2], $0x4000, $0x38;
	[tilespmem:$0x10400] =	vst v63  }
0x23: {  	_ =	swait.ge [sflag:s17], $0x4000  }
0x24: {  	[sflag:s17] =	ssyncset.done $0x0  }
0x25: {  	s19 =	simm.s32 $0x200;
	[sflag:s17] =	ssyncadd.s32 $0xFFFFC000  }
0x26: {  	[tilespmem:s7], [sflag:$0x1] =	stream.indirect.gather [hbm4b:s5+s6], $0x80, s19, s6, $0xb8;
	[tilespmem:$0x10400] =	vst v63  }
0x27: {  	_ =	swait.ge [sflag:s17], $0x4000  }
0x28: {  	[sflag:s17] =	ssyncset.done $0x0  }
0x29: {  	s20 =	simm.s32 $0x280;
	[sflag:s17] =	ssyncadd.s32 $0xFFFFC000  }
0x2a: {  	[tilespmem:s8], [sflag:$0x1] =	stream.indirect.gather [hbm4b:s5+s6], $0x80, s20, s6, $0xb8;
	[tilespmem:$0x10400] =	vst v63  }
0x2b: {  	_ =	swait.ge [sflag:s17], $0x4000  }
0x2c: {  	[sflag:s17] =	ssyncset.done $0x0  }
0x2d: {  	s21 =	simm.s32 $0x300;
	[sflag:s17] =	ssyncadd.s32 $0xFFFFC000  }
0x2e: {  	[tilespmem:s10], [sflag:$0x1] =	stream.indirect.gather [hbm4b:s5+s6], $0x80, s21, s6, $0xb8;
	[tilespmem:$0x10400] =	vst v63  }
0x2f: {  	_ =	swait.ge [sflag:s17], $0x4000  }
0x30: {  	[sflag:s17] =	ssyncset.done $0x0  }
0x31: {  	s22 =	simm.s32 $0x380;
	[sflag:s17] =	ssyncadd.s32 $0xFFFFC000  }
0x32: {  	[tilespmem:s12], [sflag:$0x1] =	stream.indirect.gather [hbm4b:s5+s6], $0x80, s22, s6, $0xb8;
	[tilespmem:$0x10400] =	vst v63  }
0x33: {  	_ =	swait.ge [sflag:s13], $0x4000  }
0x34: {  	[sflag:s13] =	ssyncset.done $0x0  }
0x35: {  	s23 =	sadd.s32 $0x46400, s26;
	[sflag:s13] =	ssyncadd.s32 $0xFFFFC000  }
0x36: {  	[hbm4b:s23+s2] =	stream.linear.scatter [tilespmem:s7], [sflag:$0x2], $0x4000, $0x38;
	[tilespmem:$0x10400] =	vst v63  }
0x37: {  	_ =	swait.ge [sflag:s13], $0x4000  }
0x38: {  	[sflag:s13] =	ssyncset.done $0x0  }
0x39: {  	s24 =	sadd.s32 $0x46C00, s26;
	[sflag:s13] =	ssyncadd.s32 $0xFFFFC000  }
0x3a: {  	[hbm4b:s24+s2] =	stream.linear.scatter [tilespmem:s8], [sflag:$0x2], $0x4000, $0x38;
	[tilespmem:$0x10400] =	vst v63  }
0x3b: {  	_ =	swait.ge [sflag:s13], $0x4000  }
0x3c: {  	[sflag:s13] =	ssyncset.done $0x0  }
0x3d: {  	s25 =	sadd.s32 $0x47400, s26;
	[sflag:s13] =	ssyncadd.s32 $0xFFFFC000  }
0x3e: {  	[hbm4b:s25+s2] =	stream.linear.scatter [tilespmem:s10], [sflag:$0x2], $0x4000, $0x38;
	[tilespmem:$0x10400] =	vst v63  }
0x3f: {  	_ =	swait.ge [sflag:s13], $0x4000  }
0x40: {  	[sflag:s13] =	ssyncset.done $0x0  }
0x41: {  	s26 =	sadd.s32 $0x47C00, s26;
	[sflag:s13] =	ssyncadd.s32 $0xFFFFC000  }
0x42: {  	[hbm4b:s26+s2] =	stream.linear.scatter [tilespmem:s12], [sflag:$0x2], $0x4000, $0x38;
	[tilespmem:$0x10400] =	vst v63  }
0x43: {  	_ =	swait.ge [sflag:s17], $0x4000  }
0x44: {  	s28 =	ssub.s32 $0x2, s28;
	[sflag:s17] =	ssyncset.done $0x0  }
0x45: {  	s29 =	sshrl.u32 s28, $0x1;
	[sflag:s17] =	ssyncadd.s32 $0xFFFFC000  }
0x46: {  	s28 =	ssub.s32 s28, s29;
	_ =	swait.ge [sflag:s17], $0x4000  }
0x47: {  	s28 =	smax.u32 s28, $0x1;
	[sflag:s17] =	ssyncset.done $0x0  }
0x48: {  	p0 =	sne.s32 s28, $0x1;
	[sflag:s17] =	ssyncadd.s32 $0xFFFFC000  }
.Ltmp0:
0x49: {  	_ =	swait.ge [sflag:s17], $0x4000;
	(pc) =	sbr.rel @!p0 .LBB2_2-.Ltmp0, $4  }
0x4a: {  	[sflag:s17] =	ssyncset.done $0x0  }
0x4b: {  	[sflag:s17] =	ssyncadd.s32 $0xFFFFC000  }
0x4c: {  	_ =	swait.ge [sflag:s17], $0x4000  }
0x4d: {  	s28 =	sadd.s32 $0xFFFFFFFF, s28;
	[sflag:s17] =	ssyncset.done $0x0  }
.LBB2_1:
0x4e: {  	p0 =	sne.s32 s28, $0x1;
	s28 =	sadd.s32 $0xFFFFFFFF, s28;
	[sflag:s17] =	ssyncadd.s32 $0xFFFFC000  }
0x4f: {  	[tilespmem:s2], [sflag:$0x3] =	stream.linear.gather [hbm4b:s3+s2], $0x400, $0x38;
	[tilespmem:$0x10400] =	vst v63  }
0x50: {  	_ =	swait.ge [sflag:s4], $0x400  }
0x51: {  	[sflag:s4] =	ssyncset.done $0x0  }
0x52: {  	[sflag:s4] =	ssyncadd.s32 $0xFFFFFC00  }
0x53: {  	[tilespmem:s7], [sflag:$0x1] =	stream.indirect.gather [hbm4b:s5+s6], $0x80, s2, s6, $0xb8;
	[tilespmem:$0x10400] =	vst v63  }
0x54: {  	_ = 	snop  }
0x55: {  	[tilespmem:s8], [sflag:$0x1] =	stream.indirect.gather [hbm4b:s5+s6], $0x80, s6, s6, $0xb8;
	[tilespmem:$0x10400] =	vst v63  }
0x56: {  	_ = 	snop  }
0x57: {  	[tilespmem:s10], [sflag:$0x1] =	stream.indirect.gather [hbm4b:s5+s6], $0x80, s9, s6, $0xb8;
	[tilespmem:$0x10400] =	vst v63  }
0x58: {  	_ = 	snop  }
0x59: {  	[tilespmem:s12], [sflag:$0x1] =	stream.indirect.gather [hbm4b:s5+s6], $0x80, s11, s6, $0xb8;
	[tilespmem:$0x10400] =	vst v63  }
0x5a: {  	_ =	swait.ge [sflag:s13], $0x4000  }
0x5b: {  	[sflag:s13] =	ssyncset.done $0x0  }
0x5c: {  	[sflag:s13] =	ssyncadd.s32 $0xFFFFC000  }
0x5d: {  	[hbm4b:s14+s2] =	stream.linear.scatter [tilespmem:s7], [sflag:$0x2], $0x4000, $0x38;
	[tilespmem:$0x10400] =	vst v63  }
0x5e: {  	_ =	swait.ge [sflag:s13], $0x4000  }
0x5f: {  	[sflag:s13] =	ssyncset.done $0x0  }
0x60: {  	[sflag:s13] =	ssyncadd.s32 $0xFFFFC000  }
0x61: {  	[hbm4b:s15+s2] =	stream.linear.scatter [tilespmem:s8], [sflag:$0x2], $0x4000, $0x38;
	[tilespmem:$0x10400] =	vst v63  }
0x62: {  	_ =	swait.ge [sflag:s13], $0x4000  }
0x63: {  	[sflag:s13] =	ssyncset.done $0x0  }
0x64: {  	[sflag:s13] =	ssyncadd.s32 $0xFFFFC000  }
0x65: {  	[hbm4b:s16+s2] =	stream.linear.scatter [tilespmem:s10], [sflag:$0x2], $0x4000, $0x38;
	[tilespmem:$0x10400] =	vst v63  }
0x66: {  	_ =	swait.ge [sflag:s13], $0x4000  }
0x67: {  	[sflag:s13] =	ssyncset.done $0x0  }
0x68: {  	[sflag:s13] =	ssyncadd.s32 $0xFFFFC000  }
0x69: {  	[hbm4b:s18+s2] =	stream.linear.scatter [tilespmem:s12], [sflag:$0x2], $0x4000, $0x38;
	[tilespmem:$0x10400] =	vst v63  }
0x6a: {  	_ =	swait.ge [sflag:s17], $0x4000  }
0x6b: {  	[sflag:s17] =	ssyncset.done $0x0  }
0x6c: {  	[sflag:s17] =	ssyncadd.s32 $0xFFFFC000  }
0x6d: {  	[tilespmem:s7], [sflag:$0x1] =	stream.indirect.gather [hbm4b:s5+s6], $0x80, s19, s6, $0xb8;
	[tilespmem:$0x10400] =	vst v63  }
0x6e: {  	_ =	swait.ge [sflag:s17], $0x4000  }
0x6f: {  	[sflag:s17] =	ssyncset.done $0x0  }
0x70: {  	[sflag:s17] =	ssyncadd.s32 $0xFFFFC000  }
0x71: {  	[tilespmem:s8], [sflag:$0x1] =	stream.indirect.gather [hbm4b:s5+s6], $0x80, s20, s6, $0xb8;
	[tilespmem:$0x10400] =	vst v63  }
0x72: {  	_ =	swait.ge [sflag:s17], $0x4000  }
0x73: {  	[sflag:s17] =	ssyncset.done $0x0  }
0x74: {  	[sflag:s17] =	ssyncadd.s32 $0xFFFFC000  }
0x75: {  	[tilespmem:s10], [sflag:$0x1] =	stream.indirect.gather [hbm4b:s5+s6], $0x80, s21, s6, $0xb8;
	[tilespmem:$0x10400] =	vst v63  }
0x76: {  	_ =	swait.ge [sflag:s17], $0x4000  }
0x77: {  	[sflag:s17] =	ssyncset.done $0x0  }
0x78: {  	[sflag:s17] =	ssyncadd.s32 $0xFFFFC000  }
0x79: {  	[tilespmem:s12], [sflag:$0x1] =	stream.indirect.gather [hbm4b:s5+s6], $0x80, s22, s6, $0xb8;
	[tilespmem:$0x10400] =	vst v63  }
0x7a: {  	_ =	swait.ge [sflag:s13], $0x4000  }
0x7b: {  	[sflag:s13] =	ssyncset.done $0x0  }
0x7c: {  	[sflag:s13] =	ssyncadd.s32 $0xFFFFC000  }
0x7d: {  	[hbm4b:s23+s2] =	stream.linear.scatter [tilespmem:s7], [sflag:$0x2], $0x4000, $0x38;
	[tilespmem:$0x10400] =	vst v63  }
0x7e: {  	_ =	swait.ge [sflag:s13], $0x4000  }
0x7f: {  	[sflag:s13] =	ssyncset.done $0x0  }
0x80: {  	[sflag:s13] =	ssyncadd.s32 $0xFFFFC000  }
0x81: {  	[hbm4b:s24+s2] =	stream.linear.scatter [tilespmem:s8], [sflag:$0x2], $0x4000, $0x38;
	[tilespmem:$0x10400] =	vst v63  }
0x82: {  	_ =	swait.ge [sflag:s13], $0x4000  }
0x83: {  	[sflag:s13] =	ssyncset.done $0x0  }
0x84: {  	[sflag:s13] =	ssyncadd.s32 $0xFFFFC000  }
0x85: {  	[hbm4b:s25+s2] =	stream.linear.scatter [tilespmem:s10], [sflag:$0x2], $0x4000, $0x38;
	[tilespmem:$0x10400] =	vst v63  }
0x86: {  	_ =	swait.ge [sflag:s13], $0x4000  }
0x87: {  	[sflag:s13] =	ssyncset.done $0x0  }
0x88: {  	[sflag:s13] =	ssyncadd.s32 $0xFFFFC000  }
0x89: {  	[hbm4b:s26+s2] =	stream.linear.scatter [tilespmem:s12], [sflag:$0x2], $0x4000, $0x38;
	[tilespmem:$0x10400] =	vst v63  }
0x8a: {  	_ =	swait.ge [sflag:s17], $0x4000  }
0x8b: {  	[sflag:s17] =	ssyncset.done $0x0  }
0x8c: {  	[sflag:s17] =	ssyncadd.s32 $0xFFFFC000  }
0x8d: {  	_ =	swait.ge [sflag:s17], $0x4000  }
0x8e: {  	[sflag:s17] =	ssyncset.done $0x0  }
0x8f: {  	[sflag:s17] =	ssyncadd.s32 $0xFFFFC000  }
.Ltmp1:
0x90: {  	_ =	swait.ge [sflag:s17], $0x4000;
	(pc) =	sbr.rel @p0 .LBB2_1-.Ltmp1, $4  }
0x91: {  	[sflag:s17] =	ssyncset.done $0x0  }
0x92: {  	[sflag:s17] =	ssyncadd.s32 $0xFFFFC000  }
0x93: {  	_ =	swait.ge [sflag:s17], $0x4000  }
0x94: {  	[sflag:s17] =	ssyncset.done $0x0  }
.LBB2_2:
0x95: {  	[sflag:s17] =	ssyncadd.s32 $0xFFFFC000  }
0x96: {  	_ =	sfence.sel $0x180000  }
0x97: {  	[bflag:$0x0] =	sbarrier.arrive $0xFFFF  }
0x98: {  	p0 =	sne.s32 s0, $0x0;
	_ =	strace $0x90000047  }
0x99: {  	s0 =	sadd.s32 @!p0 $0x100000, s1;
	[bflag:$0x2] =	sbarrier.arrive $0xFFFF  }
0x9a: {  	[sflag:s0] =	ssyncadd.tile.s32 @!p0 $0x1;
	_ =	shalt  }
.Lfunc_end2:
_tile_overlayer_lowered:
.L_overlay_start_2:
0x9b: {  	(tag) =	ssettag $0x2  }
0x9c: {  	s0 =	rddreg [dreg:$0x0];
	s2 =	stileid.u32  }
0x9d: {  	s1 =	rddreg [dreg:$0x1];
	p0 =	sne.s32 s2, $0x0  }
0x9e: {  	s3 =	rddreg [dreg:$0x2];
	[bflag:$0x3] =	sbarrier.arrive $0xFFFF;
	s2 =	simm.s32 @!p0 $0x1C03  }
0x9f: {  	[timem:s3], [sflag:s2] =	dma.local @!p0 [hbm:s0], s1  }
0xa0: {  	s0 =	simm.s32 @!p0 $0x3  }
0xa1: {  	_ =	swait.ge @!p0 [sflag:s0], s1  }
0xa2: {  	s1 =	ssub.s32 @!p0 $0x0, s1;
	[sflag:s0] =	ssyncset.done @!p0 $0x0  }
0xa3: {  	[sflag:s0] =	ssyncadd.s32 @!p0 s1  }
0xa4: {  	[bflag:$0x3] =	sbarrier.arrive $0xFFFF  }
0xa5: {  	_ =	shalt  }

// kernel: kernel.13.cloned.1.call-start
scs
__scs_entry_jumppad:
0x0: {  	(pc) =	sbr.rel $0x88, $3  }
0x1: {  	(tag) =	ssettag $0x0;
	lr =	simm.s32 $0x1  }
0x2: {  	[smem:$0x3F8A] =	sst lr;
	_ =	strace $0xD0000000  }
0x3: {  	_ = 	snop  }
0x4: {  	_ = 	snop  }
0x5: {  	_ = 	snop  }
0x6: {  	_ = 	snop  }
0x7: {  	_ = 	snop  }
__scs_overlays_trampoline_lowered:
0x8: {  	[smem:$0x3F99] =	sst s0  }
0x9: {  	[smem:$0x3F9A] =	sst s1  }
0xa: {  	[smem:$0x3F9B] =	sst s2  }
0xb: {  	[smem:$0x3F9C] =	sst s3  }
0xc: {  	[smem:$0x3F9D] =	sst s4  }
0xd: {  	[smem:$0x3F9E] =	sst s5  }
0xe: {  	[smem:$0x3F9F] =	sst s6  }
0xf: {  	[smem:$0x3FA0] =	sst s7  }
0x10: {  	[smem:$0x3FA1] =	sst s8  }
0x11: {  	[smem:$0x3FA2] =	sst s9;
	s0 =	simm.s32 @!p0 $0x0  }
0x12: {  	s1 =	sld [smem:$0x3F88];
	s0 =	simm.s32 @p0 $0x1  }
0x13: {  	[smem:$0x3FA3] =	sst s0;
	s0 =	simm.s32 @!p1 $0x0  }
0x14: {  	s2 =	sld [smem:$0x3F87];
	s0 =	simm.s32 @p1 $0x1  }
0x15: {  	[smem:$0x3FA4] =	sst s0;
	s0 =	simm.s32 @!p2 $0x0  }
0x16: {  	s3 =	sld [smem:$0x3FDB];
	s0 =	simm.s32 @p2 $0x1  }
0x17: {  	s4 =	simm.s32 $0x1BF5;
	[smem:$0x3FA6] =	sst s0  }
0x18: {  	s0 =	sld [smem:$0x3F89];
	_ =	swait.ge [sflag:s4], $0x0  }
0x19: {  	s7 =	sld [smem:$0x3F8A]  }
0x1a: {  	s8 =	sadd.s32 $0xFFFFE003, lr  }
0x1b: {  	s9 =	sadd.s32 $0xFFFFFEF7, lr;
	s5 =	simm.s32 $0xFFFFFFFF;
	p2 =	slt.u32 s8, $0xFFFFF086  }
0x1c: {  	p1 =	slt.u32 s9, $0xF7A;
	s5 =	simm.s32 @!p2 $0x0  }
0x1d: {  	s5 =	simm.s32 @p1 $0x1;
	p0 =	seq.s32 s7, s2  }
0x1e: {  	s7 =	smul.u32 @!p0 $0xF7A, s2;
	p2 =	seq.s32 @!p0 s5, $0x0  }
0x1f: {  	s9 =	smul.u32 $0xF7A, s1;
	s8 =	simm.s32 @!p0 $0x1BF5;
	p2 =	por !p2, p0  }
0x20: {  	[sflag:s8] =	ssyncset.s32 @!p0 $0xFFFFF086;
	s6 =	sadd.s32 @!p0 s3, s7;
	s7 =	simm.s32 @!p0 $0x108  }
0x21: {  	s3 =	sadd.s32 s3, s9;
	s6 =	sadd.s32 @!p0 $0x88, s6;
	s7 =	simm.s32 @p2 $0x1082  }
0x22: {  	[simem:s7], [sflag:s8] =	dma.local @!p0 [hbm:s6], $0xF7A  }
0x23: {  	s9 =	sor.u32 $0xD0000000, s2;
	s6 =	simm.s32 $0x108;
	_ =	swait.ge @!p0 [sflag:s8], $0x0  }
0x24: {  	s3 =	sadd.s32 $0x88, s3;
	s6 =	simm.s32 @!p1 $0x1082;
	[sflag:s4] =	ssyncset.s32 $0xFFFFF086  }
0x25: {  	[simem:s6], [sflag:s4] =	dma.local [hbm:s3], $0xF7A  }
0x26: {  	[smem:$0x3F8A] =	sst s1;
	(tag) =	ssettag s2;
	_ =	strace s9  }
0x27: {  	s1 =	sld [smem:$0x3F9A]  }
0x28: {  	s2 =	sld [smem:$0x3F9B]  }
0x29: {  	s4 =	sld [smem:$0x3F9D]  }
0x2a: {  	p0 =	seq.s32 s5, $0x0;
	s5 =	sld [smem:$0x3F9E]  }
0x2b: {  	s6 =	sld [smem:$0x3F9F]  }
0x2c: {  	s7 =	sld [smem:$0x3FA0]  }
0x2d: {  	s3 =	simm.s32 $0x108;
	s8 =	sld [smem:$0x3FA1]  }
0x2e: {  	s3 =	simm.s32 @!p0 $0x1082;
	s9 =	sld [smem:$0x3FA2]  }
0x2f: {  	lr =	sadd.s32 s0, s3;
	s0 =	sld [smem:$0x3F99]  }
0x30: {  	s3 =	sld [smem:$0x3F9C]  }
0x31: {  	[smem:$0x3FA5] =	sst s10  }
0x32: {  	s10 =	sld [smem:$0x3FA3];
	_ =	sdelay $0x3  }
0x33: {  	p0 =	seq.s32 s10, $0x1;
	s10 =	sld [smem:$0x3FA5];
	_ =	sdelay $0x3  }
0x34: {  	[smem:$0x3FA5] =	sst s10  }
0x35: {  	s10 =	sld [smem:$0x3FA4];
	_ =	sdelay $0x3  }
0x36: {  	p1 =	seq.s32 s10, $0x1;
	s10 =	sld [smem:$0x3FA5];
	_ =	sdelay $0x3  }
0x37: {  	[smem:$0x3FA5] =	sst s10  }
0x38: {  	s10 =	sld [smem:$0x3FA6]  }
0x39: {  	_ = 	snop;
	(pc) =	sbr.ind lr, $3  }
0x3a: {  	_ = 	snop  }
0x3b: {  	_ = 	snop  }
0x3c: {  	p2 =	seq.s32 s10, $0x1;
	s10 =	sld [smem:$0x3FA5]  }
0x3d: {  	_ =	shalt  }
0x3e: {  	_ =	shalt  }
0x3f: {  	_ =	shalt  }
0x40: {  	_ =	shalt  }
0x41: {  	_ =	shalt  }
0x42: {  	_ =	shalt  }
0x43: {  	_ =	shalt  }
0x44: {  	_ =	shalt  }
0x45: {  	_ =	shalt  }
0x46: {  	_ =	shalt  }
0x47: {  	_ =	shalt  }
0x48: {  	_ =	shalt  }
0x49: {  	_ =	shalt  }
0x4a: {  	_ =	shalt  }
0x4b: {  	_ =	shalt  }
0x4c: {  	_ =	shalt  }
0x4d: {  	_ =	shalt  }
0x4e: {  	_ =	shalt  }
0x4f: {  	_ =	shalt  }
0x50: {  	_ =	shalt  }
0x51: {  	_ =	shalt  }
0x52: {  	_ =	shalt  }
0x53: {  	_ =	shalt  }
0x54: {  	_ =	shalt  }
0x55: {  	_ =	shalt  }
0x56: {  	_ =	shalt  }
0x57: {  	_ =	shalt  }
0x58: {  	_ =	shalt  }
0x59: {  	_ =	shalt  }
0x5a: {  	_ =	shalt  }
0x5b: {  	_ =	shalt  }
0x5c: {  	_ =	shalt  }
0x5d: {  	_ =	shalt  }
0x5e: {  	_ =	shalt  }
0x5f: {  	_ =	shalt  }
0x60: {  	_ =	shalt  }
0x61: {  	_ =	shalt  }
0x62: {  	_ =	shalt  }
0x63: {  	_ =	shalt  }
0x64: {  	_ =	shalt  }
0x65: {  	_ =	shalt  }
0x66: {  	_ =	shalt  }
0x67: {  	_ =	shalt  }
0x68: {  	_ =	shalt  }
0x69: {  	_ =	shalt  }
0x6a: {  	_ =	shalt  }
0x6b: {  	_ =	shalt  }
0x6c: {  	_ =	shalt  }
0x6d: {  	_ =	shalt  }
0x6e: {  	_ =	shalt  }
0x6f: {  	_ =	shalt  }
0x70: {  	_ =	shalt  }
0x71: {  	_ =	shalt  }
0x72: {  	_ =	shalt  }
0x73: {  	_ =	shalt  }
0x74: {  	_ =	shalt  }
0x75: {  	_ =	shalt  }
0x76: {  	_ =	shalt  }
0x77: {  	_ =	shalt  }
0x78: {  	_ =	shalt  }
0x79: {  	_ =	shalt  }
0x7a: {  	_ =	shalt  }
0x7b: {  	_ =	shalt  }
0x7c: {  	_ =	shalt  }
0x7d: {  	_ =	shalt  }
0x7e: {  	_ =	shalt  }
0x7f: {  	_ =	shalt  }
0x80: {  	_ =	shalt  }
0x81: {  	_ =	shalt  }
0x82: {  	_ =	shalt  }
0x83: {  	_ =	shalt  }
0x84: {  	_ =	shalt  }
0x85: {  	_ =	shalt  }
0x86: {  	_ =	shalt  }
0x87: {  	_ =	shalt  }
.Lfunc_end0:
.L_simem_size_0:
called_computation.1_lowered:
.L_overlay_start_0:
0x88: {  	s2 =	sld [smem:$0x3FD9]  }
0x89: {  	s3 =	sld [smem:$0x3FFE];
	_ =	sdelay $0x1  }
0x8a: {  	s1 =	srdreg.scid  }
0x8b: {  	s0 =	sand.u32 $0x1, s1  }
0x8c: {  	s17 =	sshll.u32 s0, $0xA;
	s2 =	sadd.s32 s3, s2  }
0x8d: {  	s2 =	sadd.s32 s2, s17  }
0x8e: {  	[smem:$0x3FB1] =	sst s2  }
0x8f: {  	_ = 	snop  }
0x90: {  	s18 =	sld [smem:$0x3FD0];
	(tm) =	ssettm $0x1  }
0x91: {  	s19 =	sld [smem:$0x3FFB];
	_ =	sdelay $0x3  }
0x92: {  	_ =	strace s19  }
0x93: {  	s2 =	sld [smem:$0x3FFC];
	_ =	sdelay $0x3  }
0x94: {  	_ =	strace s2  }
0x95: {  	s2 =	sld [smem:$0x3FFD];
	_ =	sdelay $0x3  }
0x96: {  	_ =	strace s2  }
0x97: {  	_ =	strace $0x8FFFFFFF  }
0x98: {  	s20 =	sld [smem:$0x3FDB];
	_ =	sdelay $0x1  }
0x99: {  	s4 =	simm.s32 $_scs_section_size  }
0x9a: {  	s5 =	simm.s32 $_size__tile_overlayer_lowered;
	s6 =	simm.s32 $_tile_overlayer_lowered  }
0x9b: {  	s7 =	simm.s32 $0x1BFF;
	s21 =	sshll.u32 s6, $0x1;
	s4 =	sadd.s32 s4, s20  }
0x9c: {  	s22 =	simm.s32 $0x0;
	s5 =	sshll.u32 s5, $0x1;
	s6 =	sadd.s32 s21, s4  }
0x9d: {  	[timem:s22], [sflag:s7] =	dma.local [hbm:s6], s5  }
0x9e: {  	_ =	swait.ge [sflag:s7], s5  }
0x9f: {  	s5 =	ssub.s32 $0x0, s5;
	[sflag:s7] =	ssyncset.done $0x0  }
0xa0: {  	[sflag:s7] =	ssyncadd.s32 s5;
	_ =	sdelay $0x1  }
0xa1: {  	s23 =	simm.s32 $0x1B8B  }
0xa2: {  	_ =	swait.ge [sflag:s23], $0x1  }
0xa3: {  	[sflag:s23] =	ssyncset.done $0x0  }
0xa4: {  	[sflag:s23] =	ssyncadd.s32 $0xFFFFFFFF  }
0xa5: {  	s5 =	sld [smem:$0x0]  }
0xa6: {  	s6 =	sand.u32 $0xFFFFFFFE, s1  }
0xa7: {  	p0 =	sne.s32 s1, s6  }
0xa8: {  	s6 =	sshll.u32 @p0 s6, $0xE  }
0xa9: {  	s6 =	sadd.s32 @p0 $0x11B8D, s6;
	s7 =	sshll.u32 @p0 s5, $0x11  }
0xaa: {  	s6 =	sor.u32 @p0 s7, s6  }
0xab: {  	[sflag:s6] =	ssyncadd.remote.s32 @p0 $0x1;
	_ =	sdelay $0x1  }
0xac: {  	s6 =	simm.s32 @p0 $0x1B8D  }
0xad: {  	_ =	swait.eq @p0 [sflag:s6], $0x1  }
0xae: {  	[sflag:s6] =	ssyncadd.s32 @p0 $0xFFFFFFFF  }
0xaf: {  	s7 =	sshll.u32 @!p0 s1, $0xE  }
0xb0: {  	s7 =	sor.u32 @!p0 $0x4000, s7;
	s6 =	simm.s32 @!p0 $0x1B8D  }
0xb1: {  	s5 =	sshll.u32 @!p0 s5, $0x11;
	s7 =	sadd.s32 @!p0 $0x11B8D, s7;
	_ =	swait.eq @!p0 [sflag:s6], $0x1  }
0xb2: {  	s5 =	sor.u32 @!p0 s5, s7;
	[sflag:s6] =	ssyncadd.s32 @!p0 $0xFFFFFFFF  }
0xb3: {  	s25 =	simm.s32 $0x1B8E;
	s24 =	sld [smem:$0x3FFE];
	[sflag:s5] =	ssyncadd.remote.s32 @!p0 $0x1  }
0xb4: {  	s26 =	simm.s32 $execute0_lowered;
	[smem:$0x3FD2] =	sst s25  }
0xb5: {  	s6 =	sshll.u32 s26, $0x1;
	_ =	strace $0x80000049;
	[dreg:$0x1] =	wrdreg $0xFFFFFFFF  }
0xb6: {  	s28 =	simm.s32 $_size_execute0_lowered;
	s4 =	sadd.s32 s4, s6;
	[dreg:$0x0] =	wrdreg $0x0  }
0xb7: {  	s6 =	sshll.u32 s28, $0x1;
	[dreg:$0x2] =	wrdreg s4  }
0xb8: {  	[dreg:$0x3] =	wrdreg s6  }
0xb9: {  	[dreg:$0x4] =	wrdreg $0xC0  }
0xba: {  	_ =	task [dreg:s22], $0x5FFFF  }
0xbb: {  	[dreg:$0x1] =	wrdreg $0xFFFFFFFF  }
0xbc: {  	[dreg:$0x0] =	wrdreg $0x60  }
0xbd: {  	[dreg:$0x2] =	wrdreg s24  }
0xbe: {  	[dreg:$0x3] =	wrdreg s18  }
0xbf: {  	[dreg:$0x4] =	wrdreg $0xA  }
0xc0: {  	_ =	task.clear_ibuf [dreg:s22], $0x5FFFF;
	_ =	strace $0x90000049  }
0xc1: {  	s29 =	simm.s32 $0xA;
	_ =	strace $0x8000004B  }
0xc2: {  	_ =	swait.ge [sflag:s29], $0x1  }
0xc3: {  	[sflag:s29] =	ssyncadd.s32 $0xFFFFFFFF  }
0xc4: {  	_ =	strace $0x9000004B  }
0xc5: {  	_ =	sfence  }
0xc6: {  	s30 =	sld [smem:$0x0];
	_ =	sdelay $0x2  }
0xc7: {  	s31 =	sshll.u32 s1, $0xD;
	s1 =	sshrl.u32 s1, $0x2  }
0xc8: {  	s4 =	sand.u32 $0x4000, s31;
	s1 =	sadd.s32 s1, s30  }
0xc9: {  	s0 =	sor.u32 s4, s0;
	s1 =	sshll.u32 s1, $0x11  }
0xca: {  	s0 =	sor.u32 s1, s0  }
0xcb: {  	s0 =	sadd.s32 $0x8F2B, s0  }
0xcc: {  	[sflag:s0] =	ssyncadd.remote.s32 $0x1  }
0xcd: {  	_ =	sfence.sel $0xFFFF  }
0xce: {  	[dreg:$0x0] =	wrdreg $0xFFFFFFFF;
	(pc) =	sbr.abs _section_cstart, $3  }
0xcf: {  	[dreg:$0x1] =	wrdreg $0xFFFFFFFF  }
0xd0: {  	_ =	task.clear_ibuf [dreg:s22], $0x2FFFF;
	_ =	strace $0x9FFFFFFF  }
0xd1: {  	(tm) =	ssettm $0x7FFFFFFF  }
tec
execute0_lowered:
.L_overlay_start_1:
0x0: {  	(tag) =	ssettag $0x1  }
0x1: {  	s1 =	srdreg.scid  }
0x2: {  	s14 =	rddreg [dreg:$0x0];
	s0 =	stileid.u32;
	s28 =	sand.u32 $0x1, s1  }
0x3: {  	s3 =	rddreg [dreg:$0x1];
	s4 =	sshll.u32 s0, $0xB;
	s5 =	sshll.u32 s28, $0xA  }
0x4: {  	s2 =	simm.s32 $0x0;
	s1 =	rddreg [dreg:$0x2];
	s15 =	sor.u32 s5, s4  }
0x5: {  	[smem:$0x7FF] =	sst s2;
	s4 =	sshrl.u32 s15, $0x3  }
0x6: {  	_ =	strace $0x8000004A;
	s3 =	sadd.s32 s3, s4;
	s4 =	simm.s32 $0x3  }
0x7: {  	[tilespmem:s2], [sflag:$0x3] =	stream.linear.gather [hbm4b:s3+s2], $0x400, $0x38;
	[tilespmem:$0x10400] =	vst v63  }
0x8: {  	_ =	swait.ge [sflag:s4], $0x400  }
0x9: {  	s6 =	simm.s32 $0x80;
	[sflag:s4] =	ssyncset.done $0x0  }
0xa: {  	s7 =	simm.s32 $0x400;
	s5 =	sadd.s32 $0x3400, s14;
	[sflag:s4] =	ssyncadd.s32 $0xFFFFFC00  }
0xb: {  	[tilespmem:s7], [sflag:$0x1] =	stream.indirect.gather [hbm4b:s5+s6], $0x80, s2, s6, $0xb8;
	[tilespmem:$0x10400] =	vst v63  }
0xc: {  	s8 =	simm.s32 $0x4400  }
0xd: {  	[tilespmem:s8], [sflag:$0x1] =	stream.indirect.gather [hbm4b:s5+s6], $0x80, s6, s6, $0xb8;
	[tilespmem:$0x10400] =	vst v63  }
0xe: {  	s9 =	simm.s32 $0x100;
	s10 =	simm.s32 $0x8400  }
0xf: {  	[tilespmem:s10], [sflag:$0x1] =	stream.indirect.gather [hbm4b:s5+s6], $0x80, s9, s6, $0xb8;
	[tilespmem:$0x10400] =	vst v63  }
0x10: {  	s11 =	simm.s32 $0x180;
	s12 =	simm.s32 $0xC400;
	s13 =	simm.s32 $0x1  }
0x11: {  	[tilespmem:s12], [sflag:$0x1] =	stream.indirect.gather [hbm4b:s5+s6], $0x80, s11, s6, $0xb8;
	[tilespmem:$0x10400] =	vst v63  }
0x12: {  	s15 =	sshll.u32 s15, $0x4;
	_ =	swait.ge [sflag:s13], $0x4000  }
0x13: {  	s26 =	sadd.s32 s15, s14;
	[sflag:s13] =	ssyncset.done $0x0  }
0x14: {  	s14 =	sadd.s32 $0xC4400, s26;
	[sflag:s13] =	ssyncadd.s32 $0xFFFFC000  }
0x15: {  	[hbm4b:s14+s2] =	stream.linear.scatter [tilespmem:s7], [sflag:$0x2], $0x4000, $0x38;
	[tilespmem:$0x10400] =	vst v63  }
0x16: {  	_ =	swait.ge [sflag:s13], $0x4000  }
0x17: {  	[sflag:s13] =	ssyncset.done $0x0  }
0x18: {  	s15 =	sadd.s32 $0xC4C00, s26;
	[sflag:s13] =	ssyncadd.s32 $0xFFFFC000  }
0x19: {  	[hbm4b:s15+s2] =	stream.linear.scatter [tilespmem:s8], [sflag:$0x2], $0x4000, $0x38;
	[tilespmem:$0x10400] =	vst v63  }
0x1a: {  	_ =	swait.ge [sflag:s13], $0x4000  }
0x1b: {  	[sflag:s13] =	ssyncset.done $0x0  }
0x1c: {  	s16 =	sadd.s32 $0xC5400, s26;
	[sflag:s13] =	ssyncadd.s32 $0xFFFFC000  }
0x1d: {  	[hbm4b:s16+s2] =	stream.linear.scatter [tilespmem:s10], [sflag:$0x2], $0x4000, $0x38;
	[tilespmem:$0x10400] =	vst v63  }
0x1e: {  	_ =	swait.ge [sflag:s13], $0x4000  }
0x1f: {  	[sflag:s13] =	ssyncset.done $0x0  }
0x20: {  	s17 =	simm.s32 $0x2;
	s18 =	sadd.s32 $0xC5C00, s26;
	[sflag:s13] =	ssyncadd.s32 $0xFFFFC000  }
0x21: {  	[hbm4b:s18+s2] =	stream.linear.scatter [tilespmem:s12], [sflag:$0x2], $0x4000, $0x38;
	[tilespmem:$0x10400] =	vst v63  }
0x22: {  	_ =	swait.ge [sflag:s17], $0x4000  }
0x23: {  	[sflag:s17] =	ssyncset.done $0x0  }
0x24: {  	s19 =	simm.s32 $0x200;
	[sflag:s17] =	ssyncadd.s32 $0xFFFFC000  }
0x25: {  	[tilespmem:s7], [sflag:$0x1] =	stream.indirect.gather [hbm4b:s5+s6], $0x80, s19, s6, $0xb8;
	[tilespmem:$0x10400] =	vst v63  }
0x26: {  	_ =	swait.ge [sflag:s17], $0x4000  }
0x27: {  	[sflag:s17] =	ssyncset.done $0x0  }
0x28: {  	s20 =	simm.s32 $0x280;
	[sflag:s17] =	ssyncadd.s32 $0xFFFFC000  }
0x29: {  	[tilespmem:s8], [sflag:$0x1] =	stream.indirect.gather [hbm4b:s5+s6], $0x80, s20, s6, $0xb8;
	[tilespmem:$0x10400] =	vst v63  }
0x2a: {  	_ =	swait.ge [sflag:s17], $0x4000  }
0x2b: {  	[sflag:s17] =	ssyncset.done $0x0  }
0x2c: {  	s21 =	simm.s32 $0x300;
	[sflag:s17] =	ssyncadd.s32 $0xFFFFC000  }
0x2d: {  	[tilespmem:s10], [sflag:$0x1] =	stream.indirect.gather [hbm4b:s5+s6], $0x80, s21, s6, $0xb8;
	[tilespmem:$0x10400] =	vst v63  }
0x2e: {  	_ =	swait.ge [sflag:s17], $0x4000  }
0x2f: {  	[sflag:s17] =	ssyncset.done $0x0  }
0x30: {  	s22 =	simm.s32 $0x380;
	[sflag:s17] =	ssyncadd.s32 $0xFFFFC000  }
0x31: {  	[tilespmem:s12], [sflag:$0x1] =	stream.indirect.gather [hbm4b:s5+s6], $0x80, s22, s6, $0xb8;
	[tilespmem:$0x10400] =	vst v63  }
0x32: {  	_ =	swait.ge [sflag:s13], $0x4000  }
0x33: {  	[sflag:s13] =	ssyncset.done $0x0  }
0x34: {  	s23 =	sadd.s32 $0xC6400, s26;
	[sflag:s13] =	ssyncadd.s32 $0xFFFFC000  }
0x35: {  	[hbm4b:s23+s2] =	stream.linear.scatter [tilespmem:s7], [sflag:$0x2], $0x4000, $0x38;
	[tilespmem:$0x10400] =	vst v63  }
0x36: {  	_ =	swait.ge [sflag:s13], $0x4000  }
0x37: {  	[sflag:s13] =	ssyncset.done $0x0  }
0x38: {  	s24 =	sadd.s32 $0xC6C00, s26;
	[sflag:s13] =	ssyncadd.s32 $0xFFFFC000  }
0x39: {  	[hbm4b:s24+s2] =	stream.linear.scatter [tilespmem:s8], [sflag:$0x2], $0x4000, $0x38;
	[tilespmem:$0x10400] =	vst v63  }
0x3a: {  	_ =	swait.ge [sflag:s13], $0x4000  }
0x3b: {  	[sflag:s13] =	ssyncset.done $0x0  }
0x3c: {  	s25 =	sadd.s32 $0xC7400, s26;
	[sflag:s13] =	ssyncadd.s32 $0xFFFFC000  }
0x3d: {  	[hbm4b:s25+s2] =	stream.linear.scatter [tilespmem:s10], [sflag:$0x2], $0x4000, $0x38;
	[tilespmem:$0x10400] =	vst v63  }
0x3e: {  	_ =	swait.ge [sflag:s13], $0x4000  }
0x3f: {  	[sflag:s13] =	ssyncset.done $0x0  }
0x40: {  	s26 =	sadd.s32 $0xC7C00, s26;
	[sflag:s13] =	ssyncadd.s32 $0xFFFFC000  }
0x41: {  	[hbm4b:s26+s2] =	stream.linear.scatter [tilespmem:s12], [sflag:$0x2], $0x4000, $0x38;
	[tilespmem:$0x10400] =	vst v63  }
0x42: {  	_ =	swait.ge [sflag:s17], $0x4000  }
0x43: {  	s28 =	ssub.s32 $0x2, s28;
	[sflag:s17] =	ssyncset.done $0x0  }
0x44: {  	s29 =	sshrl.u32 s28, $0x1;
	[sflag:s17] =	ssyncadd.s32 $0xFFFFC000  }
0x45: {  	s28 =	ssub.s32 s28, s29;
	_ =	swait.ge [sflag:s17], $0x4000  }
0x46: {  	s28 =	smax.u32 s28, $0x1;
	[sflag:s17] =	ssyncset.done $0x0  }
0x47: {  	p0 =	sne.s32 s28, $0x1;
	[sflag:s17] =	ssyncadd.s32 $0xFFFFC000  }
.Ltmp0:
0x48: {  	_ =	swait.ge [sflag:s17], $0x4000;
	(pc) =	sbr.rel @!p0 .LBB2_2-.Ltmp0, $4  }
0x49: {  	[sflag:s17] =	ssyncset.done $0x0  }
0x4a: {  	[sflag:s17] =	ssyncadd.s32 $0xFFFFC000  }
0x4b: {  	_ =	swait.ge [sflag:s17], $0x4000  }
0x4c: {  	s28 =	sadd.s32 $0xFFFFFFFF, s28;
	[sflag:s17] =	ssyncset.done $0x0  }
.LBB2_1:
0x4d: {  	p0 =	sne.s32 s28, $0x1;
	s28 =	sadd.s32 $0xFFFFFFFF, s28;
	[sflag:s17] =	ssyncadd.s32 $0xFFFFC000  }
0x4e: {  	[tilespmem:s2], [sflag:$0x3] =	stream.linear.gather [hbm4b:s3+s2], $0x400, $0x38;
	[tilespmem:$0x10400] =	vst v63  }
0x4f: {  	_ =	swait.ge [sflag:s4], $0x400  }
0x50: {  	[sflag:s4] =	ssyncset.done $0x0  }
0x51: {  	[sflag:s4] =	ssyncadd.s32 $0xFFFFFC00  }
0x52: {  	[tilespmem:s7], [sflag:$0x1] =	stream.indirect.gather [hbm4b:s5+s6], $0x80, s2, s6, $0xb8;
	[tilespmem:$0x10400] =	vst v63  }
0x53: {  	_ = 	snop  }
0x54: {  	[tilespmem:s8], [sflag:$0x1] =	stream.indirect.gather [hbm4b:s5+s6], $0x80, s6, s6, $0xb8;
	[tilespmem:$0x10400] =	vst v63  }
0x55: {  	_ = 	snop  }
0x56: {  	[tilespmem:s10], [sflag:$0x1] =	stream.indirect.gather [hbm4b:s5+s6], $0x80, s9, s6, $0xb8;
	[tilespmem:$0x10400] =	vst v63  }
0x57: {  	_ = 	snop  }
0x58: {  	[tilespmem:s12], [sflag:$0x1] =	stream.indirect.gather [hbm4b:s5+s6], $0x80, s11, s6, $0xb8;
	[tilespmem:$0x10400] =	vst v63  }
0x59: {  	_ =	swait.ge [sflag:s13], $0x4000  }
0x5a: {  	[sflag:s13] =	ssyncset.done $0x0  }
0x5b: {  	[sflag:s13] =	ssyncadd.s32 $0xFFFFC000  }
0x5c: {  	[hbm4b:s14+s2] =	stream.linear.scatter [tilespmem:s7], [sflag:$0x2], $0x4000, $0x38;
	[tilespmem:$0x10400] =	vst v63  }
0x5d: {  	_ =	swait.ge [sflag:s13], $0x4000  }
0x5e: {  	[sflag:s13] =	ssyncset.done $0x0  }
0x5f: {  	[sflag:s13] =	ssyncadd.s32 $0xFFFFC000  }
0x60: {  	[hbm4b:s15+s2] =	stream.linear.scatter [tilespmem:s8], [sflag:$0x2], $0x4000, $0x38;
	[tilespmem:$0x10400] =	vst v63  }
0x61: {  	_ =	swait.ge [sflag:s13], $0x4000  }
0x62: {  	[sflag:s13] =	ssyncset.done $0x0  }
0x63: {  	[sflag:s13] =	ssyncadd.s32 $0xFFFFC000  }
0x64: {  	[hbm4b:s16+s2] =	stream.linear.scatter [tilespmem:s10], [sflag:$0x2], $0x4000, $0x38;
	[tilespmem:$0x10400] =	vst v63  }
0x65: {  	_ =	swait.ge [sflag:s13], $0x4000  }
0x66: {  	[sflag:s13] =	ssyncset.done $0x0  }
0x67: {  	[sflag:s13] =	ssyncadd.s32 $0xFFFFC000  }
0x68: {  	[hbm4b:s18+s2] =	stream.linear.scatter [tilespmem:s12], [sflag:$0x2], $0x4000, $0x38;
	[tilespmem:$0x10400] =	vst v63  }
0x69: {  	_ =	swait.ge [sflag:s17], $0x4000  }
0x6a: {  	[sflag:s17] =	ssyncset.done $0x0  }
0x6b: {  	[sflag:s17] =	ssyncadd.s32 $0xFFFFC000  }
0x6c: {  	[tilespmem:s7], [sflag:$0x1] =	stream.indirect.gather [hbm4b:s5+s6], $0x80, s19, s6, $0xb8;
	[tilespmem:$0x10400] =	vst v63  }
0x6d: {  	_ =	swait.ge [sflag:s17], $0x4000  }
0x6e: {  	[sflag:s17] =	ssyncset.done $0x0  }
0x6f: {  	[sflag:s17] =	ssyncadd.s32 $0xFFFFC000  }
0x70: {  	[tilespmem:s8], [sflag:$0x1] =	stream.indirect.gather [hbm4b:s5+s6], $0x80, s20, s6, $0xb8;
	[tilespmem:$0x10400] =	vst v63  }
0x71: {  	_ =	swait.ge [sflag:s17], $0x4000  }
0x72: {  	[sflag:s17] =	ssyncset.done $0x0  }
0x73: {  	[sflag:s17] =	ssyncadd.s32 $0xFFFFC000  }
0x74: {  	[tilespmem:s10], [sflag:$0x1] =	stream.indirect.gather [hbm4b:s5+s6], $0x80, s21, s6, $0xb8;
	[tilespmem:$0x10400] =	vst v63  }
0x75: {  	_ =	swait.ge [sflag:s17], $0x4000  }
0x76: {  	[sflag:s17] =	ssyncset.done $0x0  }
0x77: {  	[sflag:s17] =	ssyncadd.s32 $0xFFFFC000  }
0x78: {  	[tilespmem:s12], [sflag:$0x1] =	stream.indirect.gather [hbm4b:s5+s6], $0x80, s22, s6, $0xb8;
	[tilespmem:$0x10400] =	vst v63  }
0x79: {  	_ =	swait.ge [sflag:s13], $0x4000  }
0x7a: {  	[sflag:s13] =	ssyncset.done $0x0  }
0x7b: {  	[sflag:s13] =	ssyncadd.s32 $0xFFFFC000  }
0x7c: {  	[hbm4b:s23+s2] =	stream.linear.scatter [tilespmem:s7], [sflag:$0x2], $0x4000, $0x38;
	[tilespmem:$0x10400] =	vst v63  }
0x7d: {  	_ =	swait.ge [sflag:s13], $0x4000  }
0x7e: {  	[sflag:s13] =	ssyncset.done $0x0  }
0x7f: {  	[sflag:s13] =	ssyncadd.s32 $0xFFFFC000  }
0x80: {  	[hbm4b:s24+s2] =	stream.linear.scatter [tilespmem:s8], [sflag:$0x2], $0x4000, $0x38;
	[tilespmem:$0x10400] =	vst v63  }
0x81: {  	_ =	swait.ge [sflag:s13], $0x4000  }
0x82: {  	[sflag:s13] =	ssyncset.done $0x0  }
0x83: {  	[sflag:s13] =	ssyncadd.s32 $0xFFFFC000  }
0x84: {  	[hbm4b:s25+s2] =	stream.linear.scatter [tilespmem:s10], [sflag:$0x2], $0x4000, $0x38;
	[tilespmem:$0x10400] =	vst v63  }
0x85: {  	_ =	swait.ge [sflag:s13], $0x4000  }
0x86: {  	[sflag:s13] =	ssyncset.done $0x0  }
0x87: {  	[sflag:s13] =	ssyncadd.s32 $0xFFFFC000  }
0x88: {  	[hbm4b:s26+s2] =	stream.linear.scatter [tilespmem:s12], [sflag:$0x2], $0x4000, $0x38;
	[tilespmem:$0x10400] =	vst v63  }
0x89: {  	_ =	swait.ge [sflag:s17], $0x4000  }
0x8a: {  	[sflag:s17] =	ssyncset.done $0x0  }
0x8b: {  	[sflag:s17] =	ssyncadd.s32 $0xFFFFC000  }
0x8c: {  	_ =	swait.ge [sflag:s17], $0x4000  }
0x8d: {  	[sflag:s17] =	ssyncset.done $0x0  }
0x8e: {  	[sflag:s17] =	ssyncadd.s32 $0xFFFFC000  }
.Ltmp1:
0x8f: {  	_ =	swait.ge [sflag:s17], $0x4000;
	(pc) =	sbr.rel @p0 .LBB2_1-.Ltmp1, $4  }
0x90: {  	[sflag:s17] =	ssyncset.done $0x0  }
0x91: {  	[sflag:s17] =	ssyncadd.s32 $0xFFFFC000  }
0x92: {  	_ =	swait.ge [sflag:s17], $0x4000  }
0x93: {  	[sflag:s17] =	ssyncset.done $0x0  }
.LBB2_2:
0x94: {  	[sflag:s17] =	ssyncadd.s32 $0xFFFFC000  }
0x95: {  	_ =	sfence.sel $0x180000  }
0x96: {  	[bflag:$0x0] =	sbarrier.arrive $0xFFFF  }
0x97: {  	p0 =	sne.s32 s0, $0x0;
	_ =	strace $0x9000004A  }
0x98: {  	s0 =	sadd.s32 @!p0 $0x100000, s1;
	[bflag:$0x2] =	sbarrier.arrive $0xFFFF  }
0x99: {  	[sflag:s0] =	ssyncadd.tile.s32 @!p0 $0x1;
	_ =	shalt  }
.Lfunc_end2:
_tile_overlayer_lowered:
.L_overlay_start_2:
0x9a: {  	(tag) =	ssettag $0x2  }
0x9b: {  	s0 =	rddreg [dreg:$0x0];
	s2 =	stileid.u32  }
0x9c: {  	s1 =	rddreg [dreg:$0x1];
	p0 =	sne.s32 s2, $0x0  }
0x9d: {  	s3 =	rddreg [dreg:$0x2];
	[bflag:$0x3] =	sbarrier.arrive $0xFFFF;
	s2 =	simm.s32 @!p0 $0x1C03  }
0x9e: {  	[timem:s3], [sflag:s2] =	dma.local @!p0 [hbm:s0], s1  }
0x9f: {  	s0 =	simm.s32 @!p0 $0x3  }
0xa0: {  	_ =	swait.ge @!p0 [sflag:s0], s1  }
0xa1: {  	s1 =	ssub.s32 @!p0 $0x0, s1;
	[sflag:s0] =	ssyncset.done @!p0 $0x0  }
0xa2: {  	[sflag:s0] =	ssyncadd.s32 @!p0 s1  }
0xa3: {  	[bflag:$0x3] =	sbarrier.arrive $0xFFFF  }
0xa4: {  	_ =	shalt  }

</sc_bundles>
